<compile_context>
chip_gen: v7x
topology: tpu7x:2x2x1
jax: 0.10.2.dev20260603
libtpu: 0.0.44.dev20260713+nightly
codegen_flags: <defaults>
</compile_context>

<pallas_src>
import functools

import jax
import jax.numpy as jnp
from jax import lax
from jax.experimental import pallas as pl
from jax.experimental.pallas import tpu as pltpu
from jax.experimental.pallas import tpu_sc as plsc

R = 128
N = 32768
K_SEL = 32
L = 16
NC = 2
NS = 16
NW = NC * NS
ROWS_PW = R // NW
CHUNK = 16384
NCHUNK = N // CHUNK
VPB = 32
NBLK = CHUNK // (L * VPB)

_GDN = lax.GatherDimensionNumbers(
    offset_dims=(), collapsed_slice_dims=(0,), start_index_map=(0,)
)


def _lane():
    return lax.iota(jnp.int32, L)


def _make_idx():
    lane = _lane()
    X = {j: (lane ^ j)[:, None] for j in (1, 2, 4, 8)}
    sortpre = []
    sp = 1
    for p in (2, 4, 8, 16):
        j = p // 2
        sj = sp - 1
        while j >= 1:
            sortpre.append((j, ((lane >> sj) ^ (lane >> sp)) & 1))
            j //= 2
            sj -= 1
        sp += 1
    X["sortpre"] = tuple(sortpre)
    X["mergepre"] = tuple((j, lane & j) for j in (8, 4, 2, 1))
    return X


def _shuffle(X, v, j):
    return lax.gather(
        v, X[j], _GDN, (1,), mode=lax.GatherScatterMode.PROMISE_IN_BOUNDS
    )


def _ce(X, v, j, take_min):
    pv = _shuffle(X, v, j)
    return jnp.where(take_min, jnp.minimum(v, pv), jnp.maximum(v, pv))


def _sort16(X, v):
    for j, pre in X["sortpre"]:
        v = _ce(X, v, j, pre == 0)
    return v


def _bitonic_merge16(X, v):
    for j, pre in X["mergepre"]:
        v = _ce(X, v, j, pre == 0)
    return v


def _lane_max(X, v):
    for j in (8, 4, 2, 1):
        v = jnp.maximum(v, _shuffle(X, v, j))
    return v


def _lane_or(X, v):
    for j in (8, 4, 2, 1):
        v = v | _shuffle(X, v, j)
    return v


def _lane_sum(X, v):
    for j in (8, 4, 2, 1):
        v = v + _shuffle(X, v, j)
    return v


def _merge_topk(X, a0, a1, v):
    rv = lax.rev(_sort16(X, v), (0,))
    mlo = jnp.maximum(a0, rv)
    n0 = jnp.minimum(mlo, a1)
    n1 = jnp.maximum(mlo, a1)
    return _bitonic_merge16(X, n0), _bitonic_merge16(X, n1)


_sc_mesh = plsc.VectorSubcoreMesh(core_axis_name="c", subcore_axis_name="s")


@functools.partial(
    pl.kernel,
    out_type=jax.ShapeDtypeStruct((NW * L,), jnp.float32),
    mesh=_sc_mesh,
    scratch_types=[
        pltpu.VMEM((CHUNK,), jnp.float32),
        pltpu.VMEM((CHUNK,), jnp.float32),
        pltpu.VMEM((2 * L,), jnp.float32),
        pltpu.VMEM((L,), jnp.float32),
        pltpu.SemaphoreType.DMA,
        pltpu.SemaphoreType.DMA,
    ],
)
def _topk_mean_sc(x_hbm, out_hbm, buf0, buf1, topv, means_v, sem0, sem1):
    cid = lax.axis_index("c")
    sid = lax.axis_index("s")
    wid = sid * NC + cid
    X = _make_idx()

    means_v[...] = jnp.zeros((L,), jnp.float32)
    bufs = (buf0, buf1)
    sems = (sem0, sem1)

    def _run_chunk(buf, thr0):

        def blk_fn(b, thr):
            base = b * (VPB * L)
            vs = [buf[pl.ds(base + j * L, L)] for j in range(VPB)]
            t = vs
            while len(t) > 1:
                t = [jnp.maximum(t[i], t[i + 1]) for i in range(0, len(t), 2)]
            hit = _lane_max(X, t[0])[0] > thr

            def _process(thr_in):
                thr_splat = jnp.full((L,), thr_in, jnp.float32)
                bmv = jnp.zeros((L,), jnp.int32)
                for j in range(VPB):
                    v = buf[pl.ds(base + j * L, L)]
                    bit = (1 << j) if j < 31 else -(1 << 31)
                    bmv = bmv | jnp.where(
                        v > thr_splat, jnp.int32(bit), jnp.int32(0)
                    )
                bm_splat = _lane_or(X, bmv)
                bm = bm_splat[0]
                lane = _lane()
                bits = ((bm_splat >> lane) & 1) + ((bm_splat >> (lane + 16)) & 1)
                cnt = _lane_sum(X, bits)[0]

                int_min = jnp.int32(-(1 << 31))

                def w_body(_, st):
                    bm_c, _thr = st
                    lowbit = bm_c & (-bm_c)
                    fbits = lax.bitcast_convert_type(
                        lowbit.astype(jnp.float32), jnp.int32
                    )
                    j = jnp.where(
                        lowbit == int_min, jnp.int32(31), (fbits >> 23) - 127
                    )
                    v = buf[pl.ds(base + j * L, L)]
                    a0 = topv[pl.ds(0, L)]
                    a1 = topv[pl.ds(L, L)]
                    n0, n1 = _merge_topk(X, a0, a1, v)
                    topv[pl.ds(0, L)] = n0
                    topv[pl.ds(L, L)] = n1
                    return bm_c & (bm_c - 1), n0[0]

                out = lax.fori_loop(0, cnt, w_body, (bm, thr_in))
                return out[1]

            return lax.cond(hit, _process, lambda t: t, thr)

        return lax.fori_loop(0, NBLK, blk_fn, thr0)

    def row_fn(r, carry):
        rowbase = (wid * ROWS_PW + r) * N
        neg = jnp.full((L,), -jnp.inf, jnp.float32)
        topv[pl.ds(0, L)] = neg
        topv[pl.ds(L, L)] = neg

        copies = [None] * NCHUNK
        copies[0] = pltpu.async_copy(
            x_hbm.at[pl.ds(rowbase, CHUNK)], bufs[0], sems[0]
        )
        thr = jnp.float32(-jnp.inf)
        for c in range(NCHUNK):
            copies[c].wait()
            if c + 1 < NCHUNK:
                copies[c + 1] = pltpu.async_copy(
                    x_hbm.at[pl.ds(rowbase + (c + 1) * CHUNK, CHUNK)],
                    bufs[(c + 1) % 2],
                    sems[(c + 1) % 2],
                )
            thr = _run_chunk(bufs[c % 2], thr)

        a0 = topv[pl.ds(0, L)]
        a1 = topv[pl.ds(L, L)]
        mean = _lane_sum(X, a0 + a1) * jnp.float32(1.0 / K_SEL)
        means_v[...] = jnp.where(_lane() == r, mean, means_v[...])
        return carry

    lax.fori_loop(0, ROWS_PW, row_fn, 0)
    pltpu.sync_copy(means_v, out_hbm.at[pl.ds(wid * L, L)])


def kernel(x):
    out = _topk_mean_sc(x.reshape(R * N))
    return out.reshape(NW, L)[:, :ROWS_PW].reshape(R)

# --- scband reference (transcript-rebuilt; emitter-appended) ---
"""Pipeline reference for scband-top-kaverage-81604378624392 (READ-ONLY COPY).

The authoritative reference and input builder live on the scoring server;
editing this copy changes nothing except your own understanding.
"""

import jax, jax.numpy as jnp
import numpy as np

K_TOP = 32

def setup_inputs(seed: int = 0) -> dict:
    key = jax.random.key(seed)
    x = jax.random.normal(key, (128, 32768), dtype=jnp.float32)
    return {"x": x}

def reference(x) -> jnp.ndarray:
    # TopKAverage: take top-k along last axis (unsorted order is irrelevant for mean), then mean
    vals, _ = jax.lax.top_k(x, K_TOP)
    return jnp.mean(vals, axis=-1)

if __name__ == "__main__":
    import jax
    _d = setup_inputs()
    print(jax.jit(kernel)(*tuple(_d.values())))

</pallas_src>

<mosaic_0001>
#map = affine_map<(d0, d1) -> (0)>
module attributes {stable_mosaic.version = 14 : i64} {
  func.func @_topk_mean_sc(%arg0: i32, %arg1: i32, %arg2: memref<4194304xf32, #tpu.memory_space<hbm>>, %arg3: memref<512xf32, #tpu.memory_space<hbm>>, %arg4: memref<16384xf32, #tpu.memory_space<vmem>>, %arg5: memref<16384xf32, #tpu.memory_space<vmem>>, %arg6: memref<32xf32, #tpu.memory_space<vmem>>, %arg7: memref<16xf32, #tpu.memory_space<vmem>>, %arg8: memref<!tpu.dma_semaphore, #tpu.memory_space<semaphore_mem>>, %arg9: memref<!tpu.dma_semaphore, #tpu.memory_space<semaphore_mem>>) attributes {dimension_semantics = [#tpu.dimension_semantics<core_parallel>, #tpu.dimension_semantics<subcore_parallel>], iteration_bounds = array<i64: 2, 16>, scalar_prefetch = 0 : i64, scratch_operands = 6 : i64, tpu.core_type = #tpu.core_type<sc_vector_subcore>, window_params = [{transform_indices = #map}, {transform_indices = #map}]} {
    %mul3A = arith.constant 2 : i32
    %mul3A_0 = arith.muli %arg1, %mul3A : i32
    %add3A = arith.addi %mul3A_0, %arg0 : i32
    %iota3A = tpu.iota {dimensions = array<i32: 0>} : vector<16xi32>
    %xor3A = arith.constant 1 : i32
    %xor3A_1 = vector.broadcast %xor3A : i32 to vector<16xi32>
    %xor3A_2 = arith.xori %iota3A, %xor3A_1 : vector<16xi32>
    %broadcast_in_dim3A = vector.shape_cast %xor3A_2 : vector<16xi32> to vector<16x1xi32>
    %xor3A_3 = arith.constant 2 : i32
    %xor3A_4 = vector.broadcast %xor3A_3 : i32 to vector<16xi32>
    %xor3A_5 = arith.xori %iota3A, %xor3A_4 : vector<16xi32>
    %broadcast_in_dim3A_6 = vector.shape_cast %xor3A_5 : vector<16xi32> to vector<16x1xi32>
    %xor3A_7 = arith.constant 4 : i32
    %xor3A_8 = vector.broadcast %xor3A_7 : i32 to vector<16xi32>
    %xor3A_9 = arith.xori %iota3A, %xor3A_8 : vector<16xi32>
    %broadcast_in_dim3A_10 = vector.shape_cast %xor3A_9 : vector<16xi32> to vector<16x1xi32>
    %xor3A_11 = arith.constant 8 : i32
    %xor3A_12 = vector.broadcast %xor3A_11 : i32 to vector<16xi32>
    %xor3A_13 = arith.xori %iota3A, %xor3A_12 : vector<16xi32>
    %broadcast_in_dim3A_14 = vector.shape_cast %xor3A_13 : vector<16xi32> to vector<16x1xi32>
    %shift_right_arithmetic3A = arith.constant 0 : i32
    %shift_right_arithmetic3A_15 = vector.broadcast %shift_right_arithmetic3A : i32 to vector<16xi32>
    %shift_right_arithmetic3A_16 = arith.shrsi %iota3A, %shift_right_arithmetic3A_15 : vector<16xi32>
    %shift_right_arithmetic3A_17 = arith.constant 1 : i32
    %shift_right_arithmetic3A_18 = vector.broadcast %shift_right_arithmetic3A_17 : i32 to vector<16xi32>
    %shift_right_arithmetic3A_19 = arith.shrsi %iota3A, %shift_right_arithmetic3A_18 : vector<16xi32>
    %xor3A_20 = arith.xori %shift_right_arithmetic3A_16, %shift_right_arithmetic3A_19 : vector<16xi32>
    %and3A = arith.constant 1 : i32
    %and3A_21 = vector.broadcast %and3A : i32 to vector<16xi32>
    %and3A_22 = arith.andi %xor3A_20, %and3A_21 : vector<16xi32>
    %shift_right_arithmetic3A_23 = arith.constant 1 : i32
    %shift_right_arithmetic3A_24 = vector.broadcast %shift_right_arithmetic3A_23 : i32 to vector<16xi32>
    %shift_right_arithmetic3A_25 = arith.shrsi %iota3A, %shift_right_arithmetic3A_24 : vector<16xi32>
    %shift_right_arithmetic3A_26 = arith.constant 2 : i32
    %shift_right_arithmetic3A_27 = vector.broadcast %shift_right_arithmetic3A_26 : i32 to vector<16xi32>
    %shift_right_arithmetic3A_28 = arith.shrsi %iota3A, %shift_right_arithmetic3A_27 : vector<16xi32>
    %xor3A_29 = arith.xori %shift_right_arithmetic3A_25, %shift_right_arithmetic3A_28 : vector<16xi32>
    %and3A_30 = arith.constant 1 : i32
    %and3A_31 = vector.broadcast %and3A_30 : i32 to vector<16xi32>
    %and3A_32 = arith.andi %xor3A_29, %and3A_31 : vector<16xi32>
    %shift_right_arithmetic3A_33 = arith.constant 0 : i32
    %shift_right_arithmetic3A_34 = vector.broadcast %shift_right_arithmetic3A_33 : i32 to vector<16xi32>
    %shift_right_arithmetic3A_35 = arith.shrsi %iota3A, %shift_right_arithmetic3A_34 : vector<16xi32>
    %shift_right_arithmetic3A_36 = arith.constant 2 : i32
    %shift_right_arithmetic3A_37 = vector.broadcast %shift_right_arithmetic3A_36 : i32 to vector<16xi32>
    %shift_right_arithmetic3A_38 = arith.shrsi %iota3A, %shift_right_arithmetic3A_37 : vector<16xi32>
    %xor3A_39 = arith.xori %shift_right_arithmetic3A_35, %shift_right_arithmetic3A_38 : vector<16xi32>
    %and3A_40 = arith.constant 1 : i32
    %and3A_41 = vector.broadcast %and3A_40 : i32 to vector<16xi32>
    %and3A_42 = arith.andi %xor3A_39, %and3A_41 : vector<16xi32>
    %shift_right_arithmetic3A_43 = arith.constant 2 : i32
    %shift_right_arithmetic3A_44 = vector.broadcast %shift_right_arithmetic3A_43 : i32 to vector<16xi32>
    %shift_right_arithmetic3A_45 = arith.shrsi %iota3A, %shift_right_arithmetic3A_44 : vector<16xi32>
    %shift_right_arithmetic3A_46 = arith.constant 3 : i32
    %shift_right_arithmetic3A_47 = vector.broadcast %shift_right_arithmetic3A_46 : i32 to vector<16xi32>
    %shift_right_arithmetic3A_48 = arith.shrsi %iota3A, %shift_right_arithmetic3A_47 : vector<16xi32>
    %xor3A_49 = arith.xori %shift_right_arithmetic3A_45, %shift_right_arithmetic3A_48 : vector<16xi32>
    %and3A_50 = arith.constant 1 : i32
    %and3A_51 = vector.broadcast %and3A_50 : i32 to vector<16xi32>
    %and3A_52 = arith.andi %xor3A_49, %and3A_51 : vector<16xi32>
    %shift_right_arithmetic3A_53 = arith.constant 1 : i32
    %shift_right_arithmetic3A_54 = vector.broadcast %shift_right_arithmetic3A_53 : i32 to vector<16xi32>
    %shift_right_arithmetic3A_55 = arith.shrsi %iota3A, %shift_right_arithmetic3A_54 : vector<16xi32>
    %shift_right_arithmetic3A_56 = arith.constant 3 : i32
    %shift_right_arithmetic3A_57 = vector.broadcast %shift_right_arithmetic3A_56 : i32 to vector<16xi32>
    %shift_right_arithmetic3A_58 = arith.shrsi %iota3A, %shift_right_arithmetic3A_57 : vector<16xi32>
    %xor3A_59 = arith.xori %shift_right_arithmetic3A_55, %shift_right_arithmetic3A_58 : vector<16xi32>
    %and3A_60 = arith.constant 1 : i32
    %and3A_61 = vector.broadcast %and3A_60 : i32 to vector<16xi32>
    %and3A_62 = arith.andi %xor3A_59, %and3A_61 : vector<16xi32>
    %shift_right_arithmetic3A_63 = arith.constant 0 : i32
    %shift_right_arithmetic3A_64 = vector.broadcast %shift_right_arithmetic3A_63 : i32 to vector<16xi32>
    %shift_right_arithmetic3A_65 = arith.shrsi %iota3A, %shift_right_arithmetic3A_64 : vector<16xi32>
    %shift_right_arithmetic3A_66 = arith.constant 3 : i32
    %shift_right_arithmetic3A_67 = vector.broadcast %shift_right_arithmetic3A_66 : i32 to vector<16xi32>
    %shift_right_arithmetic3A_68 = arith.shrsi %iota3A, %shift_right_arithmetic3A_67 : vector<16xi32>
    %xor3A_69 = arith.xori %shift_right_arithmetic3A_65, %shift_right_arithmetic3A_68 : vector<16xi32>
    %and3A_70 = arith.constant 1 : i32
    %and3A_71 = vector.broadcast %and3A_70 : i32 to vector<16xi32>
    %and3A_72 = arith.andi %xor3A_69, %and3A_71 : vector<16xi32>
    %shift_right_arithmetic3A_73 = arith.constant 3 : i32
    %shift_right_arithmetic3A_74 = vector.broadcast %shift_right_arithmetic3A_73 : i32 to vector<16xi32>
    %shift_right_arithmetic3A_75 = arith.shrsi %iota3A, %shift_right_arithmetic3A_74 : vector<16xi32>
    %shift_right_arithmetic3A_76 = arith.constant 4 : i32
    %shift_right_arithmetic3A_77 = vector.broadcast %shift_right_arithmetic3A_76 : i32 to vector<16xi32>
    %shift_right_arithmetic3A_78 = arith.shrsi %iota3A, %shift_right_arithmetic3A_77 : vector<16xi32>
    %xor3A_79 = arith.xori %shift_right_arithmetic3A_75, %shift_right_arithmetic3A_78 : vector<16xi32>
    %and3A_80 = arith.constant 1 : i32
    %and3A_81 = vector.broadcast %and3A_80 : i32 to vector<16xi32>
    %and3A_82 = arith.andi %xor3A_79, %and3A_81 : vector<16xi32>
    %shift_right_arithmetic3A_83 = arith.constant 2 : i32
    %shift_right_arithmetic3A_84 = vector.broadcast %shift_right_arithmetic3A_83 : i32 to vector<16xi32>
    %shift_right_arithmetic3A_85 = arith.shrsi %iota3A, %shift_right_arithmetic3A_84 : vector<16xi32>
    %shift_right_arithmetic3A_86 = arith.constant 4 : i32
    %shift_right_arithmetic3A_87 = vector.broadcast %shift_right_arithmetic3A_86 : i32 to vector<16xi32>
    %shift_right_arithmetic3A_88 = arith.shrsi %iota3A, %shift_right_arithmetic3A_87 : vector<16xi32>
    %xor3A_89 = arith.xori %shift_right_arithmetic3A_85, %shift_right_arithmetic3A_88 : vector<16xi32>
    %and3A_90 = arith.constant 1 : i32
    %and3A_91 = vector.broadcast %and3A_90 : i32 to vector<16xi32>
    %and3A_92 = arith.andi %xor3A_89, %and3A_91 : vector<16xi32>
    %shift_right_arithmetic3A_93 = arith.constant 1 : i32
    %shift_right_arithmetic3A_94 = vector.broadcast %shift_right_arithmetic3A_93 : i32 to vector<16xi32>
    %shift_right_arithmetic3A_95 = arith.shrsi %iota3A, %shift_right_arithmetic3A_94 : vector<16xi32>
    %shift_right_arithmetic3A_96 = arith.constant 4 : i32
    %shift_right_arithmetic3A_97 = vector.broadcast %shift_right_arithmetic3A_96 : i32 to vector<16xi32>
    %shift_right_arithmetic3A_98 = arith.shrsi %iota3A, %shift_right_arithmetic3A_97 : vector<16xi32>
    %xor3A_99 = arith.xori %shift_right_arithmetic3A_95, %shift_right_arithmetic3A_98 : vector<16xi32>
    %and3A_100 = arith.constant 1 : i32
    %and3A_101 = vector.broadcast %and3A_100 : i32 to vector<16xi32>
    %and3A_102 = arith.andi %xor3A_99, %and3A_101 : vector<16xi32>
    %shift_right_arithmetic3A_103 = arith.constant 0 : i32
    %shift_right_arithmetic3A_104 = vector.broadcast %shift_right_arithmetic3A_103 : i32 to vector<16xi32>
    %shift_right_arithmetic3A_105 = arith.shrsi %iota3A, %shift_right_arithmetic3A_104 : vector<16xi32>
    %shift_right_arithmetic3A_106 = arith.constant 4 : i32
    %shift_right_arithmetic3A_107 = vector.broadcast %shift_right_arithmetic3A_106 : i32 to vector<16xi32>
    %shift_right_arithmetic3A_108 = arith.shrsi %iota3A, %shift_right_arithmetic3A_107 : vector<16xi32>
    %xor3A_109 = arith.xori %shift_right_arithmetic3A_105, %shift_right_arithmetic3A_108 : vector<16xi32>
    %and3A_110 = arith.constant 1 : i32
    %and3A_111 = vector.broadcast %and3A_110 : i32 to vector<16xi32>
    %and3A_112 = arith.andi %xor3A_109, %and3A_111 : vector<16xi32>
    %and3A_113 = arith.constant 8 : i32
    %and3A_114 = vector.broadcast %and3A_113 : i32 to vector<16xi32>
    %and3A_115 = arith.andi %iota3A, %and3A_114 : vector<16xi32>
    %and3A_116 = arith.constant 4 : i32
    %and3A_117 = vector.broadcast %and3A_116 : i32 to vector<16xi32>
    %and3A_118 = arith.andi %iota3A, %and3A_117 : vector<16xi32>
    %and3A_119 = arith.constant 2 : i32
    %and3A_120 = vector.broadcast %and3A_119 : i32 to vector<16xi32>
    %and3A_121 = arith.andi %iota3A, %and3A_120 : vector<16xi32>
    %and3A_122 = arith.constant 1 : i32
    %and3A_123 = vector.broadcast %and3A_122 : i32 to vector<16xi32>
    %and3A_124 = arith.andi %iota3A, %and3A_123 : vector<16xi32>
    %broadcast_in_dim3A_125 = arith.constant 0.000000e+00 : f32
    %broadcast_in_dim3A_126 = vector.broadcast %broadcast_in_dim3A_125 : f32 to vector<16xf32>
    %swap3A = arith.constant 0 : index
    %swap3A_127 = tpu.vector_load %arg7[%swap3A] {strides = array<i32>} : memref<16xf32, #tpu.memory_space<vmem>>, vector<16xf32>,
    %swap3A_128 = vector.shape_cast %swap3A_127 : vector<16xf32> to vector<16xf32>
    %swap3A_129 = vector.shape_cast %broadcast_in_dim3A_126 : vector<16xf32> to vector<16xf32>
    tpu.vector_store %arg7[%swap3A], %swap3A_129 {strides = array<i32>} : memref<16xf32, #tpu.memory_space<vmem>>, vector<16xf32>,
    %scan3A = arith.constant 0 : i32
    %scan3A_130 = arith.constant 0 : i32
    %scan3A_131 = arith.constant 4 : i32
    %scan3A_132 = arith.addi %scan3A_130, %scan3A_131 : i32
    %scan3A_133 = arith.constant 1 : i32
    scf.for %scan3A_137 = %scan3A_130 to %scan3A_132 step %scan3A_133  : i32 {
      %mul3A_138 = arith.constant 4 : i32
      %mul3A_139 = arith.muli %add3A, %mul3A_138 : i32
      %add3A_140 = arith.addi %mul3A_139, %scan3A_137 : i32
      %mul3A_141 = arith.constant 32768 : i32
      %mul3A_142 = arith.muli %add3A_140, %mul3A_141 : i32
      %broadcast_in_dim3A_143 = arith.constant 0xFF800000 : f32
      %broadcast_in_dim3A_144 = vector.broadcast %broadcast_in_dim3A_143 : f32 to vector<16xf32>
      %swap3A_145 = arith.constant 0 : index
      %swap3A_146 = tpu.vector_load %arg6[%swap3A_145] {strides = array<i32>} : memref<32xf32, #tpu.memory_space<vmem>>, vector<16xf32>,
      %swap3A_147 = vector.shape_cast %swap3A_146 : vector<16xf32> to vector<16xf32>
      %swap3A_148 = vector.shape_cast %broadcast_in_dim3A_144 : vector<16xf32> to vector<16xf32>
      tpu.vector_store %arg6[%swap3A_145], %swap3A_148 {strides = array<i32>} : memref<32xf32, #tpu.memory_space<vmem>>, vector<16xf32>,
      %swap3A_149 = arith.constant 16 : index
      %swap3A_150 = tpu.vector_load %arg6[%swap3A_149] {strides = array<i32>} : memref<32xf32, #tpu.memory_space<vmem>>, vector<16xf32>,
      %swap3A_151 = vector.shape_cast %swap3A_150 : vector<16xf32> to vector<16xf32>
      %swap3A_152 = vector.shape_cast %broadcast_in_dim3A_144 : vector<16xf32> to vector<16xf32>
      tpu.vector_store %arg6[%swap3A_149], %swap3A_152 {strides = array<i32>} : memref<32xf32, #tpu.memory_space<vmem>>, vector<16xf32>,
      %dma_start3A = tpu.memref_slice %arg2[%mul3A_142] : memref<4194304xf32, #tpu.memory_space<hbm>> -> memref<16384xf32, #tpu.memory_space<hbm>>
      %dma_start3A_153 = tpu.memref_slice %arg2[%mul3A_142] : memref<4194304xf32, #tpu.memory_space<hbm>> -> memref<16384xf32, #tpu.memory_space<hbm>>
      tpu.enqueue_dma source(%dma_start3A_153 : memref<16384xf32, #tpu.memory_space<hbm>>) target(%arg4 : memref<16384xf32, #tpu.memory_space<vmem>>) target_semaphore(%arg8 : memref<!tpu.dma_semaphore, #tpu.memory_space<semaphore_mem>>)
      %dma_wait3A = tpu.memref_slice %arg2[%mul3A_142] : memref<4194304xf32, #tpu.memory_space<hbm>> -> memref<16384xf32, #tpu.memory_space<hbm>>
      %dma_wait3A_154 = tpu.memref_slice %arg2[%mul3A_142] : memref<4194304xf32, #tpu.memory_space<hbm>> -> memref<16384xf32, #tpu.memory_space<hbm>>
      tpu.wait_dma2 semaphore(%arg8 : memref<!tpu.dma_semaphore, #tpu.memory_space<semaphore_mem>>) src(%dma_wait3A_154 : memref<16384xf32, #tpu.memory_space<hbm>>) dst(%arg4 : memref<16384xf32, #tpu.memory_space<vmem>>)
      %add3A_155 = arith.constant 16384 : i32
      %add3A_156 = arith.addi %mul3A_142, %add3A_155 : i32
      %dma_start3A_157 = tpu.memref_slice %arg2[%add3A_156] : memref<4194304xf32, #tpu.memory_space<hbm>> -> memref<16384xf32, #tpu.memory_space<hbm>>
      %dma_start3A_158 = tpu.memref_slice %arg2[%add3A_156] : memref<4194304xf32, #tpu.memory_space<hbm>> -> memref<16384xf32, #tpu.memory_space<hbm>>
      tpu.enqueue_dma source(%dma_start3A_158 : memref<16384xf32, #tpu.memory_space<hbm>>) target(%arg5 : memref<16384xf32, #tpu.memory_space<vmem>>) target_semaphore(%arg9 : memref<!tpu.dma_semaphore, #tpu.memory_space<semaphore_mem>>)
      %scan3A_159 = arith.constant 0xFF800000 : f32
      %scan3A_160 = arith.constant 0 : i32
      %scan3A_161 = arith.constant 32 : i32
      %scan3A_162 = arith.addi %scan3A_160, %scan3A_161 : i32
      %scan3A_163 = arith.constant 1 : i32
      %scan3A_164 = scf.for %scan3A_203 = %scan3A_160 to %scan3A_162 step %scan3A_163 iter_args(%scan3A_204 = %scan3A_159) -> (f32)  : i32 {
        %mul3A_205 = arith.constant 512 : i32
        %mul3A_206 = arith.muli %scan3A_203, %mul3A_205 : i32
        %add3A_207 = arith.constant 0 : i32
        %add3A_208 = arith.addi %mul3A_206, %add3A_207 : i32
        %get3A_209 = arith.index_cast %add3A_208 : i32 to index
        %get3A_210 = tpu.vector_load %arg4[%get3A_209] {strides = array<i32>} : memref<16384xf32, #tpu.memory_space<vmem>>, vector<16xf32>,
        %get3A_211 = vector.shape_cast %get3A_210 : vector<16xf32> to vector<16xf32>
        %add3A_212 = arith.constant 16 : i32
        %add3A_213 = arith.addi %mul3A_206, %add3A_212 : i32
        %get3A_214 = arith.index_cast %add3A_213 : i32 to index
        %get3A_215 = tpu.vector_load %arg4[%get3A_214] {strides = array<i32>} : memref<16384xf32, #tpu.memory_space<vmem>>, vector<16xf32>,
        %get3A_216 = vector.shape_cast %get3A_215 : vector<16xf32> to vector<16xf32>
        %add3A_217 = arith.constant 32 : i32
        %add3A_218 = arith.addi %mul3A_206, %add3A_217 : i32
        %get3A_219 = arith.index_cast %add3A_218 : i32 to index
        %get3A_220 = tpu.vector_load %arg4[%get3A_219] {strides = array<i32>} : memref<16384xf32, #tpu.memory_space<vmem>>, vector<16xf32>,
        %get3A_221 = vector.shape_cast %get3A_220 : vector<16xf32> to vector<16xf32>
        %add3A_222 = arith.constant 48 : i32
        %add3A_223 = arith.addi %mul3A_206, %add3A_222 : i32
        %get3A_224 = arith.index_cast %add3A_223 : i32 to index
        %get3A_225 = tpu.vector_load %arg4[%get3A_224] {strides = array<i32>} : memref<16384xf32, #tpu.memory_space<vmem>>, vector<16xf32>,
        %get3A_226 = vector.shape_cast %get3A_225 : vector<16xf32> to vector<16xf32>
        %add3A_227 = arith.constant 64 : i32
        %add3A_228 = arith.addi %mul3A_206, %add3A_227 : i32
        %get3A_229 = arith.index_cast %add3A_228 : i32 to index
        %get3A_230 = tpu.vector_load %arg4[%get3A_229] {strides = array<i32>} : memref<16384xf32, #tpu.memory_space<vmem>>, vector<16xf32>,
        %get3A_231 = vector.shape_cast %get3A_230 : vector<16xf32> to vector<16xf32>
        %add3A_232 = arith.constant 80 : i32
        %add3A_233 = arith.addi %mul3A_206, %add3A_232 : i32
        %get3A_234 = arith.index_cast %add3A_233 : i32 to index
        %get3A_235 = tpu.vector_load %arg4[%get3A_234] {strides = array<i32>} : memref<16384xf32, #tpu.memory_space<vmem>>, vector<16xf32>,
        %get3A_236 = vector.shape_cast %get3A_235 : vector<16xf32> to vector<16xf32>
        %add3A_237 = arith.constant 96 : i32
        %add3A_238 = arith.addi %mul3A_206, %add3A_237 : i32
        %get3A_239 = arith.index_cast %add3A_238 : i32 to index
        %get3A_240 = tpu.vector_load %arg4[%get3A_239] {strides = array<i32>} : memref<16384xf32, #tpu.memory_space<vmem>>, vector<16xf32>,
        %get3A_241 = vector.shape_cast %get3A_240 : vector<16xf32> to vector<16xf32>
        %add3A_242 = arith.constant 112 : i32
        %add3A_243 = arith.addi %mul3A_206, %add3A_242 : i32
        %get3A_244 = arith.index_cast %add3A_243 : i32 to index
        %get3A_245 = tpu.vector_load %arg4[%get3A_244] {strides = array<i32>} : memref<16384xf32, #tpu.memory_space<vmem>>, vector<16xf32>,
        %get3A_246 = vector.shape_cast %get3A_245 : vector<16xf32> to vector<16xf32>
        %add3A_247 = arith.constant 128 : i32
        %add3A_248 = arith.addi %mul3A_206, %add3A_247 : i32
        %get3A_249 = arith.index_cast %add3A_248 : i32 to index
        %get3A_250 = tpu.vector_load %arg4[%get3A_249] {strides = array<i32>} : memref<16384xf32, #tpu.memory_space<vmem>>, vector<16xf32>,
        %get3A_251 = vector.shape_cast %get3A_250 : vector<16xf32> to vector<16xf32>
        %add3A_252 = arith.constant 144 : i32
        %add3A_253 = arith.addi %mul3A_206, %add3A_252 : i32
        %get3A_254 = arith.index_cast %add3A_253 : i32 to index
        %get3A_255 = tpu.vector_load %arg4[%get3A_254] {strides = array<i32>} : memref<16384xf32, #tpu.memory_space<vmem>>, vector<16xf32>,
        %get3A_256 = vector.shape_cast %get3A_255 : vector<16xf32> to vector<16xf32>
        %add3A_257 = arith.constant 160 : i32
        %add3A_258 = arith.addi %mul3A_206, %add3A_257 : i32
        %get3A_259 = arith.index_cast %add3A_258 : i32 to index
        %get3A_260 = tpu.vector_load %arg4[%get3A_259] {strides = array<i32>} : memref<16384xf32, #tpu.memory_space<vmem>>, vector<16xf32>,
        %get3A_261 = vector.shape_cast %get3A_260 : vector<16xf32> to vector<16xf32>
        %add3A_262 = arith.constant 176 : i32
        %add3A_263 = arith.addi %mul3A_206, %add3A_262 : i32
        %get3A_264 = arith.index_cast %add3A_263 : i32 to index
        %get3A_265 = tpu.vector_load %arg4[%get3A_264] {strides = array<i32>} : memref<16384xf32, #tpu.memory_space<vmem>>, vector<16xf32>,
        %get3A_266 = vector.shape_cast %get3A_265 : vector<16xf32> to vector<16xf32>
        %add3A_267 = arith.constant 192 : i32
        %add3A_268 = arith.addi %mul3A_206, %add3A_267 : i32
        %get3A_269 = arith.index_cast %add3A_268 : i32 to index
        %get3A_270 = tpu.vector_load %arg4[%get3A_269] {strides = array<i32>} : memref<16384xf32, #tpu.memory_space<vmem>>, vector<16xf32>,
        %get3A_271 = vector.shape_cast %get3A_270 : vector<16xf32> to vector<16xf32>
        %add3A_272 = arith.constant 208 : i32
        %add3A_273 = arith.addi %mul3A_206, %add3A_272 : i32
        %get3A_274 = arith.index_cast %add3A_273 : i32 to index
        %get3A_275 = tpu.vector_load %arg4[%get3A_274] {strides = array<i32>} : memref<16384xf32, #tpu.memory_space<vmem>>, vector<16xf32>,
        %get3A_276 = vector.shape_cast %get3A_275 : vector<16xf32> to vector<16xf32>
        %add3A_277 = arith.constant 224 : i32
        %add3A_278 = arith.addi %mul3A_206, %add3A_277 : i32
        %get3A_279 = arith.index_cast %add3A_278 : i32 to index
        %get3A_280 = tpu.vector_load %arg4[%get3A_279] {strides = array<i32>} : memref<16384xf32, #tpu.memory_space<vmem>>, vector<16xf32>,
        %get3A_281 = vector.shape_cast %get3A_280 : vector<16xf32> to vector<16xf32>
        %add3A_282 = arith.constant 240 : i32
        %add3A_283 = arith.addi %mul3A_206, %add3A_282 : i32
        %get3A_284 = arith.index_cast %add3A_283 : i32 to index
        %get3A_285 = tpu.vector_load %arg4[%get3A_284] {strides = array<i32>} : memref<16384xf32, #tpu.memory_space<vmem>>, vector<16xf32>,
        %get3A_286 = vector.shape_cast %get3A_285 : vector<16xf32> to vector<16xf32>
        %add3A_287 = arith.constant 256 : i32
        %add3A_288 = arith.addi %mul3A_206, %add3A_287 : i32
        %get3A_289 = arith.index_cast %add3A_288 : i32 to index
        %get3A_290 = tpu.vector_load %arg4[%get3A_289] {strides = array<i32>} : memref<16384xf32, #tpu.memory_space<vmem>>, vector<16xf32>,
        %get3A_291 = vector.shape_cast %get3A_290 : vector<16xf32> to vector<16xf32>
        %add3A_292 = arith.constant 272 : i32
        %add3A_293 = arith.addi %mul3A_206, %add3A_292 : i32
        %get3A_294 = arith.index_cast %add3A_293 : i32 to index
        %get3A_295 = tpu.vector_load %arg4[%get3A_294] {strides = array<i32>} : memref<16384xf32, #tpu.memory_space<vmem>>, vector<16xf32>,
        %get3A_296 = vector.shape_cast %get3A_295 : vector<16xf32> to vector<16xf32>
        %add3A_297 = arith.constant 288 : i32
        %add3A_298 = arith.addi %mul3A_206, %add3A_297 : i32
        %get3A_299 = arith.index_cast %add3A_298 : i32 to index
        %get3A_300 = tpu.vector_load %arg4[%get3A_299] {strides = array<i32>} : memref<16384xf32, #tpu.memory_space<vmem>>, vector<16xf32>,
        %get3A_301 = vector.shape_cast %get3A_300 : vector<16xf32> to vector<16xf32>
        %add3A_302 = arith.constant 304 : i32
        %add3A_303 = arith.addi %mul3A_206, %add3A_302 : i32
        %get3A_304 = arith.index_cast %add3A_303 : i32 to index
        %get3A_305 = tpu.vector_load %arg4[%get3A_304] {strides = array<i32>} : memref<16384xf32, #tpu.memory_space<vmem>>, vector<16xf32>,
        %get3A_306 = vector.shape_cast %get3A_305 : vector<16xf32> to vector<16xf32>
        %add3A_307 = arith.constant 320 : i32
        %add3A_308 = arith.addi %mul3A_206, %add3A_307 : i32
        %get3A_309 = arith.index_cast %add3A_308 : i32 to index
        %get3A_310 = tpu.vector_load %arg4[%get3A_309] {strides = array<i32>} : memref<16384xf32, #tpu.memory_space<vmem>>, vector<16xf32>,
        %get3A_311 = vector.shape_cast %get3A_310 : vector<16xf32> to vector<16xf32>
        %add3A_312 = arith.constant 336 : i32
        %add3A_313 = arith.addi %mul3A_206, %add3A_312 : i32
        %get3A_314 = arith.index_cast %add3A_313 : i32 to index
        %get3A_315 = tpu.vector_load %arg4[%get3A_314] {strides = array<i32>} : memref<16384xf32, #tpu.memory_space<vmem>>, vector<16xf32>,
        %get3A_316 = vector.shape_cast %get3A_315 : vector<16xf32> to vector<16xf32>
        %add3A_317 = arith.constant 352 : i32
        %add3A_318 = arith.addi %mul3A_206, %add3A_317 : i32
        %get3A_319 = arith.index_cast %add3A_318 : i32 to index
        %get3A_320 = tpu.vector_load %arg4[%get3A_319] {strides = array<i32>} : memref<16384xf32, #tpu.memory_space<vmem>>, vector<16xf32>,
        %get3A_321 = vector.shape_cast %get3A_320 : vector<16xf32> to vector<16xf32>
        %add3A_322 = arith.constant 368 : i32
        %add3A_323 = arith.addi %mul3A_206, %add3A_322 : i32
        %get3A_324 = arith.index_cast %add3A_323 : i32 to index
        %get3A_325 = tpu.vector_load %arg4[%get3A_324] {strides = array<i32>} : memref<16384xf32, #tpu.memory_space<vmem>>, vector<16xf32>,
        %get3A_326 = vector.shape_cast %get3A_325 : vector<16xf32> to vector<16xf32>
        %add3A_327 = arith.constant 384 : i32
        %add3A_328 = arith.addi %mul3A_206, %add3A_327 : i32
        %get3A_329 = arith.index_cast %add3A_328 : i32 to index
        %get3A_330 = tpu.vector_load %arg4[%get3A_329] {strides = array<i32>} : memref<16384xf32, #tpu.memory_space<vmem>>, vector<16xf32>,
        %get3A_331 = vector.shape_cast %get3A_330 : vector<16xf32> to vector<16xf32>
        %add3A_332 = arith.constant 400 : i32
        %add3A_333 = arith.addi %mul3A_206, %add3A_332 : i32
        %get3A_334 = arith.index_cast %add3A_333 : i32 to index
        %get3A_335 = tpu.vector_load %arg4[%get3A_334] {strides = array<i32>} : memref<16384xf32, #tpu.memory_space<vmem>>, vector<16xf32>,
        %get3A_336 = vector.shape_cast %get3A_335 : vector<16xf32> to vector<16xf32>
        %add3A_337 = arith.constant 416 : i32
        %add3A_338 = arith.addi %mul3A_206, %add3A_337 : i32
        %get3A_339 = arith.index_cast %add3A_338 : i32 to index
        %get3A_340 = tpu.vector_load %arg4[%get3A_339] {strides = array<i32>} : memref<16384xf32, #tpu.memory_space<vmem>>, vector<16xf32>,
        %get3A_341 = vector.shape_cast %get3A_340 : vector<16xf32> to vector<16xf32>
        %add3A_342 = arith.constant 432 : i32
        %add3A_343 = arith.addi %mul3A_206, %add3A_342 : i32
        %get3A_344 = arith.index_cast %add3A_343 : i32 to index
        %get3A_345 = tpu.vector_load %arg4[%get3A_344] {strides = array<i32>} : memref<16384xf32, #tpu.memory_space<vmem>>, vector<16xf32>,
        %get3A_346 = vector.shape_cast %get3A_345 : vector<16xf32> to vector<16xf32>
        %add3A_347 = arith.constant 448 : i32
        %add3A_348 = arith.addi %mul3A_206, %add3A_347 : i32
        %get3A_349 = arith.index_cast %add3A_348 : i32 to index
        %get3A_350 = tpu.vector_load %arg4[%get3A_349] {strides = array<i32>} : memref<16384xf32, #tpu.memory_space<vmem>>, vector<16xf32>,
        %get3A_351 = vector.shape_cast %get3A_350 : vector<16xf32> to vector<16xf32>
        %add3A_352 = arith.constant 464 : i32
        %add3A_353 = arith.addi %mul3A_206, %add3A_352 : i32
        %get3A_354 = arith.index_cast %add3A_353 : i32 to index
        %get3A_355 = tpu.vector_load %arg4[%get3A_354] {strides = array<i32>} : memref<16384xf32, #tpu.memory_space<vmem>>, vector<16xf32>,
        %get3A_356 = vector.shape_cast %get3A_355 : vector<16xf32> to vector<16xf32>
        %add3A_357 = arith.constant 480 : i32
        %add3A_358 = arith.addi %mul3A_206, %add3A_357 : i32
        %get3A_359 = arith.index_cast %add3A_358 : i32 to index
        %get3A_360 = tpu.vector_load %arg4[%get3A_359] {strides = array<i32>} : memref<16384xf32, #tpu.memory_space<vmem>>, vector<16xf32>,
        %get3A_361 = vector.shape_cast %get3A_360 : vector<16xf32> to vector<16xf32>
        %add3A_362 = arith.constant 496 : i32
        %add3A_363 = arith.addi %mul3A_206, %add3A_362 : i32
        %get3A_364 = arith.index_cast %add3A_363 : i32 to index
        %get3A_365 = tpu.vector_load %arg4[%get3A_364] {strides = array<i32>} : memref<16384xf32, #tpu.memory_space<vmem>>, vector<16xf32>,
        %get3A_366 = vector.shape_cast %get3A_365 : vector<16xf32> to vector<16xf32>
        %max3A = arith.maximumf %get3A_211, %get3A_216 : vector<16xf32>
        %max3A_367 = arith.maximumf %get3A_221, %get3A_226 : vector<16xf32>
        %max3A_368 = arith.maximumf %get3A_231, %get3A_236 : vector<16xf32>
        %max3A_369 = arith.maximumf %get3A_241, %get3A_246 : vector<16xf32>
        %max3A_370 = arith.maximumf %get3A_251, %get3A_256 : vector<16xf32>
        %max3A_371 = arith.maximumf %get3A_261, %get3A_266 : vector<16xf32>
        %max3A_372 = arith.maximumf %get3A_271, %get3A_276 : vector<16xf32>
        %max3A_373 = arith.maximumf %get3A_281, %get3A_286 : vector<16xf32>
        %max3A_374 = arith.maximumf %get3A_291, %get3A_296 : vector<16xf32>
        %max3A_375 = arith.maximumf %get3A_301, %get3A_306 : vector<16xf32>
        %max3A_376 = arith.maximumf %get3A_311, %get3A_316 : vector<16xf32>
        %max3A_377 = arith.maximumf %get3A_321, %get3A_326 : vector<16xf32>
        %max3A_378 = arith.maximumf %get3A_331, %get3A_336 : vector<16xf32>
        %max3A_379 = arith.maximumf %get3A_341, %get3A_346 : vector<16xf32>
        %max3A_380 = arith.maximumf %get3A_351, %get3A_356 : vector<16xf32>
        %max3A_381 = arith.maximumf %get3A_361, %get3A_366 : vector<16xf32>
        %max3A_382 = arith.maximumf %max3A, %max3A_367 : vector<16xf32>
        %max3A_383 = arith.maximumf %max3A_368, %max3A_369 : vector<16xf32>
        %max3A_384 = arith.maximumf %max3A_370, %max3A_371 : vector<16xf32>
        %max3A_385 = arith.maximumf %max3A_372, %max3A_373 : vector<16xf32>
        %max3A_386 = arith.maximumf %max3A_374, %max3A_375 : vector<16xf32>
        %max3A_387 = arith.maximumf %max3A_376, %max3A_377 : vector<16xf32>
        %max3A_388 = arith.maximumf %max3A_378, %max3A_379 : vector<16xf32>
        %max3A_389 = arith.maximumf %max3A_380, %max3A_381 : vector<16xf32>
        %max3A_390 = arith.maximumf %max3A_382, %max3A_383 : vector<16xf32>
        %max3A_391 = arith.maximumf %max3A_384, %max3A_385 : vector<16xf32>
        %max3A_392 = arith.maximumf %max3A_386, %max3A_387 : vector<16xf32>
        %max3A_393 = arith.maximumf %max3A_388, %max3A_389 : vector<16xf32>
        %max3A_394 = arith.maximumf %max3A_390, %max3A_391 : vector<16xf32>
        %max3A_395 = arith.maximumf %max3A_392, %max3A_393 : vector<16xf32>
        %max3A_396 = arith.maximumf %max3A_394, %max3A_395 : vector<16xf32>
        %gather3A_397 = vector.shape_cast %broadcast_in_dim3A_14 : vector<16x1xi32> to vector<16xi32>
        %gather3A_398 = tpu.dynamic_gather %max3A_396[%gather3A_397] in [0] : vector<16xf32>, vector<16xi32> -> vector<16xf32>
        %max3A_399 = arith.maximumf %max3A_396, %gather3A_398 : vector<16xf32>
        %gather3A_400 = vector.shape_cast %broadcast_in_dim3A_10 : vector<16x1xi32> to vector<16xi32>
        %gather3A_401 = tpu.dynamic_gather %max3A_399[%gather3A_400] in [0] : vector<16xf32>, vector<16xi32> -> vector<16xf32>
        %max3A_402 = arith.maximumf %max3A_399, %gather3A_401 : vector<16xf32>
        %gather3A_403 = vector.shape_cast %broadcast_in_dim3A_6 : vector<16x1xi32> to vector<16xi32>
        %gather3A_404 = tpu.dynamic_gather %max3A_402[%gather3A_403] in [0] : vector<16xf32>, vector<16xi32> -> vector<16xf32>
        %max3A_405 = arith.maximumf %max3A_402, %gather3A_404 : vector<16xf32>
        %gather3A_406 = vector.shape_cast %broadcast_in_dim3A : vector<16x1xi32> to vector<16xi32>
        %gather3A_407 = tpu.dynamic_gather %max3A_405[%gather3A_406] in [0] : vector<16xf32>, vector<16xi32> -> vector<16xf32>
        %max3A_408 = arith.maximumf %max3A_405, %gather3A_407 : vector<16xf32>
        %slice3A = vector.extract_strided_slice %max3A_408 {offsets = [0], sizes = [1], strides = [1]} : vector<16xf32> to vector<1xf32>
        %squeeze3A = vector.extract %slice3A[0] : f32 from vector<1xf32>
        %gt3A = arith.cmpf ogt, %squeeze3A, %scan3A_204 : f32
        %convert_element_type3A = arith.extui %gt3A : i1 to i32
        %cond3A = arith.constant 0 : i32
        %cond3A_409 = arith.cmpi ne, %convert_element_type3A, %cond3A : i32
        %cond3A_410 = scf.if %cond3A_409 -> (f32) {
          %broadcast_in_dim3A_411 = vector.broadcast %scan3A_204 : f32 to vector<16xf32>
          %broadcast_in_dim3A_412 = arith.constant 0 : i32
          %broadcast_in_dim3A_413 = vector.broadcast %broadcast_in_dim3A_412 : i32 to vector<16xi32>
          %add3A_414 = arith.constant 0 : i32
          %add3A_415 = arith.addi %mul3A_206, %add3A_414 : i32
          %get3A_416 = arith.index_cast %add3A_415 : i32 to index
          %get3A_417 = tpu.vector_load %arg4[%get3A_416] {strides = array<i32>} : memref<16384xf32, #tpu.memory_space<vmem>>, vector<16xf32>,
          %get3A_418 = vector.shape_cast %get3A_417 : vector<16xf32> to vector<16xf32>
          %gt3A_419 = arith.cmpf ogt, %get3A_418, %broadcast_in_dim3A_411 : vector<16xf32>
          %jit3A = arith.constant 1 : i32
          %jit3A_420 = arith.constant 0 : i32
          %broadcast_in_dim3A_421 = vector.broadcast %jit3A : i32 to vector<16xi32>
          %broadcast_in_dim3A_422 = vector.broadcast %jit3A_420 : i32 to vector<16xi32>
          %select_n3A_423 = arith.select %gt3A_419, %broadcast_in_dim3A_421, %broadcast_in_dim3A_422 : vector<16xi1>, vector<16xi32>
          %or3A = arith.ori %broadcast_in_dim3A_413, %select_n3A_423 : vector<16xi32>
          %add3A_424 = arith.constant 16 : i32
          %add3A_425 = arith.addi %mul3A_206, %add3A_424 : i32
          %get3A_426 = arith.index_cast %add3A_425 : i32 to index
          %get3A_427 = tpu.vector_load %arg4[%get3A_426] {strides = array<i32>} : memref<16384xf32, #tpu.memory_space<vmem>>, vector<16xf32>,
          %get3A_428 = vector.shape_cast %get3A_427 : vector<16xf32> to vector<16xf32>
          %gt3A_429 = arith.cmpf ogt, %get3A_428, %broadcast_in_dim3A_411 : vector<16xf32>
          %jit3A_430 = arith.constant 2 : i32
          %jit3A_431 = arith.constant 0 : i32
          %broadcast_in_dim3A_432 = vector.broadcast %jit3A_430 : i32 to vector<16xi32>
          %broadcast_in_dim3A_433 = vector.broadcast %jit3A_431 : i32 to vector<16xi32>
          %select_n3A_434 = arith.select %gt3A_429, %broadcast_in_dim3A_432, %broadcast_in_dim3A_433 : vector<16xi1>, vector<16xi32>
          %or3A_435 = arith.ori %or3A, %select_n3A_434 : vector<16xi32>
          %add3A_436 = arith.constant 32 : i32
          %add3A_437 = arith.addi %mul3A_206, %add3A_436 : i32
          %get3A_438 = arith.index_cast %add3A_437 : i32 to index
          %get3A_439 = tpu.vector_load %arg4[%get3A_438] {strides = array<i32>} : memref<16384xf32, #tpu.memory_space<vmem>>, vector<16xf32>,
          %get3A_440 = vector.shape_cast %get3A_439 : vector<16xf32> to vector<16xf32>
          %gt3A_441 = arith.cmpf ogt, %get3A_440, %broadcast_in_dim3A_411 : vector<16xf32>
          %jit3A_442 = arith.constant 4 : i32
          %jit3A_443 = arith.constant 0 : i32
          %broadcast_in_dim3A_444 = vector.broadcast %jit3A_442 : i32 to vector<16xi32>
          %broadcast_in_dim3A_445 = vector.broadcast %jit3A_443 : i32 to vector<16xi32>
          %select_n3A_446 = arith.select %gt3A_441, %broadcast_in_dim3A_444, %broadcast_in_dim3A_445 : vector<16xi1>, vector<16xi32>
          %or3A_447 = arith.ori %or3A_435, %select_n3A_446 : vector<16xi32>
          %add3A_448 = arith.constant 48 : i32
          %add3A_449 = arith.addi %mul3A_206, %add3A_448 : i32
          %get3A_450 = arith.index_cast %add3A_449 : i32 to index
          %get3A_451 = tpu.vector_load %arg4[%get3A_450] {strides = array<i32>} : memref<16384xf32, #tpu.memory_space<vmem>>, vector<16xf32>,
          %get3A_452 = vector.shape_cast %get3A_451 : vector<16xf32> to vector<16xf32>
          %gt3A_453 = arith.cmpf ogt, %get3A_452, %broadcast_in_dim3A_411 : vector<16xf32>
          %jit3A_454 = arith.constant 8 : i32
          %jit3A_455 = arith.constant 0 : i32
          %broadcast_in_dim3A_456 = vector.broadcast %jit3A_454 : i32 to vector<16xi32>
          %broadcast_in_dim3A_457 = vector.broadcast %jit3A_455 : i32 to vector<16xi32>
          %select_n3A_458 = arith.select %gt3A_453, %broadcast_in_dim3A_456, %broadcast_in_dim3A_457 : vector<16xi1>, vector<16xi32>
          %or3A_459 = arith.ori %or3A_447, %select_n3A_458 : vector<16xi32>
          %add3A_460 = arith.constant 64 : i32
          %add3A_461 = arith.addi %mul3A_206, %add3A_460 : i32
          %get3A_462 = arith.index_cast %add3A_461 : i32 to index
          %get3A_463 = tpu.vector_load %arg4[%get3A_462] {strides = array<i32>} : memref<16384xf32, #tpu.memory_space<vmem>>, vector<16xf32>,
          %get3A_464 = vector.shape_cast %get3A_463 : vector<16xf32> to vector<16xf32>
          %gt3A_465 = arith.cmpf ogt, %get3A_464, %broadcast_in_dim3A_411 : vector<16xf32>
          %jit3A_466 = arith.constant 16 : i32
          %jit3A_467 = arith.constant 0 : i32
          %broadcast_in_dim3A_468 = vector.broadcast %jit3A_466 : i32 to vector<16xi32>
          %broadcast_in_dim3A_469 = vector.broadcast %jit3A_467 : i32 to vector<16xi32>
          %select_n3A_470 = arith.select %gt3A_465, %broadcast_in_dim3A_468, %broadcast_in_dim3A_469 : vector<16xi1>, vector<16xi32>
          %or3A_471 = arith.ori %or3A_459, %select_n3A_470 : vector<16xi32>
          %add3A_472 = arith.constant 80 : i32
          %add3A_473 = arith.addi %mul3A_206, %add3A_472 : i32
          %get3A_474 = arith.index_cast %add3A_473 : i32 to index
          %get3A_475 = tpu.vector_load %arg4[%get3A_474] {strides = array<i32>} : memref<16384xf32, #tpu.memory_space<vmem>>, vector<16xf32>,
          %get3A_476 = vector.shape_cast %get3A_475 : vector<16xf32> to vector<16xf32>
          %gt3A_477 = arith.cmpf ogt, %get3A_476, %broadcast_in_dim3A_411 : vector<16xf32>
          %jit3A_478 = arith.constant 32 : i32
          %jit3A_479 = arith.constant 0 : i32
          %broadcast_in_dim3A_480 = vector.broadcast %jit3A_478 : i32 to vector<16xi32>
          %broadcast_in_dim3A_481 = vector.broadcast %jit3A_479 : i32 to vector<16xi32>
          %select_n3A_482 = arith.select %gt3A_477, %broadcast_in_dim3A_480, %broadcast_in_dim3A_481 : vector<16xi1>, vector<16xi32>
          %or3A_483 = arith.ori %or3A_471, %select_n3A_482 : vector<16xi32>
          %add3A_484 = arith.constant 96 : i32
          %add3A_485 = arith.addi %mul3A_206, %add3A_484 : i32
          %get3A_486 = arith.index_cast %add3A_485 : i32 to index
          %get3A_487 = tpu.vector_load %arg4[%get3A_486] {strides = array<i32>} : memref<16384xf32, #tpu.memory_space<vmem>>, vector<16xf32>,
          %get3A_488 = vector.shape_cast %get3A_487 : vector<16xf32> to vector<16xf32>
          %gt3A_489 = arith.cmpf ogt, %get3A_488, %broadcast_in_dim3A_411 : vector<16xf32>
          %jit3A_490 = arith.constant 64 : i32
          %jit3A_491 = arith.constant 0 : i32
          %broadcast_in_dim3A_492 = vector.broadcast %jit3A_490 : i32 to vector<16xi32>
          %broadcast_in_dim3A_493 = vector.broadcast %jit3A_491 : i32 to vector<16xi32>
          %select_n3A_494 = arith.select %gt3A_489, %broadcast_in_dim3A_492, %broadcast_in_dim3A_493 : vector<16xi1>, vector<16xi32>
          %or3A_495 = arith.ori %or3A_483, %select_n3A_494 : vector<16xi32>
          %add3A_496 = arith.constant 112 : i32
          %add3A_497 = arith.addi %mul3A_206, %add3A_496 : i32
          %get3A_498 = arith.index_cast %add3A_497 : i32 to index
          %get3A_499 = tpu.vector_load %arg4[%get3A_498] {strides = array<i32>} : memref<16384xf32, #tpu.memory_space<vmem>>, vector<16xf32>,
          %get3A_500 = vector.shape_cast %get3A_499 : vector<16xf32> to vector<16xf32>
          %gt3A_501 = arith.cmpf ogt, %get3A_500, %broadcast_in_dim3A_411 : vector<16xf32>
          %jit3A_502 = arith.constant 128 : i32
          %jit3A_503 = arith.constant 0 : i32
          %broadcast_in_dim3A_504 = vector.broadcast %jit3A_502 : i32 to vector<16xi32>
          %broadcast_in_dim3A_505 = vector.broadcast %jit3A_503 : i32 to vector<16xi32>
          %select_n3A_506 = arith.select %gt3A_501, %broadcast_in_dim3A_504, %broadcast_in_dim3A_505 : vector<16xi1>, vector<16xi32>
          %or3A_507 = arith.ori %or3A_495, %select_n3A_506 : vector<16xi32>
          %add3A_508 = arith.constant 128 : i32
          %add3A_509 = arith.addi %mul3A_206, %add3A_508 : i32
          %get3A_510 = arith.index_cast %add3A_509 : i32 to index
          %get3A_511 = tpu.vector_load %arg4[%get3A_510] {strides = array<i32>} : memref<16384xf32, #tpu.memory_space<vmem>>, vector<16xf32>,
          %get3A_512 = vector.shape_cast %get3A_511 : vector<16xf32> to vector<16xf32>
          %gt3A_513 = arith.cmpf ogt, %get3A_512, %broadcast_in_dim3A_411 : vector<16xf32>
          %jit3A_514 = arith.constant 256 : i32
          %jit3A_515 = arith.constant 0 : i32
          %broadcast_in_dim3A_516 = vector.broadcast %jit3A_514 : i32 to vector<16xi32>
          %broadcast_in_dim3A_517 = vector.broadcast %jit3A_515 : i32 to vector<16xi32>
          %select_n3A_518 = arith.select %gt3A_513, %broadcast_in_dim3A_516, %broadcast_in_dim3A_517 : vector<16xi1>, vector<16xi32>
          %or3A_519 = arith.ori %or3A_507, %select_n3A_518 : vector<16xi32>
          %add3A_520 = arith.constant 144 : i32
          %add3A_521 = arith.addi %mul3A_206, %add3A_520 : i32
          %get3A_522 = arith.index_cast %add3A_521 : i32 to index
          %get3A_523 = tpu.vector_load %arg4[%get3A_522] {strides = array<i32>} : memref<16384xf32, #tpu.memory_space<vmem>>, vector<16xf32>,
          %get3A_524 = vector.shape_cast %get3A_523 : vector<16xf32> to vector<16xf32>
          %gt3A_525 = arith.cmpf ogt, %get3A_524, %broadcast_in_dim3A_411 : vector<16xf32>
          %jit3A_526 = arith.constant 512 : i32
          %jit3A_527 = arith.constant 0 : i32
          %broadcast_in_dim3A_528 = vector.broadcast %jit3A_526 : i32 to vector<16xi32>
          %broadcast_in_dim3A_529 = vector.broadcast %jit3A_527 : i32 to vector<16xi32>
          %select_n3A_530 = arith.select %gt3A_525, %broadcast_in_dim3A_528, %broadcast_in_dim3A_529 : vector<16xi1>, vector<16xi32>
          %or3A_531 = arith.ori %or3A_519, %select_n3A_530 : vector<16xi32>
          %add3A_532 = arith.constant 160 : i32
          %add3A_533 = arith.addi %mul3A_206, %add3A_532 : i32
          %get3A_534 = arith.index_cast %add3A_533 : i32 to index
          %get3A_535 = tpu.vector_load %arg4[%get3A_534] {strides = array<i32>} : memref<16384xf32, #tpu.memory_space<vmem>>, vector<16xf32>,
          %get3A_536 = vector.shape_cast %get3A_535 : vector<16xf32> to vector<16xf32>
          %gt3A_537 = arith.cmpf ogt, %get3A_536, %broadcast_in_dim3A_411 : vector<16xf32>
          %jit3A_538 = arith.constant 1024 : i32
          %jit3A_539 = arith.constant 0 : i32
          %broadcast_in_dim3A_540 = vector.broadcast %jit3A_538 : i32 to vector<16xi32>
          %broadcast_in_dim3A_541 = vector.broadcast %jit3A_539 : i32 to vector<16xi32>
          %select_n3A_542 = arith.select %gt3A_537, %broadcast_in_dim3A_540, %broadcast_in_dim3A_541 : vector<16xi1>, vector<16xi32>
          %or3A_543 = arith.ori %or3A_531, %select_n3A_542 : vector<16xi32>
          %add3A_544 = arith.constant 176 : i32
          %add3A_545 = arith.addi %mul3A_206, %add3A_544 : i32
          %get3A_546 = arith.index_cast %add3A_545 : i32 to index
          %get3A_547 = tpu.vector_load %arg4[%get3A_546] {strides = array<i32>} : memref<16384xf32, #tpu.memory_space<vmem>>, vector<16xf32>,
          %get3A_548 = vector.shape_cast %get3A_547 : vector<16xf32> to vector<16xf32>
          %gt3A_549 = arith.cmpf ogt, %get3A_548, %broadcast_in_dim3A_411 : vector<16xf32>
          %jit3A_550 = arith.constant 2048 : i32
          %jit3A_551 = arith.constant 0 : i32
          %broadcast_in_dim3A_552 = vector.broadcast %jit3A_550 : i32 to vector<16xi32>
          %broadcast_in_dim3A_553 = vector.broadcast %jit3A_551 : i32 to vector<16xi32>
          %select_n3A_554 = arith.select %gt3A_549, %broadcast_in_dim3A_552, %broadcast_in_dim3A_553 : vector<16xi1>, vector<16xi32>
          %or3A_555 = arith.ori %or3A_543, %select_n3A_554 : vector<16xi32>
          %add3A_556 = arith.constant 192 : i32
          %add3A_557 = arith.addi %mul3A_206, %add3A_556 : i32
          %get3A_558 = arith.index_cast %add3A_557 : i32 to index
          %get3A_559 = tpu.vector_load %arg4[%get3A_558] {strides = array<i32>} : memref<16384xf32, #tpu.memory_space<vmem>>, vector<16xf32>,
          %get3A_560 = vector.shape_cast %get3A_559 : vector<16xf32> to vector<16xf32>
          %gt3A_561 = arith.cmpf ogt, %get3A_560, %broadcast_in_dim3A_411 : vector<16xf32>
          %jit3A_562 = arith.constant 4096 : i32
          %jit3A_563 = arith.constant 0 : i32
          %broadcast_in_dim3A_564 = vector.broadcast %jit3A_562 : i32 to vector<16xi32>
          %broadcast_in_dim3A_565 = vector.broadcast %jit3A_563 : i32 to vector<16xi32>
          %select_n3A_566 = arith.select %gt3A_561, %broadcast_in_dim3A_564, %broadcast_in_dim3A_565 : vector<16xi1>, vector<16xi32>
          %or3A_567 = arith.ori %or3A_555, %select_n3A_566 : vector<16xi32>
          %add3A_568 = arith.constant 208 : i32
          %add3A_569 = arith.addi %mul3A_206, %add3A_568 : i32
          %get3A_570 = arith.index_cast %add3A_569 : i32 to index
          %get3A_571 = tpu.vector_load %arg4[%get3A_570] {strides = array<i32>} : memref<16384xf32, #tpu.memory_space<vmem>>, vector<16xf32>,
          %get3A_572 = vector.shape_cast %get3A_571 : vector<16xf32> to vector<16xf32>
          %gt3A_573 = arith.cmpf ogt, %get3A_572, %broadcast_in_dim3A_411 : vector<16xf32>
          %jit3A_574 = arith.constant 8192 : i32
          %jit3A_575 = arith.constant 0 : i32
          %broadcast_in_dim3A_576 = vector.broadcast %jit3A_574 : i32 to vector<16xi32>
          %broadcast_in_dim3A_577 = vector.broadcast %jit3A_575 : i32 to vector<16xi32>
          %select_n3A_578 = arith.select %gt3A_573, %broadcast_in_dim3A_576, %broadcast_in_dim3A_577 : vector<16xi1>, vector<16xi32>
          %or3A_579 = arith.ori %or3A_567, %select_n3A_578 : vector<16xi32>
          %add3A_580 = arith.constant 224 : i32
          %add3A_581 = arith.addi %mul3A_206, %add3A_580 : i32
          %get3A_582 = arith.index_cast %add3A_581 : i32 to index
          %get3A_583 = tpu.vector_load %arg4[%get3A_582] {strides = array<i32>} : memref<16384xf32, #tpu.memory_space<vmem>>, vector<16xf32>,
          %get3A_584 = vector.shape_cast %get3A_583 : vector<16xf32> to vector<16xf32>
          %gt3A_585 = arith.cmpf ogt, %get3A_584, %broadcast_in_dim3A_411 : vector<16xf32>
          %jit3A_586 = arith.constant 16384 : i32
          %jit3A_587 = arith.constant 0 : i32
          %broadcast_in_dim3A_588 = vector.broadcast %jit3A_586 : i32 to vector<16xi32>
          %broadcast_in_dim3A_589 = vector.broadcast %jit3A_587 : i32 to vector<16xi32>
          %select_n3A_590 = arith.select %gt3A_585, %broadcast_in_dim3A_588, %broadcast_in_dim3A_589 : vector<16xi1>, vector<16xi32>
          %or3A_591 = arith.ori %or3A_579, %select_n3A_590 : vector<16xi32>
          %add3A_592 = arith.constant 240 : i32
          %add3A_593 = arith.addi %mul3A_206, %add3A_592 : i32
          %get3A_594 = arith.index_cast %add3A_593 : i32 to index
          %get3A_595 = tpu.vector_load %arg4[%get3A_594] {strides = array<i32>} : memref<16384xf32, #tpu.memory_space<vmem>>, vector<16xf32>,
          %get3A_596 = vector.shape_cast %get3A_595 : vector<16xf32> to vector<16xf32>
          %gt3A_597 = arith.cmpf ogt, %get3A_596, %broadcast_in_dim3A_411 : vector<16xf32>
          %jit3A_598 = arith.constant 32768 : i32
          %jit3A_599 = arith.constant 0 : i32
          %broadcast_in_dim3A_600 = vector.broadcast %jit3A_598 : i32 to vector<16xi32>
          %broadcast_in_dim3A_601 = vector.broadcast %jit3A_599 : i32 to vector<16xi32>
          %select_n3A_602 = arith.select %gt3A_597, %broadcast_in_dim3A_600, %broadcast_in_dim3A_601 : vector<16xi1>, vector<16xi32>
          %or3A_603 = arith.ori %or3A_591, %select_n3A_602 : vector<16xi32>
          %add3A_604 = arith.constant 256 : i32
          %add3A_605 = arith.addi %mul3A_206, %add3A_604 : i32
          %get3A_606 = arith.index_cast %add3A_605 : i32 to index
          %get3A_607 = tpu.vector_load %arg4[%get3A_606] {strides = array<i32>} : memref<16384xf32, #tpu.memory_space<vmem>>, vector<16xf32>,
          %get3A_608 = vector.shape_cast %get3A_607 : vector<16xf32> to vector<16xf32>
          %gt3A_609 = arith.cmpf ogt, %get3A_608, %broadcast_in_dim3A_411 : vector<16xf32>
          %jit3A_610 = arith.constant 65536 : i32
          %jit3A_611 = arith.constant 0 : i32
          %broadcast_in_dim3A_612 = vector.broadcast %jit3A_610 : i32 to vector<16xi32>
          %broadcast_in_dim3A_613 = vector.broadcast %jit3A_611 : i32 to vector<16xi32>
          %select_n3A_614 = arith.select %gt3A_609, %broadcast_in_dim3A_612, %broadcast_in_dim3A_613 : vector<16xi1>, vector<16xi32>
          %or3A_615 = arith.ori %or3A_603, %select_n3A_614 : vector<16xi32>
          %add3A_616 = arith.constant 272 : i32
          %add3A_617 = arith.addi %mul3A_206, %add3A_616 : i32
          %get3A_618 = arith.index_cast %add3A_617 : i32 to index
          %get3A_619 = tpu.vector_load %arg4[%get3A_618] {strides = array<i32>} : memref<16384xf32, #tpu.memory_space<vmem>>, vector<16xf32>,
          %get3A_620 = vector.shape_cast %get3A_619 : vector<16xf32> to vector<16xf32>
          %gt3A_621 = arith.cmpf ogt, %get3A_620, %broadcast_in_dim3A_411 : vector<16xf32>
          %jit3A_622 = arith.constant 131072 : i32
          %jit3A_623 = arith.constant 0 : i32
          %broadcast_in_dim3A_624 = vector.broadcast %jit3A_622 : i32 to vector<16xi32>
          %broadcast_in_dim3A_625 = vector.broadcast %jit3A_623 : i32 to vector<16xi32>
          %select_n3A_626 = arith.select %gt3A_621, %broadcast_in_dim3A_624, %broadcast_in_dim3A_625 : vector<16xi1>, vector<16xi32>
          %or3A_627 = arith.ori %or3A_615, %select_n3A_626 : vector<16xi32>
          %add3A_628 = arith.constant 288 : i32
          %add3A_629 = arith.addi %mul3A_206, %add3A_628 : i32
          %get3A_630 = arith.index_cast %add3A_629 : i32 to index
          %get3A_631 = tpu.vector_load %arg4[%get3A_630] {strides = array<i32>} : memref<16384xf32, #tpu.memory_space<vmem>>, vector<16xf32>,
          %get3A_632 = vector.shape_cast %get3A_631 : vector<16xf32> to vector<16xf32>
          %gt3A_633 = arith.cmpf ogt, %get3A_632, %broadcast_in_dim3A_411 : vector<16xf32>
          %jit3A_634 = arith.constant 262144 : i32
          %jit3A_635 = arith.constant 0 : i32
          %broadcast_in_dim3A_636 = vector.broadcast %jit3A_634 : i32 to vector<16xi32>
          %broadcast_in_dim3A_637 = vector.broadcast %jit3A_635 : i32 to vector<16xi32>
          %select_n3A_638 = arith.select %gt3A_633, %broadcast_in_dim3A_636, %broadcast_in_dim3A_637 : vector<16xi1>, vector<16xi32>
          %or3A_639 = arith.ori %or3A_627, %select_n3A_638 : vector<16xi32>
          %add3A_640 = arith.constant 304 : i32
          %add3A_641 = arith.addi %mul3A_206, %add3A_640 : i32
          %get3A_642 = arith.index_cast %add3A_641 : i32 to index
          %get3A_643 = tpu.vector_load %arg4[%get3A_642] {strides = array<i32>} : memref<16384xf32, #tpu.memory_space<vmem>>, vector<16xf32>,
          %get3A_644 = vector.shape_cast %get3A_643 : vector<16xf32> to vector<16xf32>
          %gt3A_645 = arith.cmpf ogt, %get3A_644, %broadcast_in_dim3A_411 : vector<16xf32>
          %jit3A_646 = arith.constant 524288 : i32
          %jit3A_647 = arith.constant 0 : i32
          %broadcast_in_dim3A_648 = vector.broadcast %jit3A_646 : i32 to vector<16xi32>
          %broadcast_in_dim3A_649 = vector.broadcast %jit3A_647 : i32 to vector<16xi32>
          %select_n3A_650 = arith.select %gt3A_645, %broadcast_in_dim3A_648, %broadcast_in_dim3A_649 : vector<16xi1>, vector<16xi32>
          %or3A_651 = arith.ori %or3A_639, %select_n3A_650 : vector<16xi32>
          %add3A_652 = arith.constant 320 : i32
          %add3A_653 = arith.addi %mul3A_206, %add3A_652 : i32
          %get3A_654 = arith.index_cast %add3A_653 : i32 to index
          %get3A_655 = tpu.vector_load %arg4[%get3A_654] {strides = array<i32>} : memref<16384xf32, #tpu.memory_space<vmem>>, vector<16xf32>,
          %get3A_656 = vector.shape_cast %get3A_655 : vector<16xf32> to vector<16xf32>
          %gt3A_657 = arith.cmpf ogt, %get3A_656, %broadcast_in_dim3A_411 : vector<16xf32>
          %jit3A_658 = arith.constant 1048576 : i32
          %jit3A_659 = arith.constant 0 : i32
          %broadcast_in_dim3A_660 = vector.broadcast %jit3A_658 : i32 to vector<16xi32>
          %broadcast_in_dim3A_661 = vector.broadcast %jit3A_659 : i32 to vector<16xi32>
          %select_n3A_662 = arith.select %gt3A_657, %broadcast_in_dim3A_660, %broadcast_in_dim3A_661 : vector<16xi1>, vector<16xi32>
          %or3A_663 = arith.ori %or3A_651, %select_n3A_662 : vector<16xi32>
          %add3A_664 = arith.constant 336 : i32
          %add3A_665 = arith.addi %mul3A_206, %add3A_664 : i32
          %get3A_666 = arith.index_cast %add3A_665 : i32 to index
          %get3A_667 = tpu.vector_load %arg4[%get3A_666] {strides = array<i32>} : memref<16384xf32, #tpu.memory_space<vmem>>, vector<16xf32>,
          %get3A_668 = vector.shape_cast %get3A_667 : vector<16xf32> to vector<16xf32>
          %gt3A_669 = arith.cmpf ogt, %get3A_668, %broadcast_in_dim3A_411 : vector<16xf32>
          %jit3A_670 = arith.constant 2097152 : i32
          %jit3A_671 = arith.constant 0 : i32
          %broadcast_in_dim3A_672 = vector.broadcast %jit3A_670 : i32 to vector<16xi32>
          %broadcast_in_dim3A_673 = vector.broadcast %jit3A_671 : i32 to vector<16xi32>
          %select_n3A_674 = arith.select %gt3A_669, %broadcast_in_dim3A_672, %broadcast_in_dim3A_673 : vector<16xi1>, vector<16xi32>
          %or3A_675 = arith.ori %or3A_663, %select_n3A_674 : vector<16xi32>
          %add3A_676 = arith.constant 352 : i32
          %add3A_677 = arith.addi %mul3A_206, %add3A_676 : i32
          %get3A_678 = arith.index_cast %add3A_677 : i32 to index
          %get3A_679 = tpu.vector_load %arg4[%get3A_678] {strides = array<i32>} : memref<16384xf32, #tpu.memory_space<vmem>>, vector<16xf32>,
          %get3A_680 = vector.shape_cast %get3A_679 : vector<16xf32> to vector<16xf32>
          %gt3A_681 = arith.cmpf ogt, %get3A_680, %broadcast_in_dim3A_411 : vector<16xf32>
          %jit3A_682 = arith.constant 4194304 : i32
          %jit3A_683 = arith.constant 0 : i32
          %broadcast_in_dim3A_684 = vector.broadcast %jit3A_682 : i32 to vector<16xi32>
          %broadcast_in_dim3A_685 = vector.broadcast %jit3A_683 : i32 to vector<16xi32>
          %select_n3A_686 = arith.select %gt3A_681, %broadcast_in_dim3A_684, %broadcast_in_dim3A_685 : vector<16xi1>, vector<16xi32>
          %or3A_687 = arith.ori %or3A_675, %select_n3A_686 : vector<16xi32>
          %add3A_688 = arith.constant 368 : i32
          %add3A_689 = arith.addi %mul3A_206, %add3A_688 : i32
          %get3A_690 = arith.index_cast %add3A_689 : i32 to index
          %get3A_691 = tpu.vector_load %arg4[%get3A_690] {strides = array<i32>} : memref<16384xf32, #tpu.memory_space<vmem>>, vector<16xf32>,
          %get3A_692 = vector.shape_cast %get3A_691 : vector<16xf32> to vector<16xf32>
          %gt3A_693 = arith.cmpf ogt, %get3A_692, %broadcast_in_dim3A_411 : vector<16xf32>
          %jit3A_694 = arith.constant 8388608 : i32
          %jit3A_695 = arith.constant 0 : i32
          %broadcast_in_dim3A_696 = vector.broadcast %jit3A_694 : i32 to vector<16xi32>
          %broadcast_in_dim3A_697 = vector.broadcast %jit3A_695 : i32 to vector<16xi32>
          %select_n3A_698 = arith.select %gt3A_693, %broadcast_in_dim3A_696, %broadcast_in_dim3A_697 : vector<16xi1>, vector<16xi32>
          %or3A_699 = arith.ori %or3A_687, %select_n3A_698 : vector<16xi32>
          %add3A_700 = arith.constant 384 : i32
          %add3A_701 = arith.addi %mul3A_206, %add3A_700 : i32
          %get3A_702 = arith.index_cast %add3A_701 : i32 to index
          %get3A_703 = tpu.vector_load %arg4[%get3A_702] {strides = array<i32>} : memref<16384xf32, #tpu.memory_space<vmem>>, vector<16xf32>,
          %get3A_704 = vector.shape_cast %get3A_703 : vector<16xf32> to vector<16xf32>
          %gt3A_705 = arith.cmpf ogt, %get3A_704, %broadcast_in_dim3A_411 : vector<16xf32>
          %jit3A_706 = arith.constant 16777216 : i32
          %jit3A_707 = arith.constant 0 : i32
          %broadcast_in_dim3A_708 = vector.broadcast %jit3A_706 : i32 to vector<16xi32>
          %broadcast_in_dim3A_709 = vector.broadcast %jit3A_707 : i32 to vector<16xi32>
          %select_n3A_710 = arith.select %gt3A_705, %broadcast_in_dim3A_708, %broadcast_in_dim3A_709 : vector<16xi1>, vector<16xi32>
          %or3A_711 = arith.ori %or3A_699, %select_n3A_710 : vector<16xi32>
          %add3A_712 = arith.constant 400 : i32
          %add3A_713 = arith.addi %mul3A_206, %add3A_712 : i32
          %get3A_714 = arith.index_cast %add3A_713 : i32 to index
          %get3A_715 = tpu.vector_load %arg4[%get3A_714] {strides = array<i32>} : memref<16384xf32, #tpu.memory_space<vmem>>, vector<16xf32>,
          %get3A_716 = vector.shape_cast %get3A_715 : vector<16xf32> to vector<16xf32>
          %gt3A_717 = arith.cmpf ogt, %get3A_716, %broadcast_in_dim3A_411 : vector<16xf32>
          %jit3A_718 = arith.constant 33554432 : i32
          %jit3A_719 = arith.constant 0 : i32
          %broadcast_in_dim3A_720 = vector.broadcast %jit3A_718 : i32 to vector<16xi32>
          %broadcast_in_dim3A_721 = vector.broadcast %jit3A_719 : i32 to vector<16xi32>
          %select_n3A_722 = arith.select %gt3A_717, %broadcast_in_dim3A_720, %broadcast_in_dim3A_721 : vector<16xi1>, vector<16xi32>
          %or3A_723 = arith.ori %or3A_711, %select_n3A_722 : vector<16xi32>
          %add3A_724 = arith.constant 416 : i32
          %add3A_725 = arith.addi %mul3A_206, %add3A_724 : i32
          %get3A_726 = arith.index_cast %add3A_725 : i32 to index
          %get3A_727 = tpu.vector_load %arg4[%get3A_726] {strides = array<i32>} : memref<16384xf32, #tpu.memory_space<vmem>>, vector<16xf32>,
          %get3A_728 = vector.shape_cast %get3A_727 : vector<16xf32> to vector<16xf32>
          %gt3A_729 = arith.cmpf ogt, %get3A_728, %broadcast_in_dim3A_411 : vector<16xf32>
          %jit3A_730 = arith.constant 67108864 : i32
          %jit3A_731 = arith.constant 0 : i32
          %broadcast_in_dim3A_732 = vector.broadcast %jit3A_730 : i32 to vector<16xi32>
          %broadcast_in_dim3A_733 = vector.broadcast %jit3A_731 : i32 to vector<16xi32>
          %select_n3A_734 = arith.select %gt3A_729, %broadcast_in_dim3A_732, %broadcast_in_dim3A_733 : vector<16xi1>, vector<16xi32>
          %or3A_735 = arith.ori %or3A_723, %select_n3A_734 : vector<16xi32>
          %add3A_736 = arith.constant 432 : i32
          %add3A_737 = arith.addi %mul3A_206, %add3A_736 : i32
          %get3A_738 = arith.index_cast %add3A_737 : i32 to index
          %get3A_739 = tpu.vector_load %arg4[%get3A_738] {strides = array<i32>} : memref<16384xf32, #tpu.memory_space<vmem>>, vector<16xf32>,
          %get3A_740 = vector.shape_cast %get3A_739 : vector<16xf32> to vector<16xf32>
          %gt3A_741 = arith.cmpf ogt, %get3A_740, %broadcast_in_dim3A_411 : vector<16xf32>
          %jit3A_742 = arith.constant 134217728 : i32
          %jit3A_743 = arith.constant 0 : i32
          %broadcast_in_dim3A_744 = vector.broadcast %jit3A_742 : i32 to vector<16xi32>
          %broadcast_in_dim3A_745 = vector.broadcast %jit3A_743 : i32 to vector<16xi32>
          %select_n3A_746 = arith.select %gt3A_741, %broadcast_in_dim3A_744, %broadcast_in_dim3A_745 : vector<16xi1>, vector<16xi32>
          %or3A_747 = arith.ori %or3A_735, %select_n3A_746 : vector<16xi32>
          %add3A_748 = arith.constant 448 : i32
          %add3A_749 = arith.addi %mul3A_206, %add3A_748 : i32
          %get3A_750 = arith.index_cast %add3A_749 : i32 to index
          %get3A_751 = tpu.vector_load %arg4[%get3A_750] {strides = array<i32>} : memref<16384xf32, #tpu.memory_space<vmem>>, vector<16xf32>,
          %get3A_752 = vector.shape_cast %get3A_751 : vector<16xf32> to vector<16xf32>
          %gt3A_753 = arith.cmpf ogt, %get3A_752, %broadcast_in_dim3A_411 : vector<16xf32>
          %jit3A_754 = arith.constant 268435456 : i32
          %jit3A_755 = arith.constant 0 : i32
          %broadcast_in_dim3A_756 = vector.broadcast %jit3A_754 : i32 to vector<16xi32>
          %broadcast_in_dim3A_757 = vector.broadcast %jit3A_755 : i32 to vector<16xi32>
          %select_n3A_758 = arith.select %gt3A_753, %broadcast_in_dim3A_756, %broadcast_in_dim3A_757 : vector<16xi1>, vector<16xi32>
          %or3A_759 = arith.ori %or3A_747, %select_n3A_758 : vector<16xi32>
          %add3A_760 = arith.constant 464 : i32
          %add3A_761 = arith.addi %mul3A_206, %add3A_760 : i32
          %get3A_762 = arith.index_cast %add3A_761 : i32 to index
          %get3A_763 = tpu.vector_load %arg4[%get3A_762] {strides = array<i32>} : memref<16384xf32, #tpu.memory_space<vmem>>, vector<16xf32>,
          %get3A_764 = vector.shape_cast %get3A_763 : vector<16xf32> to vector<16xf32>
          %gt3A_765 = arith.cmpf ogt, %get3A_764, %broadcast_in_dim3A_411 : vector<16xf32>
          %jit3A_766 = arith.constant 536870912 : i32
          %jit3A_767 = arith.constant 0 : i32
          %broadcast_in_dim3A_768 = vector.broadcast %jit3A_766 : i32 to vector<16xi32>
          %broadcast_in_dim3A_769 = vector.broadcast %jit3A_767 : i32 to vector<16xi32>
          %select_n3A_770 = arith.select %gt3A_765, %broadcast_in_dim3A_768, %broadcast_in_dim3A_769 : vector<16xi1>, vector<16xi32>
          %or3A_771 = arith.ori %or3A_759, %select_n3A_770 : vector<16xi32>
          %add3A_772 = arith.constant 480 : i32
          %add3A_773 = arith.addi %mul3A_206, %add3A_772 : i32
          %get3A_774 = arith.index_cast %add3A_773 : i32 to index
          %get3A_775 = tpu.vector_load %arg4[%get3A_774] {strides = array<i32>} : memref<16384xf32, #tpu.memory_space<vmem>>, vector<16xf32>,
          %get3A_776 = vector.shape_cast %get3A_775 : vector<16xf32> to vector<16xf32>
          %gt3A_777 = arith.cmpf ogt, %get3A_776, %broadcast_in_dim3A_411 : vector<16xf32>
          %jit3A_778 = arith.constant 1073741824 : i32
          %jit3A_779 = arith.constant 0 : i32
          %broadcast_in_dim3A_780 = vector.broadcast %jit3A_778 : i32 to vector<16xi32>
          %broadcast_in_dim3A_781 = vector.broadcast %jit3A_779 : i32 to vector<16xi32>
          %select_n3A_782 = arith.select %gt3A_777, %broadcast_in_dim3A_780, %broadcast_in_dim3A_781 : vector<16xi1>, vector<16xi32>
          %or3A_783 = arith.ori %or3A_771, %select_n3A_782 : vector<16xi32>
          %add3A_784 = arith.constant 496 : i32
          %add3A_785 = arith.addi %mul3A_206, %add3A_784 : i32
          %get3A_786 = arith.index_cast %add3A_785 : i32 to index
          %get3A_787 = tpu.vector_load %arg4[%get3A_786] {strides = array<i32>} : memref<16384xf32, #tpu.memory_space<vmem>>, vector<16xf32>,
          %get3A_788 = vector.shape_cast %get3A_787 : vector<16xf32> to vector<16xf32>
          %gt3A_789 = arith.cmpf ogt, %get3A_788, %broadcast_in_dim3A_411 : vector<16xf32>
          %jit3A_790 = arith.constant -2147483648 : i32
          %jit3A_791 = arith.constant 0 : i32
          %broadcast_in_dim3A_792 = vector.broadcast %jit3A_790 : i32 to vector<16xi32>
          %broadcast_in_dim3A_793 = vector.broadcast %jit3A_791 : i32 to vector<16xi32>
          %select_n3A_794 = arith.select %gt3A_789, %broadcast_in_dim3A_792, %broadcast_in_dim3A_793 : vector<16xi1>, vector<16xi32>
          %or3A_795 = arith.ori %or3A_783, %select_n3A_794 : vector<16xi32>
          %gather3A_796 = vector.shape_cast %broadcast_in_dim3A_14 : vector<16x1xi32> to vector<16xi32>
          %gather3A_797 = tpu.dynamic_gather %or3A_795[%gather3A_796] in [0] : vector<16xi32>, vector<16xi32> -> vector<16xi32>
          %or3A_798 = arith.ori %or3A_795, %gather3A_797 : vector<16xi32>
          %gather3A_799 = vector.shape_cast %broadcast_in_dim3A_10 : vector<16x1xi32> to vector<16xi32>
          %gather3A_800 = tpu.dynamic_gather %or3A_798[%gather3A_799] in [0] : vector<16xi32>, vector<16xi32> -> vector<16xi32>
          %or3A_801 = arith.ori %or3A_798, %gather3A_800 : vector<16xi32>
          %gather3A_802 = vector.shape_cast %broadcast_in_dim3A_6 : vector<16x1xi32> to vector<16xi32>
          %gather3A_803 = tpu.dynamic_gather %or3A_801[%gather3A_802] in [0] : vector<16xi32>, vector<16xi32> -> vector<16xi32>
          %or3A_804 = arith.ori %or3A_801, %gather3A_803 : vector<16xi32>
          %gather3A_805 = vector.shape_cast %broadcast_in_dim3A : vector<16x1xi32> to vector<16xi32>
          %gather3A_806 = tpu.dynamic_gather %or3A_804[%gather3A_805] in [0] : vector<16xi32>, vector<16xi32> -> vector<16xi32>
          %or3A_807 = arith.ori %or3A_804, %gather3A_806 : vector<16xi32>
          %slice3A_808 = vector.extract_strided_slice %or3A_807 {offsets = [0], sizes = [1], strides = [1]} : vector<16xi32> to vector<1xi32>
          %squeeze3A_809 = vector.extract %slice3A_808[0] : i32 from vector<1xi32>
          %iota3A_810 = tpu.iota {dimensions = array<i32: 0>} : vector<16xi32>
          %shift_right_arithmetic3A_811 = arith.shrsi %or3A_807, %iota3A_810 : vector<16xi32>
          %and3A_812 = arith.constant 1 : i32
          %and3A_813 = vector.broadcast %and3A_812 : i32 to vector<16xi32>
          %and3A_814 = arith.andi %shift_right_arithmetic3A_811, %and3A_813 : vector<16xi32>
          %add3A_815 = arith.constant 16 : i32
          %add3A_816 = vector.broadcast %add3A_815 : i32 to vector<16xi32>
          %add3A_817 = arith.addi %iota3A_810, %add3A_816 : vector<16xi32>
          %shift_right_arithmetic3A_818 = arith.shrsi %or3A_807, %add3A_817 : vector<16xi32>
          %and3A_819 = arith.constant 1 : i32
          %and3A_820 = vector.broadcast %and3A_819 : i32 to vector<16xi32>
          %and3A_821 = arith.andi %shift_right_arithmetic3A_818, %and3A_820 : vector<16xi32>
          %add3A_822 = arith.addi %and3A_814, %and3A_821 : vector<16xi32>
          %gather3A_823 = vector.shape_cast %broadcast_in_dim3A_14 : vector<16x1xi32> to vector<16xi32>
          %gather3A_824 = tpu.dynamic_gather %add3A_822[%gather3A_823] in [0] : vector<16xi32>, vector<16xi32> -> vector<16xi32>
          %add3A_825 = arith.addi %add3A_822, %gather3A_824 : vector<16xi32>
          %gather3A_826 = vector.shape_cast %broadcast_in_dim3A_10 : vector<16x1xi32> to vector<16xi32>
          %gather3A_827 = tpu.dynamic_gather %add3A_825[%gather3A_826] in [0] : vector<16xi32>, vector<16xi32> -> vector<16xi32>
          %add3A_828 = arith.addi %add3A_825, %gather3A_827 : vector<16xi32>
          %gather3A_829 = vector.shape_cast %broadcast_in_dim3A_6 : vector<16x1xi32> to vector<16xi32>
          %gather3A_830 = tpu.dynamic_gather %add3A_828[%gather3A_829] in [0] : vector<16xi32>, vector<16xi32> -> vector<16xi32>
          %add3A_831 = arith.addi %add3A_828, %gather3A_830 : vector<16xi32>
          %gather3A_832 = vector.shape_cast %broadcast_in_dim3A : vector<16x1xi32> to vector<16xi32>
          %gather3A_833 = tpu.dynamic_gather %add3A_831[%gather3A_832] in [0] : vector<16xi32>, vector<16xi32> -> vector<16xi32>
          %add3A_834 = arith.addi %add3A_831, %gather3A_833 : vector<16xi32>
          %slice3A_835 = vector.extract_strided_slice %add3A_834 {offsets = [0], sizes = [1], strides = [1]} : vector<16xi32> to vector<1xi32>
          %squeeze3A_836 = vector.extract %slice3A_835[0] : i32 from vector<1xi32>
          %while3A = arith.constant -2147483648 : i32
          %while3A_837 = arith.constant 0 : i32
          %while3A_838 = arith.subi %squeeze3A_836, %while3A_837 : i32
          %while3A_839 = arith.addi %while3A_837, %while3A_838 : i32
          %while3A_840 = arith.constant 1 : i32
          %while3A_841 = arith.divsi %while3A_838, %while3A_840 : i32
          %while3A_842 = arith.muli %while3A_841, %while3A_840 : i32
          %while3A_843 = arith.addi %while3A_837, %while3A_842 : i32
          %while3A_844 = arith.constant 1 : i32
          %while3A_845:2 = scf.for %while3A_848 = %while3A_837 to %while3A_843 step %while3A_844 iter_args(%while3A_849 = %squeeze3A_809, %while3A_850 = %scan3A_204) -> (i32, f32)  : i32 {
            %neg3A = arith.constant 0 : i32
            %neg3A_851 = arith.subi %neg3A, %while3A_849 : i32
            %and3A_852 = arith.andi %while3A_849, %neg3A_851 : i32
            %convert_element_type3A_853 = arith.sitofp %and3A_852 : i32 to f32
            %bitcast_convert_type3A = arith.bitcast %convert_element_type3A_853 : f32 to i32
            %eq3A_854 = arith.cmpi eq, %and3A_852, %while3A : i32
            %shift_right_arithmetic3A_855 = arith.constant 23 : i32
            %shift_right_arithmetic3A_856 = arith.shrsi %bitcast_convert_type3A, %shift_right_arithmetic3A_855 : i32
            %sub3A = arith.constant 127 : i32
            %sub3A_857 = arith.subi %shift_right_arithmetic3A_856, %sub3A : i32
            %jit3A_858 = arith.constant 31 : i32
            %select_n3A_859 = arith.select %eq3A_854, %jit3A_858, %sub3A_857 : i32
            %mul3A_860 = arith.constant 16 : i32
            %mul3A_861 = arith.muli %select_n3A_859, %mul3A_860 : i32
            %add3A_862 = arith.addi %mul3A_206, %mul3A_861 : i32
            %get3A_863 = arith.index_cast %add3A_862 : i32 to index
            %get3A_864 = tpu.vector_load %arg4[%get3A_863] {strides = array<i32>} : memref<16384xf32, #tpu.memory_space<vmem>>, vector<16xf32>,
            %get3A_865 = vector.shape_cast %get3A_864 : vector<16xf32> to vector<16xf32>
            %get3A_866 = arith.constant 0 : index
            %get3A_867 = tpu.vector_load %arg6[%get3A_866] {strides = array<i32>} : memref<32xf32, #tpu.memory_space<vmem>>, vector<16xf32>,
            %get3A_868 = vector.shape_cast %get3A_867 : vector<16xf32> to vector<16xf32>
            %get3A_869 = arith.constant 16 : index
            %get3A_870 = tpu.vector_load %arg6[%get3A_869] {strides = array<i32>} : memref<32xf32, #tpu.memory_space<vmem>>, vector<16xf32>,
            %get3A_871 = vector.shape_cast %get3A_870 : vector<16xf32> to vector<16xf32>
            %eq3A_872 = arith.constant 0 : i32
            %eq3A_873 = vector.broadcast %eq3A_872 : i32 to vector<16xi32>
            %eq3A_874 = arith.cmpi eq, %and3A_22, %eq3A_873 : vector<16xi32>
            %gather3A_875 = vector.shape_cast %broadcast_in_dim3A : vector<16x1xi32> to vector<16xi32>
            %gather3A_876 = tpu.dynamic_gather %get3A_865[%gather3A_875] in [0] : vector<16xf32>, vector<16xi32> -> vector<16xf32>
            %min3A = arith.minimumf %get3A_865, %gather3A_876 : vector<16xf32>
            %max3A_877 = arith.maximumf %get3A_865, %gather3A_876 : vector<16xf32>
            %select_n3A_878 = arith.select %eq3A_874, %min3A, %max3A_877 : vector<16xi1>, vector<16xf32>
            %eq3A_879 = arith.constant 0 : i32
            %eq3A_880 = vector.broadcast %eq3A_879 : i32 to vector<16xi32>
            %eq3A_881 = arith.cmpi eq, %and3A_32, %eq3A_880 : vector<16xi32>
            %gather3A_882 = vector.shape_cast %broadcast_in_dim3A_6 : vector<16x1xi32> to vector<16xi32>
            %gather3A_883 = tpu.dynamic_gather %select_n3A_878[%gather3A_882] in [0] : vector<16xf32>, vector<16xi32> -> vector<16xf32>
            %min3A_884 = arith.minimumf %select_n3A_878, %gather3A_883 : vector<16xf32>
            %max3A_885 = arith.maximumf %select_n3A_878, %gather3A_883 : vector<16xf32>
            %select_n3A_886 = arith.select %eq3A_881, %min3A_884, %max3A_885 : vector<16xi1>, vector<16xf32>
            %eq3A_887 = arith.constant 0 : i32
            %eq3A_888 = vector.broadcast %eq3A_887 : i32 to vector<16xi32>
            %eq3A_889 = arith.cmpi eq, %and3A_42, %eq3A_888 : vector<16xi32>
            %gather3A_890 = vector.shape_cast %broadcast_in_dim3A : vector<16x1xi32> to vector<16xi32>
            %gather3A_891 = tpu.dynamic_gather %select_n3A_886[%gather3A_890] in [0] : vector<16xf32>, vector<16xi32> -> vector<16xf32>
            %min3A_892 = arith.minimumf %select_n3A_886, %gather3A_891 : vector<16xf32>
            %max3A_893 = arith.maximumf %select_n3A_886, %gather3A_891 : vector<16xf32>
            %select_n3A_894 = arith.select %eq3A_889, %min3A_892, %max3A_893 : vector<16xi1>, vector<16xf32>
            %eq3A_895 = arith.constant 0 : i32
            %eq3A_896 = vector.broadcast %eq3A_895 : i32 to vector<16xi32>
            %eq3A_897 = arith.cmpi eq, %and3A_52, %eq3A_896 : vector<16xi32>
            %gather3A_898 = vector.shape_cast %broadcast_in_dim3A_10 : vector<16x1xi32> to vector<16xi32>
            %gather3A_899 = tpu.dynamic_gather %select_n3A_894[%gather3A_898] in [0] : vector<16xf32>, vector<16xi32> -> vector<16xf32>
            %min3A_900 = arith.minimumf %select_n3A_894, %gather3A_899 : vector<16xf32>
            %max3A_901 = arith.maximumf %select_n3A_894, %gather3A_899 : vector<16xf32>
            %select_n3A_902 = arith.select %eq3A_897, %min3A_900, %max3A_901 : vector<16xi1>, vector<16xf32>
            %eq3A_903 = arith.constant 0 : i32
            %eq3A_904 = vector.broadcast %eq3A_903 : i32 to vector<16xi32>
            %eq3A_905 = arith.cmpi eq, %and3A_62, %eq3A_904 : vector<16xi32>
            %gather3A_906 = vector.shape_cast %broadcast_in_dim3A_6 : vector<16x1xi32> to vector<16xi32>
            %gather3A_907 = tpu.dynamic_gather %select_n3A_902[%gather3A_906] in [0] : vector<16xf32>, vector<16xi32> -> vector<16xf32>
            %min3A_908 = arith.minimumf %select_n3A_902, %gather3A_907 : vector<16xf32>
            %max3A_909 = arith.maximumf %select_n3A_902, %gather3A_907 : vector<16xf32>
            %select_n3A_910 = arith.select %eq3A_905, %min3A_908, %max3A_909 : vector<16xi1>, vector<16xf32>
            %eq3A_911 = arith.constant 0 : i32
            %eq3A_912 = vector.broadcast %eq3A_911 : i32 to vector<16xi32>
            %eq3A_913 = arith.cmpi eq, %and3A_72, %eq3A_912 : vector<16xi32>
            %gather3A_914 = vector.shape_cast %broadcast_in_dim3A : vector<16x1xi32> to vector<16xi32>
            %gather3A_915 = tpu.dynamic_gather %select_n3A_910[%gather3A_914] in [0] : vector<16xf32>, vector<16xi32> -> vector<16xf32>
            %min3A_916 = arith.minimumf %select_n3A_910, %gather3A_915 : vector<16xf32>
            %max3A_917 = arith.maximumf %select_n3A_910, %gather3A_915 : vector<16xf32>
            %select_n3A_918 = arith.select %eq3A_913, %min3A_916, %max3A_917 : vector<16xi1>, vector<16xf32>
            %eq3A_919 = arith.constant 0 : i32
            %eq3A_920 = vector.broadcast %eq3A_919 : i32 to vector<16xi32>
            %eq3A_921 = arith.cmpi eq, %and3A_82, %eq3A_920 : vector<16xi32>
            %gather3A_922 = vector.shape_cast %broadcast_in_dim3A_14 : vector<16x1xi32> to vector<16xi32>
            %gather3A_923 = tpu.dynamic_gather %select_n3A_918[%gather3A_922] in [0] : vector<16xf32>, vector<16xi32> -> vector<16xf32>
            %min3A_924 = arith.minimumf %select_n3A_918, %gather3A_923 : vector<16xf32>
            %max3A_925 = arith.maximumf %select_n3A_918, %gather3A_923 : vector<16xf32>
            %select_n3A_926 = arith.select %eq3A_921, %min3A_924, %max3A_925 : vector<16xi1>, vector<16xf32>
            %eq3A_927 = arith.constant 0 : i32
            %eq3A_928 = vector.broadcast %eq3A_927 : i32 to vector<16xi32>
            %eq3A_929 = arith.cmpi eq, %and3A_92, %eq3A_928 : vector<16xi32>
            %gather3A_930 = vector.shape_cast %broadcast_in_dim3A_10 : vector<16x1xi32> to vector<16xi32>
            %gather3A_931 = tpu.dynamic_gather %select_n3A_926[%gather3A_930] in [0] : vector<16xf32>, vector<16xi32> -> vector<16xf32>
            %min3A_932 = arith.minimumf %select_n3A_926, %gather3A_931 : vector<16xf32>
            %max3A_933 = arith.maximumf %select_n3A_926, %gather3A_931 : vector<16xf32>
            %select_n3A_934 = arith.select %eq3A_929, %min3A_932, %max3A_933 : vector<16xi1>, vector<16xf32>
            %eq3A_935 = arith.constant 0 : i32
            %eq3A_936 = vector.broadcast %eq3A_935 : i32 to vector<16xi32>
            %eq3A_937 = arith.cmpi eq, %and3A_102, %eq3A_936 : vector<16xi32>
            %gather3A_938 = vector.shape_cast %broadcast_in_dim3A_6 : vector<16x1xi32> to vector<16xi32>
            %gather3A_939 = tpu.dynamic_gather %select_n3A_934[%gather3A_938] in [0] : vector<16xf32>, vector<16xi32> -> vector<16xf32>
            %min3A_940 = arith.minimumf %select_n3A_934, %gather3A_939 : vector<16xf32>
            %max3A_941 = arith.maximumf %select_n3A_934, %gather3A_939 : vector<16xf32>
            %select_n3A_942 = arith.select %eq3A_937, %min3A_940, %max3A_941 : vector<16xi1>, vector<16xf32>
            %eq3A_943 = arith.constant 0 : i32
            %eq3A_944 = vector.broadcast %eq3A_943 : i32 to vector<16xi32>
            %eq3A_945 = arith.cmpi eq, %and3A_112, %eq3A_944 : vector<16xi32>
            %gather3A_946 = vector.shape_cast %broadcast_in_dim3A : vector<16x1xi32> to vector<16xi32>
            %gather3A_947 = tpu.dynamic_gather %select_n3A_942[%gather3A_946] in [0] : vector<16xf32>, vector<16xi32> -> vector<16xf32>
            %min3A_948 = arith.minimumf %select_n3A_942, %gather3A_947 : vector<16xf32>
            %max3A_949 = arith.maximumf %select_n3A_942, %gather3A_947 : vector<16xf32>
            %select_n3A_950 = arith.select %eq3A_945, %min3A_948, %max3A_949 : vector<16xi1>, vector<16xf32>
            %rev3A = arith.constant 15 : i32
            %rev3A_951 = vector.broadcast %rev3A : i32 to vector<16xi32>
            %rev3A_952 = tpu.iota {dimensions = array<i32: 0>} : vector<16xi32>
            %rev3A_953 = arith.subi %rev3A_951, %rev3A_952 : vector<16xi32>
            %rev3A_954 = tpu.dynamic_gather %select_n3A_950[%rev3A_953] in [0] : vector<16xf32>, vector<16xi32> -> vector<16xf32>
            %max3A_955 = arith.maximumf %get3A_868, %rev3A_954 : vector<16xf32>
            %min3A_956 = arith.minimumf %max3A_955, %get3A_871 : vector<16xf32>
            %max3A_957 = arith.maximumf %max3A_955, %get3A_871 : vector<16xf32>
            %eq3A_958 = arith.constant 0 : i32
            %eq3A_959 = vector.broadcast %eq3A_958 : i32 to vector<16xi32>
            %eq3A_960 = arith.cmpi eq, %and3A_115, %eq3A_959 : vector<16xi32>
            %gather3A_961 = vector.shape_cast %broadcast_in_dim3A_14 : vector<16x1xi32> to vector<16xi32>
            %gather3A_962 = tpu.dynamic_gather %min3A_956[%gather3A_961] in [0] : vector<16xf32>, vector<16xi32> -> vector<16xf32>
            %min3A_963 = arith.minimumf %min3A_956, %gather3A_962 : vector<16xf32>
            %max3A_964 = arith.maximumf %min3A_956, %gather3A_962 : vector<16xf32>
            %select_n3A_965 = arith.select %eq3A_960, %min3A_963, %max3A_964 : vector<16xi1>, vector<16xf32>
            %eq3A_966 = arith.constant 0 : i32
            %eq3A_967 = vector.broadcast %eq3A_966 : i32 to vector<16xi32>
            %eq3A_968 = arith.cmpi eq, %and3A_118, %eq3A_967 : vector<16xi32>
            %gather3A_969 = vector.shape_cast %broadcast_in_dim3A_10 : vector<16x1xi32> to vector<16xi32>
            %gather3A_970 = tpu.dynamic_gather %select_n3A_965[%gather3A_969] in [0] : vector<16xf32>, vector<16xi32> -> vector<16xf32>
            %min3A_971 = arith.minimumf %select_n3A_965, %gather3A_970 : vector<16xf32>
            %max3A_972 = arith.maximumf %select_n3A_965, %gather3A_970 : vector<16xf32>
            %select_n3A_973 = arith.select %eq3A_968, %min3A_971, %max3A_972 : vector<16xi1>, vector<16xf32>
            %eq3A_974 = arith.constant 0 : i32
            %eq3A_975 = vector.broadcast %eq3A_974 : i32 to vector<16xi32>
            %eq3A_976 = arith.cmpi eq, %and3A_121, %eq3A_975 : vector<16xi32>
            %gather3A_977 = vector.shape_cast %broadcast_in_dim3A_6 : vector<16x1xi32> to vector<16xi32>
            %gather3A_978 = tpu.dynamic_gather %select_n3A_973[%gather3A_977] in [0] : vector<16xf32>, vector<16xi32> -> vector<16xf32>
            %min3A_979 = arith.minimumf %select_n3A_973, %gather3A_978 : vector<16xf32>
            %max3A_980 = arith.maximumf %select_n3A_973, %gather3A_978 : vector<16xf32>
            %select_n3A_981 = arith.select %eq3A_976, %min3A_979, %max3A_980 : vector<16xi1>, vector<16xf32>
            %eq3A_982 = arith.constant 0 : i32
            %eq3A_983 = vector.broadcast %eq3A_982 : i32 to vector<16xi32>
            %eq3A_984 = arith.cmpi eq, %and3A_124, %eq3A_983 : vector<16xi32>
            %gather3A_985 = vector.shape_cast %broadcast_in_dim3A : vector<16x1xi32> to vector<16xi32>
            %gather3A_986 = tpu.dynamic_gather %select_n3A_981[%gather3A_985] in [0] : vector<16xf32>, vector<16xi32> -> vector<16xf32>
            %min3A_987 = arith.minimumf %select_n3A_981, %gather3A_986 : vector<16xf32>
            %max3A_988 = arith.maximumf %select_n3A_981, %gather3A_986 : vector<16xf32>
            %select_n3A_989 = arith.select %eq3A_984, %min3A_987, %max3A_988 : vector<16xi1>, vector<16xf32>
            %eq3A_990 = arith.constant 0 : i32
            %eq3A_991 = vector.broadcast %eq3A_990 : i32 to vector<16xi32>
            %eq3A_992 = arith.cmpi eq, %and3A_115, %eq3A_991 : vector<16xi32>
            %gather3A_993 = vector.shape_cast %broadcast_in_dim3A_14 : vector<16x1xi32> to vector<16xi32>
            %gather3A_994 = tpu.dynamic_gather %max3A_957[%gather3A_993] in [0] : vector<16xf32>, vector<16xi32> -> vector<16xf32>
            %min3A_995 = arith.minimumf %max3A_957, %gather3A_994 : vector<16xf32>
            %max3A_996 = arith.maximumf %max3A_957, %gather3A_994 : vector<16xf32>
            %select_n3A_997 = arith.select %eq3A_992, %min3A_995, %max3A_996 : vector<16xi1>, vector<16xf32>
            %eq3A_998 = arith.constant 0 : i32
            %eq3A_999 = vector.broadcast %eq3A_998 : i32 to vector<16xi32>
            %eq3A_1000 = arith.cmpi eq, %and3A_118, %eq3A_999 : vector<16xi32>
            %gather3A_1001 = vector.shape_cast %broadcast_in_dim3A_10 : vector<16x1xi32> to vector<16xi32>
            %gather3A_1002 = tpu.dynamic_gather %select_n3A_997[%gather3A_1001] in [0] : vector<16xf32>, vector<16xi32> -> vector<16xf32>
            %min3A_1003 = arith.minimumf %select_n3A_997, %gather3A_1002 : vector<16xf32>
            %max3A_1004 = arith.maximumf %select_n3A_997, %gather3A_1002 : vector<16xf32>
            %select_n3A_1005 = arith.select %eq3A_1000, %min3A_1003, %max3A_1004 : vector<16xi1>, vector<16xf32>
            %eq3A_1006 = arith.constant 0 : i32
            %eq3A_1007 = vector.broadcast %eq3A_1006 : i32 to vector<16xi32>
            %eq3A_1008 = arith.cmpi eq, %and3A_121, %eq3A_1007 : vector<16xi32>
            %gather3A_1009 = vector.shape_cast %broadcast_in_dim3A_6 : vector<16x1xi32> to vector<16xi32>
            %gather3A_1010 = tpu.dynamic_gather %select_n3A_1005[%gather3A_1009] in [0] : vector<16xf32>, vector<16xi32> -> vector<16xf32>
            %min3A_1011 = arith.minimumf %select_n3A_1005, %gather3A_1010 : vector<16xf32>
            %max3A_1012 = arith.maximumf %select_n3A_1005, %gather3A_1010 : vector<16xf32>
            %select_n3A_1013 = arith.select %eq3A_1008, %min3A_1011, %max3A_1012 : vector<16xi1>, vector<16xf32>
            %eq3A_1014 = arith.constant 0 : i32
            %eq3A_1015 = vector.broadcast %eq3A_1014 : i32 to vector<16xi32>
            %eq3A_1016 = arith.cmpi eq, %and3A_124, %eq3A_1015 : vector<16xi32>
            %gather3A_1017 = vector.shape_cast %broadcast_in_dim3A : vector<16x1xi32> to vector<16xi32>
            %gather3A_1018 = tpu.dynamic_gather %select_n3A_1013[%gather3A_1017] in [0] : vector<16xf32>, vector<16xi32> -> vector<16xf32>
            %min3A_1019 = arith.minimumf %select_n3A_1013, %gather3A_1018 : vector<16xf32>
            %max3A_1020 = arith.maximumf %select_n3A_1013, %gather3A_1018 : vector<16xf32>
            %select_n3A_1021 = arith.select %eq3A_1016, %min3A_1019, %max3A_1020 : vector<16xi1>, vector<16xf32>
            %swap3A_1022 = arith.constant 0 : index
            %swap3A_1023 = tpu.vector_load %arg6[%swap3A_1022] {strides = array<i32>} : memref<32xf32, #tpu.memory_space<vmem>>, vector<16xf32>,
            %swap3A_1024 = vector.shape_cast %swap3A_1023 : vector<16xf32> to vector<16xf32>
            %swap3A_1025 = vector.shape_cast %select_n3A_989 : vector<16xf32> to vector<16xf32>
            tpu.vector_store %arg6[%swap3A_1022], %swap3A_1025 {strides = array<i32>} : memref<32xf32, #tpu.memory_space<vmem>>, vector<16xf32>,
            %swap3A_1026 = arith.constant 16 : index
            %swap3A_1027 = tpu.vector_load %arg6[%swap3A_1026] {strides = array<i32>} : memref<32xf32, #tpu.memory_space<vmem>>, vector<16xf32>,
            %swap3A_1028 = vector.shape_cast %swap3A_1027 : vector<16xf32> to vector<16xf32>
            %swap3A_1029 = vector.shape_cast %select_n3A_1021 : vector<16xf32> to vector<16xf32>
            tpu.vector_store %arg6[%swap3A_1026], %swap3A_1029 {strides = array<i32>} : memref<32xf32, #tpu.memory_space<vmem>>, vector<16xf32>,
            %sub3A_1030 = arith.constant 1 : i32
            %sub3A_1031 = arith.subi %while3A_849, %sub3A_1030 : i32
            %and3A_1032 = arith.andi %while3A_849, %sub3A_1031 : i32
            %slice3A_1033 = vector.extract_strided_slice %select_n3A_989 {offsets = [0], sizes = [1], strides = [1]} : vector<16xf32> to vector<1xf32>
            %squeeze3A_1034 = vector.extract %slice3A_1033[0] : f32 from vector<1xf32>
            scf.yield %and3A_1032, %squeeze3A_1034 : i32, f32
          }
          %while3A_846 = arith.constant 1 : i32
          %while3A_847:2 = scf.for %while3A_848 = %while3A_843 to %while3A_839 step %while3A_846 iter_args(%while3A_849 = %while3A_845#0, %while3A_850 = %while3A_845#1) -> (i32, f32)  : i32 {
            %neg3A = arith.constant 0 : i32
            %neg3A_851 = arith.subi %neg3A, %while3A_849 : i32
            %and3A_852 = arith.andi %while3A_849, %neg3A_851 : i32
            %convert_element_type3A_853 = arith.sitofp %and3A_852 : i32 to f32
            %bitcast_convert_type3A = arith.bitcast %convert_element_type3A_853 : f32 to i32
            %eq3A_854 = arith.cmpi eq, %and3A_852, %while3A : i32
            %shift_right_arithmetic3A_855 = arith.constant 23 : i32
            %shift_right_arithmetic3A_856 = arith.shrsi %bitcast_convert_type3A, %shift_right_arithmetic3A_855 : i32
            %sub3A = arith.constant 127 : i32
            %sub3A_857 = arith.subi %shift_right_arithmetic3A_856, %sub3A : i32
            %jit3A_858 = arith.constant 31 : i32
            %select_n3A_859 = arith.select %eq3A_854, %jit3A_858, %sub3A_857 : i32
            %mul3A_860 = arith.constant 16 : i32
            %mul3A_861 = arith.muli %select_n3A_859, %mul3A_860 : i32
            %add3A_862 = arith.addi %mul3A_206, %mul3A_861 : i32
            %get3A_863 = arith.index_cast %add3A_862 : i32 to index
            %get3A_864 = tpu.vector_load %arg4[%get3A_863] {strides = array<i32>} : memref<16384xf32, #tpu.memory_space<vmem>>, vector<16xf32>,
            %get3A_865 = vector.shape_cast %get3A_864 : vector<16xf32> to vector<16xf32>
            %get3A_866 = arith.constant 0 : index
            %get3A_867 = tpu.vector_load %arg6[%get3A_866] {strides = array<i32>} : memref<32xf32, #tpu.memory_space<vmem>>, vector<16xf32>,
            %get3A_868 = vector.shape_cast %get3A_867 : vector<16xf32> to vector<16xf32>
            %get3A_869 = arith.constant 16 : index
            %get3A_870 = tpu.vector_load %arg6[%get3A_869] {strides = array<i32>} : memref<32xf32, #tpu.memory_space<vmem>>, vector<16xf32>,
            %get3A_871 = vector.shape_cast %get3A_870 : vector<16xf32> to vector<16xf32>
            %eq3A_872 = arith.constant 0 : i32
            %eq3A_873 = vector.broadcast %eq3A_872 : i32 to vector<16xi32>
            %eq3A_874 = arith.cmpi eq, %and3A_22, %eq3A_873 : vector<16xi32>
            %gather3A_875 = vector.shape_cast %broadcast_in_dim3A : vector<16x1xi32> to vector<16xi32>
            %gather3A_876 = tpu.dynamic_gather %get3A_865[%gather3A_875] in [0] : vector<16xf32>, vector<16xi32> -> vector<16xf32>
            %min3A = arith.minimumf %get3A_865, %gather3A_876 : vector<16xf32>
            %max3A_877 = arith.maximumf %get3A_865, %gather3A_876 : vector<16xf32>
            %select_n3A_878 = arith.select %eq3A_874, %min3A, %max3A_877 : vector<16xi1>, vector<16xf32>
            %eq3A_879 = arith.constant 0 : i32
            %eq3A_880 = vector.broadcast %eq3A_879 : i32 to vector<16xi32>
            %eq3A_881 = arith.cmpi eq, %and3A_32, %eq3A_880 : vector<16xi32>
            %gather3A_882 = vector.shape_cast %broadcast_in_dim3A_6 : vector<16x1xi32> to vector<16xi32>
            %gather3A_883 = tpu.dynamic_gather %select_n3A_878[%gather3A_882] in [0] : vector<16xf32>, vector<16xi32> -> vector<16xf32>
            %min3A_884 = arith.minimumf %select_n3A_878, %gather3A_883 : vector<16xf32>
            %max3A_885 = arith.maximumf %select_n3A_878, %gather3A_883 : vector<16xf32>
            %select_n3A_886 = arith.select %eq3A_881, %min3A_884, %max3A_885 : vector<16xi1>, vector<16xf32>
            %eq3A_887 = arith.constant 0 : i32
            %eq3A_888 = vector.broadcast %eq3A_887 : i32 to vector<16xi32>
            %eq3A_889 = arith.cmpi eq, %and3A_42, %eq3A_888 : vector<16xi32>
            %gather3A_890 = vector.shape_cast %broadcast_in_dim3A : vector<16x1xi32> to vector<16xi32>
            %gather3A_891 = tpu.dynamic_gather %select_n3A_886[%gather3A_890] in [0] : vector<16xf32>, vector<16xi32> -> vector<16xf32>
            %min3A_892 = arith.minimumf %select_n3A_886, %gather3A_891 : vector<16xf32>
            %max3A_893 = arith.maximumf %select_n3A_886, %gather3A_891 : vector<16xf32>
            %select_n3A_894 = arith.select %eq3A_889, %min3A_892, %max3A_893 : vector<16xi1>, vector<16xf32>
            %eq3A_895 = arith.constant 0 : i32
            %eq3A_896 = vector.broadcast %eq3A_895 : i32 to vector<16xi32>
            %eq3A_897 = arith.cmpi eq, %and3A_52, %eq3A_896 : vector<16xi32>
            %gather3A_898 = vector.shape_cast %broadcast_in_dim3A_10 : vector<16x1xi32> to vector<16xi32>
            %gather3A_899 = tpu.dynamic_gather %select_n3A_894[%gather3A_898] in [0] : vector<16xf32>, vector<16xi32> -> vector<16xf32>
            %min3A_900 = arith.minimumf %select_n3A_894, %gather3A_899 : vector<16xf32>
            %max3A_901 = arith.maximumf %select_n3A_894, %gather3A_899 : vector<16xf32>
            %select_n3A_902 = arith.select %eq3A_897, %min3A_900, %max3A_901 : vector<16xi1>, vector<16xf32>
            %eq3A_903 = arith.constant 0 : i32
            %eq3A_904 = vector.broadcast %eq3A_903 : i32 to vector<16xi32>
            %eq3A_905 = arith.cmpi eq, %and3A_62, %eq3A_904 : vector<16xi32>
            %gather3A_906 = vector.shape_cast %broadcast_in_dim3A_6 : vector<16x1xi32> to vector<16xi32>
            %gather3A_907 = tpu.dynamic_gather %select_n3A_902[%gather3A_906] in [0] : vector<16xf32>, vector<16xi32> -> vector<16xf32>
            %min3A_908 = arith.minimumf %select_n3A_902, %gather3A_907 : vector<16xf32>
            %max3A_909 = arith.maximumf %select_n3A_902, %gather3A_907 : vector<16xf32>
            %select_n3A_910 = arith.select %eq3A_905, %min3A_908, %max3A_909 : vector<16xi1>, vector<16xf32>
            %eq3A_911 = arith.constant 0 : i32
            %eq3A_912 = vector.broadcast %eq3A_911 : i32 to vector<16xi32>
            %eq3A_913 = arith.cmpi eq, %and3A_72, %eq3A_912 : vector<16xi32>
            %gather3A_914 = vector.shape_cast %broadcast_in_dim3A : vector<16x1xi32> to vector<16xi32>
            %gather3A_915 = tpu.dynamic_gather %select_n3A_910[%gather3A_914] in [0] : vector<16xf32>, vector<16xi32> -> vector<16xf32>
            %min3A_916 = arith.minimumf %select_n3A_910, %gather3A_915 : vector<16xf32>
            %max3A_917 = arith.maximumf %select_n3A_910, %gather3A_915 : vector<16xf32>
            %select_n3A_918 = arith.select %eq3A_913, %min3A_916, %max3A_917 : vector<16xi1>, vector<16xf32>
            %eq3A_919 = arith.constant 0 : i32
            %eq3A_920 = vector.broadcast %eq3A_919 : i32 to vector<16xi32>
            %eq3A_921 = arith.cmpi eq, %and3A_82, %eq3A_920 : vector<16xi32>
            %gather3A_922 = vector.shape_cast %broadcast_in_dim3A_14 : vector<16x1xi32> to vector<16xi32>
            %gather3A_923 = tpu.dynamic_gather %select_n3A_918[%gather3A_922] in [0] : vector<16xf32>, vector<16xi32> -> vector<16xf32>
            %min3A_924 = arith.minimumf %select_n3A_918, %gather3A_923 : vector<16xf32>
            %max3A_925 = arith.maximumf %select_n3A_918, %gather3A_923 : vector<16xf32>
            %select_n3A_926 = arith.select %eq3A_921, %min3A_924, %max3A_925 : vector<16xi1>, vector<16xf32>
            %eq3A_927 = arith.constant 0 : i32
            %eq3A_928 = vector.broadcast %eq3A_927 : i32 to vector<16xi32>
            %eq3A_929 = arith.cmpi eq, %and3A_92, %eq3A_928 : vector<16xi32>
            %gather3A_930 = vector.shape_cast %broadcast_in_dim3A_10 : vector<16x1xi32> to vector<16xi32>
            %gather3A_931 = tpu.dynamic_gather %select_n3A_926[%gather3A_930] in [0] : vector<16xf32>, vector<16xi32> -> vector<16xf32>
            %min3A_932 = arith.minimumf %select_n3A_926, %gather3A_931 : vector<16xf32>
            %max3A_933 = arith.maximumf %select_n3A_926, %gather3A_931 : vector<16xf32>
            %select_n3A_934 = arith.select %eq3A_929, %min3A_932, %max3A_933 : vector<16xi1>, vector<16xf32>
            %eq3A_935 = arith.constant 0 : i32
            %eq3A_936 = vector.broadcast %eq3A_935 : i32 to vector<16xi32>
            %eq3A_937 = arith.cmpi eq, %and3A_102, %eq3A_936 : vector<16xi32>
            %gather3A_938 = vector.shape_cast %broadcast_in_dim3A_6 : vector<16x1xi32> to vector<16xi32>
            %gather3A_939 = tpu.dynamic_gather %select_n3A_934[%gather3A_938] in [0] : vector<16xf32>, vector<16xi32> -> vector<16xf32>
            %min3A_940 = arith.minimumf %select_n3A_934, %gather3A_939 : vector<16xf32>
            %max3A_941 = arith.maximumf %select_n3A_934, %gather3A_939 : vector<16xf32>
            %select_n3A_942 = arith.select %eq3A_937, %min3A_940, %max3A_941 : vector<16xi1>, vector<16xf32>
            %eq3A_943 = arith.constant 0 : i32
            %eq3A_944 = vector.broadcast %eq3A_943 : i32 to vector<16xi32>
            %eq3A_945 = arith.cmpi eq, %and3A_112, %eq3A_944 : vector<16xi32>
            %gather3A_946 = vector.shape_cast %broadcast_in_dim3A : vector<16x1xi32> to vector<16xi32>
            %gather3A_947 = tpu.dynamic_gather %select_n3A_942[%gather3A_946] in [0] : vector<16xf32>, vector<16xi32> -> vector<16xf32>
            %min3A_948 = arith.minimumf %select_n3A_942, %gather3A_947 : vector<16xf32>
            %max3A_949 = arith.maximumf %select_n3A_942, %gather3A_947 : vector<16xf32>
            %select_n3A_950 = arith.select %eq3A_945, %min3A_948, %max3A_949 : vector<16xi1>, vector<16xf32>
            %rev3A = arith.constant 15 : i32
            %rev3A_951 = vector.broadcast %rev3A : i32 to vector<16xi32>
            %rev3A_952 = tpu.iota {dimensions = array<i32: 0>} : vector<16xi32>
            %rev3A_953 = arith.subi %rev3A_951, %rev3A_952 : vector<16xi32>
            %rev3A_954 = tpu.dynamic_gather %select_n3A_950[%rev3A_953] in [0] : vector<16xf32>, vector<16xi32> -> vector<16xf32>
            %max3A_955 = arith.maximumf %get3A_868, %rev3A_954 : vector<16xf32>
            %min3A_956 = arith.minimumf %max3A_955, %get3A_871 : vector<16xf32>
            %max3A_957 = arith.maximumf %max3A_955, %get3A_871 : vector<16xf32>
            %eq3A_958 = arith.constant 0 : i32
            %eq3A_959 = vector.broadcast %eq3A_958 : i32 to vector<16xi32>
            %eq3A_960 = arith.cmpi eq, %and3A_115, %eq3A_959 : vector<16xi32>
            %gather3A_961 = vector.shape_cast %broadcast_in_dim3A_14 : vector<16x1xi32> to vector<16xi32>
            %gather3A_962 = tpu.dynamic_gather %min3A_956[%gather3A_961] in [0] : vector<16xf32>, vector<16xi32> -> vector<16xf32>
            %min3A_963 = arith.minimumf %min3A_956, %gather3A_962 : vector<16xf32>
            %max3A_964 = arith.maximumf %min3A_956, %gather3A_962 : vector<16xf32>
            %select_n3A_965 = arith.select %eq3A_960, %min3A_963, %max3A_964 : vector<16xi1>, vector<16xf32>
            %eq3A_966 = arith.constant 0 : i32
            %eq3A_967 = vector.broadcast %eq3A_966 : i32 to vector<16xi32>
            %eq3A_968 = arith.cmpi eq, %and3A_118, %eq3A_967 : vector<16xi32>
            %gather3A_969 = vector.shape_cast %broadcast_in_dim3A_10 : vector<16x1xi32> to vector<16xi32>
            %gather3A_970 = tpu.dynamic_gather %select_n3A_965[%gather3A_969] in [0] : vector<16xf32>, vector<16xi32> -> vector<16xf32>
            %min3A_971 = arith.minimumf %select_n3A_965, %gather3A_970 : vector<16xf32>
            %max3A_972 = arith.maximumf %select_n3A_965, %gather3A_970 : vector<16xf32>
            %select_n3A_973 = arith.select %eq3A_968, %min3A_971, %max3A_972 : vector<16xi1>, vector<16xf32>
            %eq3A_974 = arith.constant 0 : i32
            %eq3A_975 = vector.broadcast %eq3A_974 : i32 to vector<16xi32>
            %eq3A_976 = arith.cmpi eq, %and3A_121, %eq3A_975 : vector<16xi32>
            %gather3A_977 = vector.shape_cast %broadcast_in_dim3A_6 : vector<16x1xi32> to vector<16xi32>
            %gather3A_978 = tpu.dynamic_gather %select_n3A_973[%gather3A_977] in [0] : vector<16xf32>, vector<16xi32> -> vector<16xf32>
            %min3A_979 = arith.minimumf %select_n3A_973, %gather3A_978 : vector<16xf32>
            %max3A_980 = arith.maximumf %select_n3A_973, %gather3A_978 : vector<16xf32>
            %select_n3A_981 = arith.select %eq3A_976, %min3A_979, %max3A_980 : vector<16xi1>, vector<16xf32>
            %eq3A_982 = arith.constant 0 : i32
            %eq3A_983 = vector.broadcast %eq3A_982 : i32 to vector<16xi32>
            %eq3A_984 = arith.cmpi eq, %and3A_124, %eq3A_983 : vector<16xi32>
            %gather3A_985 = vector.shape_cast %broadcast_in_dim3A : vector<16x1xi32> to vector<16xi32>
            %gather3A_986 = tpu.dynamic_gather %select_n3A_981[%gather3A_985] in [0] : vector<16xf32>, vector<16xi32> -> vector<16xf32>
            %min3A_987 = arith.minimumf %select_n3A_981, %gather3A_986 : vector<16xf32>
            %max3A_988 = arith.maximumf %select_n3A_981, %gather3A_986 : vector<16xf32>
            %select_n3A_989 = arith.select %eq3A_984, %min3A_987, %max3A_988 : vector<16xi1>, vector<16xf32>
            %eq3A_990 = arith.constant 0 : i32
            %eq3A_991 = vector.broadcast %eq3A_990 : i32 to vector<16xi32>
            %eq3A_992 = arith.cmpi eq, %and3A_115, %eq3A_991 : vector<16xi32>
            %gather3A_993 = vector.shape_cast %broadcast_in_dim3A_14 : vector<16x1xi32> to vector<16xi32>
            %gather3A_994 = tpu.dynamic_gather %max3A_957[%gather3A_993] in [0] : vector<16xf32>, vector<16xi32> -> vector<16xf32>
            %min3A_995 = arith.minimumf %max3A_957, %gather3A_994 : vector<16xf32>
            %max3A_996 = arith.maximumf %max3A_957, %gather3A_994 : vector<16xf32>
            %select_n3A_997 = arith.select %eq3A_992, %min3A_995, %max3A_996 : vector<16xi1>, vector<16xf32>
            %eq3A_998 = arith.constant 0 : i32
            %eq3A_999 = vector.broadcast %eq3A_998 : i32 to vector<16xi32>
            %eq3A_1000 = arith.cmpi eq, %and3A_118, %eq3A_999 : vector<16xi32>
            %gather3A_1001 = vector.shape_cast %broadcast_in_dim3A_10 : vector<16x1xi32> to vector<16xi32>
            %gather3A_1002 = tpu.dynamic_gather %select_n3A_997[%gather3A_1001] in [0] : vector<16xf32>, vector<16xi32> -> vector<16xf32>
            %min3A_1003 = arith.minimumf %select_n3A_997, %gather3A_1002 : vector<16xf32>
            %max3A_1004 = arith.maximumf %select_n3A_997, %gather3A_1002 : vector<16xf32>
            %select_n3A_1005 = arith.select %eq3A_1000, %min3A_1003, %max3A_1004 : vector<16xi1>, vector<16xf32>
            %eq3A_1006 = arith.constant 0 : i32
            %eq3A_1007 = vector.broadcast %eq3A_1006 : i32 to vector<16xi32>
            %eq3A_1008 = arith.cmpi eq, %and3A_121, %eq3A_1007 : vector<16xi32>
            %gather3A_1009 = vector.shape_cast %broadcast_in_dim3A_6 : vector<16x1xi32> to vector<16xi32>
            %gather3A_1010 = tpu.dynamic_gather %select_n3A_1005[%gather3A_1009] in [0] : vector<16xf32>, vector<16xi32> -> vector<16xf32>
            %min3A_1011 = arith.minimumf %select_n3A_1005, %gather3A_1010 : vector<16xf32>
            %max3A_1012 = arith.maximumf %select_n3A_1005, %gather3A_1010 : vector<16xf32>
            %select_n3A_1013 = arith.select %eq3A_1008, %min3A_1011, %max3A_1012 : vector<16xi1>, vector<16xf32>
            %eq3A_1014 = arith.constant 0 : i32
            %eq3A_1015 = vector.broadcast %eq3A_1014 : i32 to vector<16xi32>
            %eq3A_1016 = arith.cmpi eq, %and3A_124, %eq3A_1015 : vector<16xi32>
            %gather3A_1017 = vector.shape_cast %broadcast_in_dim3A : vector<16x1xi32> to vector<16xi32>
            %gather3A_1018 = tpu.dynamic_gather %select_n3A_1013[%gather3A_1017] in [0] : vector<16xf32>, vector<16xi32> -> vector<16xf32>
            %min3A_1019 = arith.minimumf %select_n3A_1013, %gather3A_1018 : vector<16xf32>
            %max3A_1020 = arith.maximumf %select_n3A_1013, %gather3A_1018 : vector<16xf32>
            %select_n3A_1021 = arith.select %eq3A_1016, %min3A_1019, %max3A_1020 : vector<16xi1>, vector<16xf32>
            %swap3A_1022 = arith.constant 0 : index
            %swap3A_1023 = tpu.vector_load %arg6[%swap3A_1022] {strides = array<i32>} : memref<32xf32, #tpu.memory_space<vmem>>, vector<16xf32>,
            %swap3A_1024 = vector.shape_cast %swap3A_1023 : vector<16xf32> to vector<16xf32>
            %swap3A_1025 = vector.shape_cast %select_n3A_989 : vector<16xf32> to vector<16xf32>
            tpu.vector_store %arg6[%swap3A_1022], %swap3A_1025 {strides = array<i32>} : memref<32xf32, #tpu.memory_space<vmem>>, vector<16xf32>,
            %swap3A_1026 = arith.constant 16 : index
            %swap3A_1027 = tpu.vector_load %arg6[%swap3A_1026] {strides = array<i32>} : memref<32xf32, #tpu.memory_space<vmem>>, vector<16xf32>,
            %swap3A_1028 = vector.shape_cast %swap3A_1027 : vector<16xf32> to vector<16xf32>
            %swap3A_1029 = vector.shape_cast %select_n3A_1021 : vector<16xf32> to vector<16xf32>
            tpu.vector_store %arg6[%swap3A_1026], %swap3A_1029 {strides = array<i32>} : memref<32xf32, #tpu.memory_space<vmem>>, vector<16xf32>,
            %sub3A_1030 = arith.constant 1 : i32
            %sub3A_1031 = arith.subi %while3A_849, %sub3A_1030 : i32
            %and3A_1032 = arith.andi %while3A_849, %sub3A_1031 : i32
            %slice3A_1033 = vector.extract_strided_slice %select_n3A_989 {offsets = [0], sizes = [1], strides = [1]} : vector<16xf32> to vector<1xf32>
            %squeeze3A_1034 = vector.extract %slice3A_1033[0] : f32 from vector<1xf32>
            scf.yield %and3A_1032, %squeeze3A_1034 : i32, f32
          }
          scf.yield %while3A_847#1 : f32
        } else {
          scf.yield %scan3A_204 : f32
        }
        scf.yield %cond3A_410 : f32
      }
      %scan3A_165 = arith.constant 32 : i32
      %dma_wait3A_166 = tpu.memref_slice %arg2[%add3A_156] : memref<4194304xf32, #tpu.memory_space<hbm>> -> memref<16384xf32, #tpu.memory_space<hbm>>
      %dma_wait3A_167 = tpu.memref_slice %arg2[%add3A_156] : memref<4194304xf32, #tpu.memory_space<hbm>> -> memref<16384xf32, #tpu.memory_space<hbm>>
      tpu.wait_dma2 semaphore(%arg9 : memref<!tpu.dma_semaphore, #tpu.memory_space<semaphore_mem>>) src(%dma_wait3A_167 : memref<16384xf32, #tpu.memory_space<hbm>>) dst(%arg5 : memref<16384xf32, #tpu.memory_space<vmem>>)
      %scan3A_168 = arith.constant 0 : i32
      %scan3A_169 = arith.constant 32 : i32
      %scan3A_170 = arith.addi %scan3A_168, %scan3A_169 : i32
      %scan3A_171 = arith.constant 1 : i32
      %scan3A_172 = scf.for %scan3A_203 = %scan3A_168 to %scan3A_170 step %scan3A_171 iter_args(%scan3A_204 = %scan3A_164) -> (f32)  : i32 {
        %mul3A_205 = arith.constant 512 : i32
        %mul3A_206 = arith.muli %scan3A_203, %mul3A_205 : i32
        %add3A_207 = arith.constant 0 : i32
        %add3A_208 = arith.addi %mul3A_206, %add3A_207 : i32
        %get3A_209 = arith.index_cast %add3A_208 : i32 to index
        %get3A_210 = tpu.vector_load %arg5[%get3A_209] {strides = array<i32>} : memref<16384xf32, #tpu.memory_space<vmem>>, vector<16xf32>,
        %get3A_211 = vector.shape_cast %get3A_210 : vector<16xf32> to vector<16xf32>
        %add3A_212 = arith.constant 16 : i32
        %add3A_213 = arith.addi %mul3A_206, %add3A_212 : i32
        %get3A_214 = arith.index_cast %add3A_213 : i32 to index
        %get3A_215 = tpu.vector_load %arg5[%get3A_214] {strides = array<i32>} : memref<16384xf32, #tpu.memory_space<vmem>>, vector<16xf32>,
        %get3A_216 = vector.shape_cast %get3A_215 : vector<16xf32> to vector<16xf32>
        %add3A_217 = arith.constant 32 : i32
        %add3A_218 = arith.addi %mul3A_206, %add3A_217 : i32
        %get3A_219 = arith.index_cast %add3A_218 : i32 to index
        %get3A_220 = tpu.vector_load %arg5[%get3A_219] {strides = array<i32>} : memref<16384xf32, #tpu.memory_space<vmem>>, vector<16xf32>,
        %get3A_221 = vector.shape_cast %get3A_220 : vector<16xf32> to vector<16xf32>
        %add3A_222 = arith.constant 48 : i32
        %add3A_223 = arith.addi %mul3A_206, %add3A_222 : i32
        %get3A_224 = arith.index_cast %add3A_223 : i32 to index
        %get3A_225 = tpu.vector_load %arg5[%get3A_224] {strides = array<i32>} : memref<16384xf32, #tpu.memory_space<vmem>>, vector<16xf32>,
        %get3A_226 = vector.shape_cast %get3A_225 : vector<16xf32> to vector<16xf32>
        %add3A_227 = arith.constant 64 : i32
        %add3A_228 = arith.addi %mul3A_206, %add3A_227 : i32
        %get3A_229 = arith.index_cast %add3A_228 : i32 to index
        %get3A_230 = tpu.vector_load %arg5[%get3A_229] {strides = array<i32>} : memref<16384xf32, #tpu.memory_space<vmem>>, vector<16xf32>,
        %get3A_231 = vector.shape_cast %get3A_230 : vector<16xf32> to vector<16xf32>
        %add3A_232 = arith.constant 80 : i32
        %add3A_233 = arith.addi %mul3A_206, %add3A_232 : i32
        %get3A_234 = arith.index_cast %add3A_233 : i32 to index
        %get3A_235 = tpu.vector_load %arg5[%get3A_234] {strides = array<i32>} : memref<16384xf32, #tpu.memory_space<vmem>>, vector<16xf32>,
        %get3A_236 = vector.shape_cast %get3A_235 : vector<16xf32> to vector<16xf32>
        %add3A_237 = arith.constant 96 : i32
        %add3A_238 = arith.addi %mul3A_206, %add3A_237 : i32
        %get3A_239 = arith.index_cast %add3A_238 : i32 to index
        %get3A_240 = tpu.vector_load %arg5[%get3A_239] {strides = array<i32>} : memref<16384xf32, #tpu.memory_space<vmem>>, vector<16xf32>,
        %get3A_241 = vector.shape_cast %get3A_240 : vector<16xf32> to vector<16xf32>
        %add3A_242 = arith.constant 112 : i32
        %add3A_243 = arith.addi %mul3A_206, %add3A_242 : i32
        %get3A_244 = arith.index_cast %add3A_243 : i32 to index
        %get3A_245 = tpu.vector_load %arg5[%get3A_244] {strides = array<i32>} : memref<16384xf32, #tpu.memory_space<vmem>>, vector<16xf32>,
        %get3A_246 = vector.shape_cast %get3A_245 : vector<16xf32> to vector<16xf32>
        %add3A_247 = arith.constant 128 : i32
        %add3A_248 = arith.addi %mul3A_206, %add3A_247 : i32
        %get3A_249 = arith.index_cast %add3A_248 : i32 to index
        %get3A_250 = tpu.vector_load %arg5[%get3A_249] {strides = array<i32>} : memref<16384xf32, #tpu.memory_space<vmem>>, vector<16xf32>,
        %get3A_251 = vector.shape_cast %get3A_250 : vector<16xf32> to vector<16xf32>
        %add3A_252 = arith.constant 144 : i32
        %add3A_253 = arith.addi %mul3A_206, %add3A_252 : i32
        %get3A_254 = arith.index_cast %add3A_253 : i32 to index
        %get3A_255 = tpu.vector_load %arg5[%get3A_254] {strides = array<i32>} : memref<16384xf32, #tpu.memory_space<vmem>>, vector<16xf32>,
        %get3A_256 = vector.shape_cast %get3A_255 : vector<16xf32> to vector<16xf32>
        %add3A_257 = arith.constant 160 : i32
        %add3A_258 = arith.addi %mul3A_206, %add3A_257 : i32
        %get3A_259 = arith.index_cast %add3A_258 : i32 to index
        %get3A_260 = tpu.vector_load %arg5[%get3A_259] {strides = array<i32>} : memref<16384xf32, #tpu.memory_space<vmem>>, vector<16xf32>,
        %get3A_261 = vector.shape_cast %get3A_260 : vector<16xf32> to vector<16xf32>
        %add3A_262 = arith.constant 176 : i32
        %add3A_263 = arith.addi %mul3A_206, %add3A_262 : i32
        %get3A_264 = arith.index_cast %add3A_263 : i32 to index
        %get3A_265 = tpu.vector_load %arg5[%get3A_264] {strides = array<i32>} : memref<16384xf32, #tpu.memory_space<vmem>>, vector<16xf32>,
        %get3A_266 = vector.shape_cast %get3A_265 : vector<16xf32> to vector<16xf32>
        %add3A_267 = arith.constant 192 : i32
        %add3A_268 = arith.addi %mul3A_206, %add3A_267 : i32
        %get3A_269 = arith.index_cast %add3A_268 : i32 to index
        %get3A_270 = tpu.vector_load %arg5[%get3A_269] {strides = array<i32>} : memref<16384xf32, #tpu.memory_space<vmem>>, vector<16xf32>,
        %get3A_271 = vector.shape_cast %get3A_270 : vector<16xf32> to vector<16xf32>
        %add3A_272 = arith.constant 208 : i32
        %add3A_273 = arith.addi %mul3A_206, %add3A_272 : i32
        %get3A_274 = arith.index_cast %add3A_273 : i32 to index
        %get3A_275 = tpu.vector_load %arg5[%get3A_274] {strides = array<i32>} : memref<16384xf32, #tpu.memory_space<vmem>>, vector<16xf32>,
        %get3A_276 = vector.shape_cast %get3A_275 : vector<16xf32> to vector<16xf32>
        %add3A_277 = arith.constant 224 : i32
        %add3A_278 = arith.addi %mul3A_206, %add3A_277 : i32
        %get3A_279 = arith.index_cast %add3A_278 : i32 to index
        %get3A_280 = tpu.vector_load %arg5[%get3A_279] {strides = array<i32>} : memref<16384xf32, #tpu.memory_space<vmem>>, vector<16xf32>,
        %get3A_281 = vector.shape_cast %get3A_280 : vector<16xf32> to vector<16xf32>
        %add3A_282 = arith.constant 240 : i32
        %add3A_283 = arith.addi %mul3A_206, %add3A_282 : i32
        %get3A_284 = arith.index_cast %add3A_283 : i32 to index
        %get3A_285 = tpu.vector_load %arg5[%get3A_284] {strides = array<i32>} : memref<16384xf32, #tpu.memory_space<vmem>>, vector<16xf32>,
        %get3A_286 = vector.shape_cast %get3A_285 : vector<16xf32> to vector<16xf32>
        %add3A_287 = arith.constant 256 : i32
        %add3A_288 = arith.addi %mul3A_206, %add3A_287 : i32
        %get3A_289 = arith.index_cast %add3A_288 : i32 to index
        %get3A_290 = tpu.vector_load %arg5[%get3A_289] {strides = array<i32>} : memref<16384xf32, #tpu.memory_space<vmem>>, vector<16xf32>,
        %get3A_291 = vector.shape_cast %get3A_290 : vector<16xf32> to vector<16xf32>
        %add3A_292 = arith.constant 272 : i32
        %add3A_293 = arith.addi %mul3A_206, %add3A_292 : i32
        %get3A_294 = arith.index_cast %add3A_293 : i32 to index
        %get3A_295 = tpu.vector_load %arg5[%get3A_294] {strides = array<i32>} : memref<16384xf32, #tpu.memory_space<vmem>>, vector<16xf32>,
        %get3A_296 = vector.shape_cast %get3A_295 : vector<16xf32> to vector<16xf32>
        %add3A_297 = arith.constant 288 : i32
        %add3A_298 = arith.addi %mul3A_206, %add3A_297 : i32
        %get3A_299 = arith.index_cast %add3A_298 : i32 to index
        %get3A_300 = tpu.vector_load %arg5[%get3A_299] {strides = array<i32>} : memref<16384xf32, #tpu.memory_space<vmem>>, vector<16xf32>,
        %get3A_301 = vector.shape_cast %get3A_300 : vector<16xf32> to vector<16xf32>
        %add3A_302 = arith.constant 304 : i32
        %add3A_303 = arith.addi %mul3A_206, %add3A_302 : i32
        %get3A_304 = arith.index_cast %add3A_303 : i32 to index
        %get3A_305 = tpu.vector_load %arg5[%get3A_304] {strides = array<i32>} : memref<16384xf32, #tpu.memory_space<vmem>>, vector<16xf32>,
        %get3A_306 = vector.shape_cast %get3A_305 : vector<16xf32> to vector<16xf32>
        %add3A_307 = arith.constant 320 : i32
        %add3A_308 = arith.addi %mul3A_206, %add3A_307 : i32
        %get3A_309 = arith.index_cast %add3A_308 : i32 to index
        %get3A_310 = tpu.vector_load %arg5[%get3A_309] {strides = array<i32>} : memref<16384xf32, #tpu.memory_space<vmem>>, vector<16xf32>,
        %get3A_311 = vector.shape_cast %get3A_310 : vector<16xf32> to vector<16xf32>
        %add3A_312 = arith.constant 336 : i32
        %add3A_313 = arith.addi %mul3A_206, %add3A_312 : i32
        %get3A_314 = arith.index_cast %add3A_313 : i32 to index
        %get3A_315 = tpu.vector_load %arg5[%get3A_314] {strides = array<i32>} : memref<16384xf32, #tpu.memory_space<vmem>>, vector<16xf32>,
        %get3A_316 = vector.shape_cast %get3A_315 : vector<16xf32> to vector<16xf32>
        %add3A_317 = arith.constant 352 : i32
        %add3A_318 = arith.addi %mul3A_206, %add3A_317 : i32
        %get3A_319 = arith.index_cast %add3A_318 : i32 to index
        %get3A_320 = tpu.vector_load %arg5[%get3A_319] {strides = array<i32>} : memref<16384xf32, #tpu.memory_space<vmem>>, vector<16xf32>,
        %get3A_321 = vector.shape_cast %get3A_320 : vector<16xf32> to vector<16xf32>
        %add3A_322 = arith.constant 368 : i32
        %add3A_323 = arith.addi %mul3A_206, %add3A_322 : i32
        %get3A_324 = arith.index_cast %add3A_323 : i32 to index
        %get3A_325 = tpu.vector_load %arg5[%get3A_324] {strides = array<i32>} : memref<16384xf32, #tpu.memory_space<vmem>>, vector<16xf32>,
        %get3A_326 = vector.shape_cast %get3A_325 : vector<16xf32> to vector<16xf32>
        %add3A_327 = arith.constant 384 : i32
        %add3A_328 = arith.addi %mul3A_206, %add3A_327 : i32
        %get3A_329 = arith.index_cast %add3A_328 : i32 to index
        %get3A_330 = tpu.vector_load %arg5[%get3A_329] {strides = array<i32>} : memref<16384xf32, #tpu.memory_space<vmem>>, vector<16xf32>,
        %get3A_331 = vector.shape_cast %get3A_330 : vector<16xf32> to vector<16xf32>
        %add3A_332 = arith.constant 400 : i32
        %add3A_333 = arith.addi %mul3A_206, %add3A_332 : i32
        %get3A_334 = arith.index_cast %add3A_333 : i32 to index
        %get3A_335 = tpu.vector_load %arg5[%get3A_334] {strides = array<i32>} : memref<16384xf32, #tpu.memory_space<vmem>>, vector<16xf32>,
        %get3A_336 = vector.shape_cast %get3A_335 : vector<16xf32> to vector<16xf32>
        %add3A_337 = arith.constant 416 : i32
        %add3A_338 = arith.addi %mul3A_206, %add3A_337 : i32
        %get3A_339 = arith.index_cast %add3A_338 : i32 to index
        %get3A_340 = tpu.vector_load %arg5[%get3A_339] {strides = array<i32>} : memref<16384xf32, #tpu.memory_space<vmem>>, vector<16xf32>,
        %get3A_341 = vector.shape_cast %get3A_340 : vector<16xf32> to vector<16xf32>
        %add3A_342 = arith.constant 432 : i32
        %add3A_343 = arith.addi %mul3A_206, %add3A_342 : i32
        %get3A_344 = arith.index_cast %add3A_343 : i32 to index
        %get3A_345 = tpu.vector_load %arg5[%get3A_344] {strides = array<i32>} : memref<16384xf32, #tpu.memory_space<vmem>>, vector<16xf32>,
        %get3A_346 = vector.shape_cast %get3A_345 : vector<16xf32> to vector<16xf32>
        %add3A_347 = arith.constant 448 : i32
        %add3A_348 = arith.addi %mul3A_206, %add3A_347 : i32
        %get3A_349 = arith.index_cast %add3A_348 : i32 to index
        %get3A_350 = tpu.vector_load %arg5[%get3A_349] {strides = array<i32>} : memref<16384xf32, #tpu.memory_space<vmem>>, vector<16xf32>,
        %get3A_351 = vector.shape_cast %get3A_350 : vector<16xf32> to vector<16xf32>
        %add3A_352 = arith.constant 464 : i32
        %add3A_353 = arith.addi %mul3A_206, %add3A_352 : i32
        %get3A_354 = arith.index_cast %add3A_353 : i32 to index
        %get3A_355 = tpu.vector_load %arg5[%get3A_354] {strides = array<i32>} : memref<16384xf32, #tpu.memory_space<vmem>>, vector<16xf32>,
        %get3A_356 = vector.shape_cast %get3A_355 : vector<16xf32> to vector<16xf32>
        %add3A_357 = arith.constant 480 : i32
        %add3A_358 = arith.addi %mul3A_206, %add3A_357 : i32
        %get3A_359 = arith.index_cast %add3A_358 : i32 to index
        %get3A_360 = tpu.vector_load %arg5[%get3A_359] {strides = array<i32>} : memref<16384xf32, #tpu.memory_space<vmem>>, vector<16xf32>,
        %get3A_361 = vector.shape_cast %get3A_360 : vector<16xf32> to vector<16xf32>
        %add3A_362 = arith.constant 496 : i32
        %add3A_363 = arith.addi %mul3A_206, %add3A_362 : i32
        %get3A_364 = arith.index_cast %add3A_363 : i32 to index
        %get3A_365 = tpu.vector_load %arg5[%get3A_364] {strides = array<i32>} : memref<16384xf32, #tpu.memory_space<vmem>>, vector<16xf32>,
        %get3A_366 = vector.shape_cast %get3A_365 : vector<16xf32> to vector<16xf32>
        %max3A = arith.maximumf %get3A_211, %get3A_216 : vector<16xf32>
        %max3A_367 = arith.maximumf %get3A_221, %get3A_226 : vector<16xf32>
        %max3A_368 = arith.maximumf %get3A_231, %get3A_236 : vector<16xf32>
        %max3A_369 = arith.maximumf %get3A_241, %get3A_246 : vector<16xf32>
        %max3A_370 = arith.maximumf %get3A_251, %get3A_256 : vector<16xf32>
        %max3A_371 = arith.maximumf %get3A_261, %get3A_266 : vector<16xf32>
        %max3A_372 = arith.maximumf %get3A_271, %get3A_276 : vector<16xf32>
        %max3A_373 = arith.maximumf %get3A_281, %get3A_286 : vector<16xf32>
        %max3A_374 = arith.maximumf %get3A_291, %get3A_296 : vector<16xf32>
        %max3A_375 = arith.maximumf %get3A_301, %get3A_306 : vector<16xf32>
        %max3A_376 = arith.maximumf %get3A_311, %get3A_316 : vector<16xf32>
        %max3A_377 = arith.maximumf %get3A_321, %get3A_326 : vector<16xf32>
        %max3A_378 = arith.maximumf %get3A_331, %get3A_336 : vector<16xf32>
        %max3A_379 = arith.maximumf %get3A_341, %get3A_346 : vector<16xf32>
        %max3A_380 = arith.maximumf %get3A_351, %get3A_356 : vector<16xf32>
        %max3A_381 = arith.maximumf %get3A_361, %get3A_366 : vector<16xf32>
        %max3A_382 = arith.maximumf %max3A, %max3A_367 : vector<16xf32>
        %max3A_383 = arith.maximumf %max3A_368, %max3A_369 : vector<16xf32>
        %max3A_384 = arith.maximumf %max3A_370, %max3A_371 : vector<16xf32>
        %max3A_385 = arith.maximumf %max3A_372, %max3A_373 : vector<16xf32>
        %max3A_386 = arith.maximumf %max3A_374, %max3A_375 : vector<16xf32>
        %max3A_387 = arith.maximumf %max3A_376, %max3A_377 : vector<16xf32>
        %max3A_388 = arith.maximumf %max3A_378, %max3A_379 : vector<16xf32>
        %max3A_389 = arith.maximumf %max3A_380, %max3A_381 : vector<16xf32>
        %max3A_390 = arith.maximumf %max3A_382, %max3A_383 : vector<16xf32>
        %max3A_391 = arith.maximumf %max3A_384, %max3A_385 : vector<16xf32>
        %max3A_392 = arith.maximumf %max3A_386, %max3A_387 : vector<16xf32>
        %max3A_393 = arith.maximumf %max3A_388, %max3A_389 : vector<16xf32>
        %max3A_394 = arith.maximumf %max3A_390, %max3A_391 : vector<16xf32>
        %max3A_395 = arith.maximumf %max3A_392, %max3A_393 : vector<16xf32>
        %max3A_396 = arith.maximumf %max3A_394, %max3A_395 : vector<16xf32>
        %gather3A_397 = vector.shape_cast %broadcast_in_dim3A_14 : vector<16x1xi32> to vector<16xi32>
        %gather3A_398 = tpu.dynamic_gather %max3A_396[%gather3A_397] in [0] : vector<16xf32>, vector<16xi32> -> vector<16xf32>
        %max3A_399 = arith.maximumf %max3A_396, %gather3A_398 : vector<16xf32>
        %gather3A_400 = vector.shape_cast %broadcast_in_dim3A_10 : vector<16x1xi32> to vector<16xi32>
        %gather3A_401 = tpu.dynamic_gather %max3A_399[%gather3A_400] in [0] : vector<16xf32>, vector<16xi32> -> vector<16xf32>
        %max3A_402 = arith.maximumf %max3A_399, %gather3A_401 : vector<16xf32>
        %gather3A_403 = vector.shape_cast %broadcast_in_dim3A_6 : vector<16x1xi32> to vector<16xi32>
        %gather3A_404 = tpu.dynamic_gather %max3A_402[%gather3A_403] in [0] : vector<16xf32>, vector<16xi32> -> vector<16xf32>
        %max3A_405 = arith.maximumf %max3A_402, %gather3A_404 : vector<16xf32>
        %gather3A_406 = vector.shape_cast %broadcast_in_dim3A : vector<16x1xi32> to vector<16xi32>
        %gather3A_407 = tpu.dynamic_gather %max3A_405[%gather3A_406] in [0] : vector<16xf32>, vector<16xi32> -> vector<16xf32>
        %max3A_408 = arith.maximumf %max3A_405, %gather3A_407 : vector<16xf32>
        %slice3A = vector.extract_strided_slice %max3A_408 {offsets = [0], sizes = [1], strides = [1]} : vector<16xf32> to vector<1xf32>
        %squeeze3A = vector.extract %slice3A[0] : f32 from vector<1xf32>
        %gt3A = arith.cmpf ogt, %squeeze3A, %scan3A_204 : f32
        %convert_element_type3A = arith.extui %gt3A : i1 to i32
        %cond3A = arith.constant 0 : i32
        %cond3A_409 = arith.cmpi ne, %convert_element_type3A, %cond3A : i32
        %cond3A_410 = scf.if %cond3A_409 -> (f32) {
          %broadcast_in_dim3A_411 = vector.broadcast %scan3A_204 : f32 to vector<16xf32>
          %broadcast_in_dim3A_412 = arith.constant 0 : i32
          %broadcast_in_dim3A_413 = vector.broadcast %broadcast_in_dim3A_412 : i32 to vector<16xi32>
          %add3A_414 = arith.constant 0 : i32
          %add3A_415 = arith.addi %mul3A_206, %add3A_414 : i32
          %get3A_416 = arith.index_cast %add3A_415 : i32 to index
          %get3A_417 = tpu.vector_load %arg5[%get3A_416] {strides = array<i32>} : memref<16384xf32, #tpu.memory_space<vmem>>, vector<16xf32>,
          %get3A_418 = vector.shape_cast %get3A_417 : vector<16xf32> to vector<16xf32>
          %gt3A_419 = arith.cmpf ogt, %get3A_418, %broadcast_in_dim3A_411 : vector<16xf32>
          %jit3A = arith.constant 1 : i32
          %jit3A_420 = arith.constant 0 : i32
          %broadcast_in_dim3A_421 = vector.broadcast %jit3A : i32 to vector<16xi32>
          %broadcast_in_dim3A_422 = vector.broadcast %jit3A_420 : i32 to vector<16xi32>
          %select_n3A_423 = arith.select %gt3A_419, %broadcast_in_dim3A_421, %broadcast_in_dim3A_422 : vector<16xi1>, vector<16xi32>
          %or3A = arith.ori %broadcast_in_dim3A_413, %select_n3A_423 : vector<16xi32>
          %add3A_424 = arith.constant 16 : i32
          %add3A_425 = arith.addi %mul3A_206, %add3A_424 : i32
          %get3A_426 = arith.index_cast %add3A_425 : i32 to index
          %get3A_427 = tpu.vector_load %arg5[%get3A_426] {strides = array<i32>} : memref<16384xf32, #tpu.memory_space<vmem>>, vector<16xf32>,
          %get3A_428 = vector.shape_cast %get3A_427 : vector<16xf32> to vector<16xf32>
          %gt3A_429 = arith.cmpf ogt, %get3A_428, %broadcast_in_dim3A_411 : vector<16xf32>
          %jit3A_430 = arith.constant 2 : i32
          %jit3A_431 = arith.constant 0 : i32
          %broadcast_in_dim3A_432 = vector.broadcast %jit3A_430 : i32 to vector<16xi32>
          %broadcast_in_dim3A_433 = vector.broadcast %jit3A_431 : i32 to vector<16xi32>
          %select_n3A_434 = arith.select %gt3A_429, %broadcast_in_dim3A_432, %broadcast_in_dim3A_433 : vector<16xi1>, vector<16xi32>
          %or3A_435 = arith.ori %or3A, %select_n3A_434 : vector<16xi32>
          %add3A_436 = arith.constant 32 : i32
          %add3A_437 = arith.addi %mul3A_206, %add3A_436 : i32
          %get3A_438 = arith.index_cast %add3A_437 : i32 to index
          %get3A_439 = tpu.vector_load %arg5[%get3A_438] {strides = array<i32>} : memref<16384xf32, #tpu.memory_space<vmem>>, vector<16xf32>,
          %get3A_440 = vector.shape_cast %get3A_439 : vector<16xf32> to vector<16xf32>
          %gt3A_441 = arith.cmpf ogt, %get3A_440, %broadcast_in_dim3A_411 : vector<16xf32>
          %jit3A_442 = arith.constant 4 : i32
          %jit3A_443 = arith.constant 0 : i32
          %broadcast_in_dim3A_444 = vector.broadcast %jit3A_442 : i32 to vector<16xi32>
          %broadcast_in_dim3A_445 = vector.broadcast %jit3A_443 : i32 to vector<16xi32>
          %select_n3A_446 = arith.select %gt3A_441, %broadcast_in_dim3A_444, %broadcast_in_dim3A_445 : vector<16xi1>, vector<16xi32>
          %or3A_447 = arith.ori %or3A_435, %select_n3A_446 : vector<16xi32>
          %add3A_448 = arith.constant 48 : i32
          %add3A_449 = arith.addi %mul3A_206, %add3A_448 : i32
          %get3A_450 = arith.index_cast %add3A_449 : i32 to index
          %get3A_451 = tpu.vector_load %arg5[%get3A_450] {strides = array<i32>} : memref<16384xf32, #tpu.memory_space<vmem>>, vector<16xf32>,
          %get3A_452 = vector.shape_cast %get3A_451 : vector<16xf32> to vector<16xf32>
          %gt3A_453 = arith.cmpf ogt, %get3A_452, %broadcast_in_dim3A_411 : vector<16xf32>
          %jit3A_454 = arith.constant 8 : i32
          %jit3A_455 = arith.constant 0 : i32
          %broadcast_in_dim3A_456 = vector.broadcast %jit3A_454 : i32 to vector<16xi32>
          %broadcast_in_dim3A_457 = vector.broadcast %jit3A_455 : i32 to vector<16xi32>
          %select_n3A_458 = arith.select %gt3A_453, %broadcast_in_dim3A_456, %broadcast_in_dim3A_457 : vector<16xi1>, vector<16xi32>
          %or3A_459 = arith.ori %or3A_447, %select_n3A_458 : vector<16xi32>
          %add3A_460 = arith.constant 64 : i32
          %add3A_461 = arith.addi %mul3A_206, %add3A_460 : i32
          %get3A_462 = arith.index_cast %add3A_461 : i32 to index
          %get3A_463 = tpu.vector_load %arg5[%get3A_462] {strides = array<i32>} : memref<16384xf32, #tpu.memory_space<vmem>>, vector<16xf32>,
          %get3A_464 = vector.shape_cast %get3A_463 : vector<16xf32> to vector<16xf32>
          %gt3A_465 = arith.cmpf ogt, %get3A_464, %broadcast_in_dim3A_411 : vector<16xf32>
          %jit3A_466 = arith.constant 16 : i32
          %jit3A_467 = arith.constant 0 : i32
          %broadcast_in_dim3A_468 = vector.broadcast %jit3A_466 : i32 to vector<16xi32>
          %broadcast_in_dim3A_469 = vector.broadcast %jit3A_467 : i32 to vector<16xi32>
          %select_n3A_470 = arith.select %gt3A_465, %broadcast_in_dim3A_468, %broadcast_in_dim3A_469 : vector<16xi1>, vector<16xi32>
          %or3A_471 = arith.ori %or3A_459, %select_n3A_470 : vector<16xi32>
          %add3A_472 = arith.constant 80 : i32
          %add3A_473 = arith.addi %mul3A_206, %add3A_472 : i32
          %get3A_474 = arith.index_cast %add3A_473 : i32 to index
          %get3A_475 = tpu.vector_load %arg5[%get3A_474] {strides = array<i32>} : memref<16384xf32, #tpu.memory_space<vmem>>, vector<16xf32>,
          %get3A_476 = vector.shape_cast %get3A_475 : vector<16xf32> to vector<16xf32>
          %gt3A_477 = arith.cmpf ogt, %get3A_476, %broadcast_in_dim3A_411 : vector<16xf32>
          %jit3A_478 = arith.constant 32 : i32
          %jit3A_479 = arith.constant 0 : i32
          %broadcast_in_dim3A_480 = vector.broadcast %jit3A_478 : i32 to vector<16xi32>
          %broadcast_in_dim3A_481 = vector.broadcast %jit3A_479 : i32 to vector<16xi32>
          %select_n3A_482 = arith.select %gt3A_477, %broadcast_in_dim3A_480, %broadcast_in_dim3A_481 : vector<16xi1>, vector<16xi32>
          %or3A_483 = arith.ori %or3A_471, %select_n3A_482 : vector<16xi32>
          %add3A_484 = arith.constant 96 : i32
          %add3A_485 = arith.addi %mul3A_206, %add3A_484 : i32
          %get3A_486 = arith.index_cast %add3A_485 : i32 to index
          %get3A_487 = tpu.vector_load %arg5[%get3A_486] {strides = array<i32>} : memref<16384xf32, #tpu.memory_space<vmem>>, vector<16xf32>,
          %get3A_488 = vector.shape_cast %get3A_487 : vector<16xf32> to vector<16xf32>
          %gt3A_489 = arith.cmpf ogt, %get3A_488, %broadcast_in_dim3A_411 : vector<16xf32>
          %jit3A_490 = arith.constant 64 : i32
          %jit3A_491 = arith.constant 0 : i32
          %broadcast_in_dim3A_492 = vector.broadcast %jit3A_490 : i32 to vector<16xi32>
          %broadcast_in_dim3A_493 = vector.broadcast %jit3A_491 : i32 to vector<16xi32>
          %select_n3A_494 = arith.select %gt3A_489, %broadcast_in_dim3A_492, %broadcast_in_dim3A_493 : vector<16xi1>, vector<16xi32>
          %or3A_495 = arith.ori %or3A_483, %select_n3A_494 : vector<16xi32>
          %add3A_496 = arith.constant 112 : i32
          %add3A_497 = arith.addi %mul3A_206, %add3A_496 : i32
          %get3A_498 = arith.index_cast %add3A_497 : i32 to index
          %get3A_499 = tpu.vector_load %arg5[%get3A_498] {strides = array<i32>} : memref<16384xf32, #tpu.memory_space<vmem>>, vector<16xf32>,
          %get3A_500 = vector.shape_cast %get3A_499 : vector<16xf32> to vector<16xf32>
          %gt3A_501 = arith.cmpf ogt, %get3A_500, %broadcast_in_dim3A_411 : vector<16xf32>
          %jit3A_502 = arith.constant 128 : i32
          %jit3A_503 = arith.constant 0 : i32
          %broadcast_in_dim3A_504 = vector.broadcast %jit3A_502 : i32 to vector<16xi32>
          %broadcast_in_dim3A_505 = vector.broadcast %jit3A_503 : i32 to vector<16xi32>
          %select_n3A_506 = arith.select %gt3A_501, %broadcast_in_dim3A_504, %broadcast_in_dim3A_505 : vector<16xi1>, vector<16xi32>
          %or3A_507 = arith.ori %or3A_495, %select_n3A_506 : vector<16xi32>
          %add3A_508 = arith.constant 128 : i32
          %add3A_509 = arith.addi %mul3A_206, %add3A_508 : i32
          %get3A_510 = arith.index_cast %add3A_509 : i32 to index
          %get3A_511 = tpu.vector_load %arg5[%get3A_510] {strides = array<i32>} : memref<16384xf32, #tpu.memory_space<vmem>>, vector<16xf32>,
          %get3A_512 = vector.shape_cast %get3A_511 : vector<16xf32> to vector<16xf32>
          %gt3A_513 = arith.cmpf ogt, %get3A_512, %broadcast_in_dim3A_411 : vector<16xf32>
          %jit3A_514 = arith.constant 256 : i32
          %jit3A_515 = arith.constant 0 : i32
          %broadcast_in_dim3A_516 = vector.broadcast %jit3A_514 : i32 to vector<16xi32>
          %broadcast_in_dim3A_517 = vector.broadcast %jit3A_515 : i32 to vector<16xi32>
          %select_n3A_518 = arith.select %gt3A_513, %broadcast_in_dim3A_516, %broadcast_in_dim3A_517 : vector<16xi1>, vector<16xi32>
          %or3A_519 = arith.ori %or3A_507, %select_n3A_518 : vector<16xi32>
          %add3A_520 = arith.constant 144 : i32
          %add3A_521 = arith.addi %mul3A_206, %add3A_520 : i32
          %get3A_522 = arith.index_cast %add3A_521 : i32 to index
          %get3A_523 = tpu.vector_load %arg5[%get3A_522] {strides = array<i32>} : memref<16384xf32, #tpu.memory_space<vmem>>, vector<16xf32>,
          %get3A_524 = vector.shape_cast %get3A_523 : vector<16xf32> to vector<16xf32>
          %gt3A_525 = arith.cmpf ogt, %get3A_524, %broadcast_in_dim3A_411 : vector<16xf32>
          %jit3A_526 = arith.constant 512 : i32
          %jit3A_527 = arith.constant 0 : i32
          %broadcast_in_dim3A_528 = vector.broadcast %jit3A_526 : i32 to vector<16xi32>
          %broadcast_in_dim3A_529 = vector.broadcast %jit3A_527 : i32 to vector<16xi32>
          %select_n3A_530 = arith.select %gt3A_525, %broadcast_in_dim3A_528, %broadcast_in_dim3A_529 : vector<16xi1>, vector<16xi32>
          %or3A_531 = arith.ori %or3A_519, %select_n3A_530 : vector<16xi32>
          %add3A_532 = arith.constant 160 : i32
          %add3A_533 = arith.addi %mul3A_206, %add3A_532 : i32
          %get3A_534 = arith.index_cast %add3A_533 : i32 to index
          %get3A_535 = tpu.vector_load %arg5[%get3A_534] {strides = array<i32>} : memref<16384xf32, #tpu.memory_space<vmem>>, vector<16xf32>,
          %get3A_536 = vector.shape_cast %get3A_535 : vector<16xf32> to vector<16xf32>
          %gt3A_537 = arith.cmpf ogt, %get3A_536, %broadcast_in_dim3A_411 : vector<16xf32>
          %jit3A_538 = arith.constant 1024 : i32
          %jit3A_539 = arith.constant 0 : i32
          %broadcast_in_dim3A_540 = vector.broadcast %jit3A_538 : i32 to vector<16xi32>
          %broadcast_in_dim3A_541 = vector.broadcast %jit3A_539 : i32 to vector<16xi32>
          %select_n3A_542 = arith.select %gt3A_537, %broadcast_in_dim3A_540, %broadcast_in_dim3A_541 : vector<16xi1>, vector<16xi32>
          %or3A_543 = arith.ori %or3A_531, %select_n3A_542 : vector<16xi32>
          %add3A_544 = arith.constant 176 : i32
          %add3A_545 = arith.addi %mul3A_206, %add3A_544 : i32
          %get3A_546 = arith.index_cast %add3A_545 : i32 to index
          %get3A_547 = tpu.vector_load %arg5[%get3A_546] {strides = array<i32>} : memref<16384xf32, #tpu.memory_space<vmem>>, vector<16xf32>,
          %get3A_548 = vector.shape_cast %get3A_547 : vector<16xf32> to vector<16xf32>
          %gt3A_549 = arith.cmpf ogt, %get3A_548, %broadcast_in_dim3A_411 : vector<16xf32>
          %jit3A_550 = arith.constant 2048 : i32
          %jit3A_551 = arith.constant 0 : i32
          %broadcast_in_dim3A_552 = vector.broadcast %jit3A_550 : i32 to vector<16xi32>
          %broadcast_in_dim3A_553 = vector.broadcast %jit3A_551 : i32 to vector<16xi32>
          %select_n3A_554 = arith.select %gt3A_549, %broadcast_in_dim3A_552, %broadcast_in_dim3A_553 : vector<16xi1>, vector<16xi32>
          %or3A_555 = arith.ori %or3A_543, %select_n3A_554 : vector<16xi32>
          %add3A_556 = arith.constant 192 : i32
          %add3A_557 = arith.addi %mul3A_206, %add3A_556 : i32
          %get3A_558 = arith.index_cast %add3A_557 : i32 to index
          %get3A_559 = tpu.vector_load %arg5[%get3A_558] {strides = array<i32>} : memref<16384xf32, #tpu.memory_space<vmem>>, vector<16xf32>,
          %get3A_560 = vector.shape_cast %get3A_559 : vector<16xf32> to vector<16xf32>
          %gt3A_561 = arith.cmpf ogt, %get3A_560, %broadcast_in_dim3A_411 : vector<16xf32>
          %jit3A_562 = arith.constant 4096 : i32
          %jit3A_563 = arith.constant 0 : i32
          %broadcast_in_dim3A_564 = vector.broadcast %jit3A_562 : i32 to vector<16xi32>
          %broadcast_in_dim3A_565 = vector.broadcast %jit3A_563 : i32 to vector<16xi32>
          %select_n3A_566 = arith.select %gt3A_561, %broadcast_in_dim3A_564, %broadcast_in_dim3A_565 : vector<16xi1>, vector<16xi32>
          %or3A_567 = arith.ori %or3A_555, %select_n3A_566 : vector<16xi32>
          %add3A_568 = arith.constant 208 : i32
          %add3A_569 = arith.addi %mul3A_206, %add3A_568 : i32
          %get3A_570 = arith.index_cast %add3A_569 : i32 to index
          %get3A_571 = tpu.vector_load %arg5[%get3A_570] {strides = array<i32>} : memref<16384xf32, #tpu.memory_space<vmem>>, vector<16xf32>,
          %get3A_572 = vector.shape_cast %get3A_571 : vector<16xf32> to vector<16xf32>
          %gt3A_573 = arith.cmpf ogt, %get3A_572, %broadcast_in_dim3A_411 : vector<16xf32>
          %jit3A_574 = arith.constant 8192 : i32
          %jit3A_575 = arith.constant 0 : i32
          %broadcast_in_dim3A_576 = vector.broadcast %jit3A_574 : i32 to vector<16xi32>
          %broadcast_in_dim3A_577 = vector.broadcast %jit3A_575 : i32 to vector<16xi32>
          %select_n3A_578 = arith.select %gt3A_573, %broadcast_in_dim3A_576, %broadcast_in_dim3A_577 : vector<16xi1>, vector<16xi32>
          %or3A_579 = arith.ori %or3A_567, %select_n3A_578 : vector<16xi32>
          %add3A_580 = arith.constant 224 : i32
          %add3A_581 = arith.addi %mul3A_206, %add3A_580 : i32
          %get3A_582 = arith.index_cast %add3A_581 : i32 to index
          %get3A_583 = tpu.vector_load %arg5[%get3A_582] {strides = array<i32>} : memref<16384xf32, #tpu.memory_space<vmem>>, vector<16xf32>,
          %get3A_584 = vector.shape_cast %get3A_583 : vector<16xf32> to vector<16xf32>
          %gt3A_585 = arith.cmpf ogt, %get3A_584, %broadcast_in_dim3A_411 : vector<16xf32>
          %jit3A_586 = arith.constant 16384 : i32
          %jit3A_587 = arith.constant 0 : i32
          %broadcast_in_dim3A_588 = vector.broadcast %jit3A_586 : i32 to vector<16xi32>
          %broadcast_in_dim3A_589 = vector.broadcast %jit3A_587 : i32 to vector<16xi32>
          %select_n3A_590 = arith.select %gt3A_585, %broadcast_in_dim3A_588, %broadcast_in_dim3A_589 : vector<16xi1>, vector<16xi32>
          %or3A_591 = arith.ori %or3A_579, %select_n3A_590 : vector<16xi32>
          %add3A_592 = arith.constant 240 : i32
          %add3A_593 = arith.addi %mul3A_206, %add3A_592 : i32
          %get3A_594 = arith.index_cast %add3A_593 : i32 to index
          %get3A_595 = tpu.vector_load %arg5[%get3A_594] {strides = array<i32>} : memref<16384xf32, #tpu.memory_space<vmem>>, vector<16xf32>,
          %get3A_596 = vector.shape_cast %get3A_595 : vector<16xf32> to vector<16xf32>
          %gt3A_597 = arith.cmpf ogt, %get3A_596, %broadcast_in_dim3A_411 : vector<16xf32>
          %jit3A_598 = arith.constant 32768 : i32
          %jit3A_599 = arith.constant 0 : i32
          %broadcast_in_dim3A_600 = vector.broadcast %jit3A_598 : i32 to vector<16xi32>
          %broadcast_in_dim3A_601 = vector.broadcast %jit3A_599 : i32 to vector<16xi32>
          %select_n3A_602 = arith.select %gt3A_597, %broadcast_in_dim3A_600, %broadcast_in_dim3A_601 : vector<16xi1>, vector<16xi32>
          %or3A_603 = arith.ori %or3A_591, %select_n3A_602 : vector<16xi32>
          %add3A_604 = arith.constant 256 : i32
          %add3A_605 = arith.addi %mul3A_206, %add3A_604 : i32
          %get3A_606 = arith.index_cast %add3A_605 : i32 to index
          %get3A_607 = tpu.vector_load %arg5[%get3A_606] {strides = array<i32>} : memref<16384xf32, #tpu.memory_space<vmem>>, vector<16xf32>,
          %get3A_608 = vector.shape_cast %get3A_607 : vector<16xf32> to vector<16xf32>
          %gt3A_609 = arith.cmpf ogt, %get3A_608, %broadcast_in_dim3A_411 : vector<16xf32>
          %jit3A_610 = arith.constant 65536 : i32
          %jit3A_611 = arith.constant 0 : i32
          %broadcast_in_dim3A_612 = vector.broadcast %jit3A_610 : i32 to vector<16xi32>
          %broadcast_in_dim3A_613 = vector.broadcast %jit3A_611 : i32 to vector<16xi32>
          %select_n3A_614 = arith.select %gt3A_609, %broadcast_in_dim3A_612, %broadcast_in_dim3A_613 : vector<16xi1>, vector<16xi32>
          %or3A_615 = arith.ori %or3A_603, %select_n3A_614 : vector<16xi32>
          %add3A_616 = arith.constant 272 : i32
          %add3A_617 = arith.addi %mul3A_206, %add3A_616 : i32
          %get3A_618 = arith.index_cast %add3A_617 : i32 to index
          %get3A_619 = tpu.vector_load %arg5[%get3A_618] {strides = array<i32>} : memref<16384xf32, #tpu.memory_space<vmem>>, vector<16xf32>,
          %get3A_620 = vector.shape_cast %get3A_619 : vector<16xf32> to vector<16xf32>
          %gt3A_621 = arith.cmpf ogt, %get3A_620, %broadcast_in_dim3A_411 : vector<16xf32>
          %jit3A_622 = arith.constant 131072 : i32
          %jit3A_623 = arith.constant 0 : i32
          %broadcast_in_dim3A_624 = vector.broadcast %jit3A_622 : i32 to vector<16xi32>
          %broadcast_in_dim3A_625 = vector.broadcast %jit3A_623 : i32 to vector<16xi32>
          %select_n3A_626 = arith.select %gt3A_621, %broadcast_in_dim3A_624, %broadcast_in_dim3A_625 : vector<16xi1>, vector<16xi32>
          %or3A_627 = arith.ori %or3A_615, %select_n3A_626 : vector<16xi32>
          %add3A_628 = arith.constant 288 : i32
          %add3A_629 = arith.addi %mul3A_206, %add3A_628 : i32
          %get3A_630 = arith.index_cast %add3A_629 : i32 to index
          %get3A_631 = tpu.vector_load %arg5[%get3A_630] {strides = array<i32>} : memref<16384xf32, #tpu.memory_space<vmem>>, vector<16xf32>,
          %get3A_632 = vector.shape_cast %get3A_631 : vector<16xf32> to vector<16xf32>
          %gt3A_633 = arith.cmpf ogt, %get3A_632, %broadcast_in_dim3A_411 : vector<16xf32>
          %jit3A_634 = arith.constant 262144 : i32
          %jit3A_635 = arith.constant 0 : i32
          %broadcast_in_dim3A_636 = vector.broadcast %jit3A_634 : i32 to vector<16xi32>
          %broadcast_in_dim3A_637 = vector.broadcast %jit3A_635 : i32 to vector<16xi32>
          %select_n3A_638 = arith.select %gt3A_633, %broadcast_in_dim3A_636, %broadcast_in_dim3A_637 : vector<16xi1>, vector<16xi32>
          %or3A_639 = arith.ori %or3A_627, %select_n3A_638 : vector<16xi32>
          %add3A_640 = arith.constant 304 : i32
          %add3A_641 = arith.addi %mul3A_206, %add3A_640 : i32
          %get3A_642 = arith.index_cast %add3A_641 : i32 to index
          %get3A_643 = tpu.vector_load %arg5[%get3A_642] {strides = array<i32>} : memref<16384xf32, #tpu.memory_space<vmem>>, vector<16xf32>,
          %get3A_644 = vector.shape_cast %get3A_643 : vector<16xf32> to vector<16xf32>
          %gt3A_645 = arith.cmpf ogt, %get3A_644, %broadcast_in_dim3A_411 : vector<16xf32>
          %jit3A_646 = arith.constant 524288 : i32
          %jit3A_647 = arith.constant 0 : i32
          %broadcast_in_dim3A_648 = vector.broadcast %jit3A_646 : i32 to vector<16xi32>
          %broadcast_in_dim3A_649 = vector.broadcast %jit3A_647 : i32 to vector<16xi32>
          %select_n3A_650 = arith.select %gt3A_645, %broadcast_in_dim3A_648, %broadcast_in_dim3A_649 : vector<16xi1>, vector<16xi32>
          %or3A_651 = arith.ori %or3A_639, %select_n3A_650 : vector<16xi32>
          %add3A_652 = arith.constant 320 : i32
          %add3A_653 = arith.addi %mul3A_206, %add3A_652 : i32
          %get3A_654 = arith.index_cast %add3A_653 : i32 to index
          %get3A_655 = tpu.vector_load %arg5[%get3A_654] {strides = array<i32>} : memref<16384xf32, #tpu.memory_space<vmem>>, vector<16xf32>,
          %get3A_656 = vector.shape_cast %get3A_655 : vector<16xf32> to vector<16xf32>
          %gt3A_657 = arith.cmpf ogt, %get3A_656, %broadcast_in_dim3A_411 : vector<16xf32>
          %jit3A_658 = arith.constant 1048576 : i32
          %jit3A_659 = arith.constant 0 : i32
          %broadcast_in_dim3A_660 = vector.broadcast %jit3A_658 : i32 to vector<16xi32>
          %broadcast_in_dim3A_661 = vector.broadcast %jit3A_659 : i32 to vector<16xi32>
          %select_n3A_662 = arith.select %gt3A_657, %broadcast_in_dim3A_660, %broadcast_in_dim3A_661 : vector<16xi1>, vector<16xi32>
          %or3A_663 = arith.ori %or3A_651, %select_n3A_662 : vector<16xi32>
          %add3A_664 = arith.constant 336 : i32
          %add3A_665 = arith.addi %mul3A_206, %add3A_664 : i32
          %get3A_666 = arith.index_cast %add3A_665 : i32 to index
          %get3A_667 = tpu.vector_load %arg5[%get3A_666] {strides = array<i32>} : memref<16384xf32, #tpu.memory_space<vmem>>, vector<16xf32>,
          %get3A_668 = vector.shape_cast %get3A_667 : vector<16xf32> to vector<16xf32>
          %gt3A_669 = arith.cmpf ogt, %get3A_668, %broadcast_in_dim3A_411 : vector<16xf32>
          %jit3A_670 = arith.constant 2097152 : i32
          %jit3A_671 = arith.constant 0 : i32
          %broadcast_in_dim3A_672 = vector.broadcast %jit3A_670 : i32 to vector<16xi32>
          %broadcast_in_dim3A_673 = vector.broadcast %jit3A_671 : i32 to vector<16xi32>
          %select_n3A_674 = arith.select %gt3A_669, %broadcast_in_dim3A_672, %broadcast_in_dim3A_673 : vector<16xi1>, vector<16xi32>
          %or3A_675 = arith.ori %or3A_663, %select_n3A_674 : vector<16xi32>
          %add3A_676 = arith.constant 352 : i32
          %add3A_677 = arith.addi %mul3A_206, %add3A_676 : i32
          %get3A_678 = arith.index_cast %add3A_677 : i32 to index
          %get3A_679 = tpu.vector_load %arg5[%get3A_678] {strides = array<i32>} : memref<16384xf32, #tpu.memory_space<vmem>>, vector<16xf32>,
          %get3A_680 = vector.shape_cast %get3A_679 : vector<16xf32> to vector<16xf32>
          %gt3A_681 = arith.cmpf ogt, %get3A_680, %broadcast_in_dim3A_411 : vector<16xf32>
          %jit3A_682 = arith.constant 4194304 : i32
          %jit3A_683 = arith.constant 0 : i32
          %broadcast_in_dim3A_684 = vector.broadcast %jit3A_682 : i32 to vector<16xi32>
          %broadcast_in_dim3A_685 = vector.broadcast %jit3A_683 : i32 to vector<16xi32>
          %select_n3A_686 = arith.select %gt3A_681, %broadcast_in_dim3A_684, %broadcast_in_dim3A_685 : vector<16xi1>, vector<16xi32>
          %or3A_687 = arith.ori %or3A_675, %select_n3A_686 : vector<16xi32>
          %add3A_688 = arith.constant 368 : i32
          %add3A_689 = arith.addi %mul3A_206, %add3A_688 : i32
          %get3A_690 = arith.index_cast %add3A_689 : i32 to index
          %get3A_691 = tpu.vector_load %arg5[%get3A_690] {strides = array<i32>} : memref<16384xf32, #tpu.memory_space<vmem>>, vector<16xf32>,
          %get3A_692 = vector.shape_cast %get3A_691 : vector<16xf32> to vector<16xf32>
          %gt3A_693 = arith.cmpf ogt, %get3A_692, %broadcast_in_dim3A_411 : vector<16xf32>
          %jit3A_694 = arith.constant 8388608 : i32
          %jit3A_695 = arith.constant 0 : i32
          %broadcast_in_dim3A_696 = vector.broadcast %jit3A_694 : i32 to vector<16xi32>
          %broadcast_in_dim3A_697 = vector.broadcast %jit3A_695 : i32 to vector<16xi32>
          %select_n3A_698 = arith.select %gt3A_693, %broadcast_in_dim3A_696, %broadcast_in_dim3A_697 : vector<16xi1>, vector<16xi32>
          %or3A_699 = arith.ori %or3A_687, %select_n3A_698 : vector<16xi32>
          %add3A_700 = arith.constant 384 : i32
          %add3A_701 = arith.addi %mul3A_206, %add3A_700 : i32
          %get3A_702 = arith.index_cast %add3A_701 : i32 to index
          %get3A_703 = tpu.vector_load %arg5[%get3A_702] {strides = array<i32>} : memref<16384xf32, #tpu.memory_space<vmem>>, vector<16xf32>,
          %get3A_704 = vector.shape_cast %get3A_703 : vector<16xf32> to vector<16xf32>
          %gt3A_705 = arith.cmpf ogt, %get3A_704, %broadcast_in_dim3A_411 : vector<16xf32>
          %jit3A_706 = arith.constant 16777216 : i32
          %jit3A_707 = arith.constant 0 : i32
          %broadcast_in_dim3A_708 = vector.broadcast %jit3A_706 : i32 to vector<16xi32>
          %broadcast_in_dim3A_709 = vector.broadcast %jit3A_707 : i32 to vector<16xi32>
          %select_n3A_710 = arith.select %gt3A_705, %broadcast_in_dim3A_708, %broadcast_in_dim3A_709 : vector<16xi1>, vector<16xi32>
          %or3A_711 = arith.ori %or3A_699, %select_n3A_710 : vector<16xi32>
          %add3A_712 = arith.constant 400 : i32
          %add3A_713 = arith.addi %mul3A_206, %add3A_712 : i32
          %get3A_714 = arith.index_cast %add3A_713 : i32 to index
          %get3A_715 = tpu.vector_load %arg5[%get3A_714] {strides = array<i32>} : memref<16384xf32, #tpu.memory_space<vmem>>, vector<16xf32>,
          %get3A_716 = vector.shape_cast %get3A_715 : vector<16xf32> to vector<16xf32>
          %gt3A_717 = arith.cmpf ogt, %get3A_716, %broadcast_in_dim3A_411 : vector<16xf32>
          %jit3A_718 = arith.constant 33554432 : i32
          %jit3A_719 = arith.constant 0 : i32
          %broadcast_in_dim3A_720 = vector.broadcast %jit3A_718 : i32 to vector<16xi32>
          %broadcast_in_dim3A_721 = vector.broadcast %jit3A_719 : i32 to vector<16xi32>
          %select_n3A_722 = arith.select %gt3A_717, %broadcast_in_dim3A_720, %broadcast_in_dim3A_721 : vector<16xi1>, vector<16xi32>
          %or3A_723 = arith.ori %or3A_711, %select_n3A_722 : vector<16xi32>
          %add3A_724 = arith.constant 416 : i32
          %add3A_725 = arith.addi %mul3A_206, %add3A_724 : i32
          %get3A_726 = arith.index_cast %add3A_725 : i32 to index
          %get3A_727 = tpu.vector_load %arg5[%get3A_726] {strides = array<i32>} : memref<16384xf32, #tpu.memory_space<vmem>>, vector<16xf32>,
          %get3A_728 = vector.shape_cast %get3A_727 : vector<16xf32> to vector<16xf32>
          %gt3A_729 = arith.cmpf ogt, %get3A_728, %broadcast_in_dim3A_411 : vector<16xf32>
          %jit3A_730 = arith.constant 67108864 : i32
          %jit3A_731 = arith.constant 0 : i32
          %broadcast_in_dim3A_732 = vector.broadcast %jit3A_730 : i32 to vector<16xi32>
          %broadcast_in_dim3A_733 = vector.broadcast %jit3A_731 : i32 to vector<16xi32>
          %select_n3A_734 = arith.select %gt3A_729, %broadcast_in_dim3A_732, %broadcast_in_dim3A_733 : vector<16xi1>, vector<16xi32>
          %or3A_735 = arith.ori %or3A_723, %select_n3A_734 : vector<16xi32>
          %add3A_736 = arith.constant 432 : i32
          %add3A_737 = arith.addi %mul3A_206, %add3A_736 : i32
          %get3A_738 = arith.index_cast %add3A_737 : i32 to index
          %get3A_739 = tpu.vector_load %arg5[%get3A_738] {strides = array<i32>} : memref<16384xf32, #tpu.memory_space<vmem>>, vector<16xf32>,
          %get3A_740 = vector.shape_cast %get3A_739 : vector<16xf32> to vector<16xf32>
          %gt3A_741 = arith.cmpf ogt, %get3A_740, %broadcast_in_dim3A_411 : vector<16xf32>
          %jit3A_742 = arith.constant 134217728 : i32
          %jit3A_743 = arith.constant 0 : i32
          %broadcast_in_dim3A_744 = vector.broadcast %jit3A_742 : i32 to vector<16xi32>
          %broadcast_in_dim3A_745 = vector.broadcast %jit3A_743 : i32 to vector<16xi32>
          %select_n3A_746 = arith.select %gt3A_741, %broadcast_in_dim3A_744, %broadcast_in_dim3A_745 : vector<16xi1>, vector<16xi32>
          %or3A_747 = arith.ori %or3A_735, %select_n3A_746 : vector<16xi32>
          %add3A_748 = arith.constant 448 : i32
          %add3A_749 = arith.addi %mul3A_206, %add3A_748 : i32
          %get3A_750 = arith.index_cast %add3A_749 : i32 to index
          %get3A_751 = tpu.vector_load %arg5[%get3A_750] {strides = array<i32>} : memref<16384xf32, #tpu.memory_space<vmem>>, vector<16xf32>,
          %get3A_752 = vector.shape_cast %get3A_751 : vector<16xf32> to vector<16xf32>
          %gt3A_753 = arith.cmpf ogt, %get3A_752, %broadcast_in_dim3A_411 : vector<16xf32>
          %jit3A_754 = arith.constant 268435456 : i32
          %jit3A_755 = arith.constant 0 : i32
          %broadcast_in_dim3A_756 = vector.broadcast %jit3A_754 : i32 to vector<16xi32>
          %broadcast_in_dim3A_757 = vector.broadcast %jit3A_755 : i32 to vector<16xi32>
          %select_n3A_758 = arith.select %gt3A_753, %broadcast_in_dim3A_756, %broadcast_in_dim3A_757 : vector<16xi1>, vector<16xi32>
          %or3A_759 = arith.ori %or3A_747, %select_n3A_758 : vector<16xi32>
          %add3A_760 = arith.constant 464 : i32
          %add3A_761 = arith.addi %mul3A_206, %add3A_760 : i32
          %get3A_762 = arith.index_cast %add3A_761 : i32 to index
          %get3A_763 = tpu.vector_load %arg5[%get3A_762] {strides = array<i32>} : memref<16384xf32, #tpu.memory_space<vmem>>, vector<16xf32>,
          %get3A_764 = vector.shape_cast %get3A_763 : vector<16xf32> to vector<16xf32>
          %gt3A_765 = arith.cmpf ogt, %get3A_764, %broadcast_in_dim3A_411 : vector<16xf32>
          %jit3A_766 = arith.constant 536870912 : i32
          %jit3A_767 = arith.constant 0 : i32
          %broadcast_in_dim3A_768 = vector.broadcast %jit3A_766 : i32 to vector<16xi32>
          %broadcast_in_dim3A_769 = vector.broadcast %jit3A_767 : i32 to vector<16xi32>
          %select_n3A_770 = arith.select %gt3A_765, %broadcast_in_dim3A_768, %broadcast_in_dim3A_769 : vector<16xi1>, vector<16xi32>
          %or3A_771 = arith.ori %or3A_759, %select_n3A_770 : vector<16xi32>
          %add3A_772 = arith.constant 480 : i32
          %add3A_773 = arith.addi %mul3A_206, %add3A_772 : i32
          %get3A_774 = arith.index_cast %add3A_773 : i32 to index
          %get3A_775 = tpu.vector_load %arg5[%get3A_774] {strides = array<i32>} : memref<16384xf32, #tpu.memory_space<vmem>>, vector<16xf32>,
          %get3A_776 = vector.shape_cast %get3A_775 : vector<16xf32> to vector<16xf32>
          %gt3A_777 = arith.cmpf ogt, %get3A_776, %broadcast_in_dim3A_411 : vector<16xf32>
          %jit3A_778 = arith.constant 1073741824 : i32
          %jit3A_779 = arith.constant 0 : i32
          %broadcast_in_dim3A_780 = vector.broadcast %jit3A_778 : i32 to vector<16xi32>
          %broadcast_in_dim3A_781 = vector.broadcast %jit3A_779 : i32 to vector<16xi32>
          %select_n3A_782 = arith.select %gt3A_777, %broadcast_in_dim3A_780, %broadcast_in_dim3A_781 : vector<16xi1>, vector<16xi32>
          %or3A_783 = arith.ori %or3A_771, %select_n3A_782 : vector<16xi32>
          %add3A_784 = arith.constant 496 : i32
          %add3A_785 = arith.addi %mul3A_206, %add3A_784 : i32
          %get3A_786 = arith.index_cast %add3A_785 : i32 to index
          %get3A_787 = tpu.vector_load %arg5[%get3A_786] {strides = array<i32>} : memref<16384xf32, #tpu.memory_space<vmem>>, vector<16xf32>,
          %get3A_788 = vector.shape_cast %get3A_787 : vector<16xf32> to vector<16xf32>
          %gt3A_789 = arith.cmpf ogt, %get3A_788, %broadcast_in_dim3A_411 : vector<16xf32>
          %jit3A_790 = arith.constant -2147483648 : i32
          %jit3A_791 = arith.constant 0 : i32
          %broadcast_in_dim3A_792 = vector.broadcast %jit3A_790 : i32 to vector<16xi32>
          %broadcast_in_dim3A_793 = vector.broadcast %jit3A_791 : i32 to vector<16xi32>
          %select_n3A_794 = arith.select %gt3A_789, %broadcast_in_dim3A_792, %broadcast_in_dim3A_793 : vector<16xi1>, vector<16xi32>
          %or3A_795 = arith.ori %or3A_783, %select_n3A_794 : vector<16xi32>
          %gather3A_796 = vector.shape_cast %broadcast_in_dim3A_14 : vector<16x1xi32> to vector<16xi32>
          %gather3A_797 = tpu.dynamic_gather %or3A_795[%gather3A_796] in [0] : vector<16xi32>, vector<16xi32> -> vector<16xi32>
          %or3A_798 = arith.ori %or3A_795, %gather3A_797 : vector<16xi32>
          %gather3A_799 = vector.shape_cast %broadcast_in_dim3A_10 : vector<16x1xi32> to vector<16xi32>
          %gather3A_800 = tpu.dynamic_gather %or3A_798[%gather3A_799] in [0] : vector<16xi32>, vector<16xi32> -> vector<16xi32>
          %or3A_801 = arith.ori %or3A_798, %gather3A_800 : vector<16xi32>
          %gather3A_802 = vector.shape_cast %broadcast_in_dim3A_6 : vector<16x1xi32> to vector<16xi32>
          %gather3A_803 = tpu.dynamic_gather %or3A_801[%gather3A_802] in [0] : vector<16xi32>, vector<16xi32> -> vector<16xi32>
          %or3A_804 = arith.ori %or3A_801, %gather3A_803 : vector<16xi32>
          %gather3A_805 = vector.shape_cast %broadcast_in_dim3A : vector<16x1xi32> to vector<16xi32>
          %gather3A_806 = tpu.dynamic_gather %or3A_804[%gather3A_805] in [0] : vector<16xi32>, vector<16xi32> -> vector<16xi32>
          %or3A_807 = arith.ori %or3A_804, %gather3A_806 : vector<16xi32>
          %slice3A_808 = vector.extract_strided_slice %or3A_807 {offsets = [0], sizes = [1], strides = [1]} : vector<16xi32> to vector<1xi32>
          %squeeze3A_809 = vector.extract %slice3A_808[0] : i32 from vector<1xi32>
          %iota3A_810 = tpu.iota {dimensions = array<i32: 0>} : vector<16xi32>
          %shift_right_arithmetic3A_811 = arith.shrsi %or3A_807, %iota3A_810 : vector<16xi32>
          %and3A_812 = arith.constant 1 : i32
          %and3A_813 = vector.broadcast %and3A_812 : i32 to vector<16xi32>
          %and3A_814 = arith.andi %shift_right_arithmetic3A_811, %and3A_813 : vector<16xi32>
          %add3A_815 = arith.constant 16 : i32
          %add3A_816 = vector.broadcast %add3A_815 : i32 to vector<16xi32>
          %add3A_817 = arith.addi %iota3A_810, %add3A_816 : vector<16xi32>
          %shift_right_arithmetic3A_818 = arith.shrsi %or3A_807, %add3A_817 : vector<16xi32>
          %and3A_819 = arith.constant 1 : i32
          %and3A_820 = vector.broadcast %and3A_819 : i32 to vector<16xi32>
          %and3A_821 = arith.andi %shift_right_arithmetic3A_818, %and3A_820 : vector<16xi32>
          %add3A_822 = arith.addi %and3A_814, %and3A_821 : vector<16xi32>
          %gather3A_823 = vector.shape_cast %broadcast_in_dim3A_14 : vector<16x1xi32> to vector<16xi32>
          %gather3A_824 = tpu.dynamic_gather %add3A_822[%gather3A_823] in [0] : vector<16xi32>, vector<16xi32> -> vector<16xi32>
          %add3A_825 = arith.addi %add3A_822, %gather3A_824 : vector<16xi32>
          %gather3A_826 = vector.shape_cast %broadcast_in_dim3A_10 : vector<16x1xi32> to vector<16xi32>
          %gather3A_827 = tpu.dynamic_gather %add3A_825[%gather3A_826] in [0] : vector<16xi32>, vector<16xi32> -> vector<16xi32>
          %add3A_828 = arith.addi %add3A_825, %gather3A_827 : vector<16xi32>
          %gather3A_829 = vector.shape_cast %broadcast_in_dim3A_6 : vector<16x1xi32> to vector<16xi32>
          %gather3A_830 = tpu.dynamic_gather %add3A_828[%gather3A_829] in [0] : vector<16xi32>, vector<16xi32> -> vector<16xi32>
          %add3A_831 = arith.addi %add3A_828, %gather3A_830 : vector<16xi32>
          %gather3A_832 = vector.shape_cast %broadcast_in_dim3A : vector<16x1xi32> to vector<16xi32>
          %gather3A_833 = tpu.dynamic_gather %add3A_831[%gather3A_832] in [0] : vector<16xi32>, vector<16xi32> -> vector<16xi32>
          %add3A_834 = arith.addi %add3A_831, %gather3A_833 : vector<16xi32>
          %slice3A_835 = vector.extract_strided_slice %add3A_834 {offsets = [0], sizes = [1], strides = [1]} : vector<16xi32> to vector<1xi32>
          %squeeze3A_836 = vector.extract %slice3A_835[0] : i32 from vector<1xi32>
          %while3A = arith.constant -2147483648 : i32
          %while3A_837 = arith.constant 0 : i32
          %while3A_838 = arith.subi %squeeze3A_836, %while3A_837 : i32
          %while3A_839 = arith.addi %while3A_837, %while3A_838 : i32
          %while3A_840 = arith.constant 1 : i32
          %while3A_841 = arith.divsi %while3A_838, %while3A_840 : i32
          %while3A_842 = arith.muli %while3A_841, %while3A_840 : i32
          %while3A_843 = arith.addi %while3A_837, %while3A_842 : i32
          %while3A_844 = arith.constant 1 : i32
          %while3A_845:2 = scf.for %while3A_848 = %while3A_837 to %while3A_843 step %while3A_844 iter_args(%while3A_849 = %squeeze3A_809, %while3A_850 = %scan3A_204) -> (i32, f32)  : i32 {
            %neg3A = arith.constant 0 : i32
            %neg3A_851 = arith.subi %neg3A, %while3A_849 : i32
            %and3A_852 = arith.andi %while3A_849, %neg3A_851 : i32
            %convert_element_type3A_853 = arith.sitofp %and3A_852 : i32 to f32
            %bitcast_convert_type3A = arith.bitcast %convert_element_type3A_853 : f32 to i32
            %eq3A_854 = arith.cmpi eq, %and3A_852, %while3A : i32
            %shift_right_arithmetic3A_855 = arith.constant 23 : i32
            %shift_right_arithmetic3A_856 = arith.shrsi %bitcast_convert_type3A, %shift_right_arithmetic3A_855 : i32
            %sub3A = arith.constant 127 : i32
            %sub3A_857 = arith.subi %shift_right_arithmetic3A_856, %sub3A : i32
            %jit3A_858 = arith.constant 31 : i32
            %select_n3A_859 = arith.select %eq3A_854, %jit3A_858, %sub3A_857 : i32
            %mul3A_860 = arith.constant 16 : i32
            %mul3A_861 = arith.muli %select_n3A_859, %mul3A_860 : i32
            %add3A_862 = arith.addi %mul3A_206, %mul3A_861 : i32
            %get3A_863 = arith.index_cast %add3A_862 : i32 to index
            %get3A_864 = tpu.vector_load %arg5[%get3A_863] {strides = array<i32>} : memref<16384xf32, #tpu.memory_space<vmem>>, vector<16xf32>,
            %get3A_865 = vector.shape_cast %get3A_864 : vector<16xf32> to vector<16xf32>
            %get3A_866 = arith.constant 0 : index
            %get3A_867 = tpu.vector_load %arg6[%get3A_866] {strides = array<i32>} : memref<32xf32, #tpu.memory_space<vmem>>, vector<16xf32>,
            %get3A_868 = vector.shape_cast %get3A_867 : vector<16xf32> to vector<16xf32>
            %get3A_869 = arith.constant 16 : index
            %get3A_870 = tpu.vector_load %arg6[%get3A_869] {strides = array<i32>} : memref<32xf32, #tpu.memory_space<vmem>>, vector<16xf32>,
            %get3A_871 = vector.shape_cast %get3A_870 : vector<16xf32> to vector<16xf32>
            %eq3A_872 = arith.constant 0 : i32
            %eq3A_873 = vector.broadcast %eq3A_872 : i32 to vector<16xi32>
            %eq3A_874 = arith.cmpi eq, %and3A_22, %eq3A_873 : vector<16xi32>
            %gather3A_875 = vector.shape_cast %broadcast_in_dim3A : vector<16x1xi32> to vector<16xi32>
            %gather3A_876 = tpu.dynamic_gather %get3A_865[%gather3A_875] in [0] : vector<16xf32>, vector<16xi32> -> vector<16xf32>
            %min3A = arith.minimumf %get3A_865, %gather3A_876 : vector<16xf32>
            %max3A_877 = arith.maximumf %get3A_865, %gather3A_876 : vector<16xf32>
            %select_n3A_878 = arith.select %eq3A_874, %min3A, %max3A_877 : vector<16xi1>, vector<16xf32>
            %eq3A_879 = arith.constant 0 : i32
            %eq3A_880 = vector.broadcast %eq3A_879 : i32 to vector<16xi32>
            %eq3A_881 = arith.cmpi eq, %and3A_32, %eq3A_880 : vector<16xi32>
            %gather3A_882 = vector.shape_cast %broadcast_in_dim3A_6 : vector<16x1xi32> to vector<16xi32>
            %gather3A_883 = tpu.dynamic_gather %select_n3A_878[%gather3A_882] in [0] : vector<16xf32>, vector<16xi32> -> vector<16xf32>
            %min3A_884 = arith.minimumf %select_n3A_878, %gather3A_883 : vector<16xf32>
            %max3A_885 = arith.maximumf %select_n3A_878, %gather3A_883 : vector<16xf32>
            %select_n3A_886 = arith.select %eq3A_881, %min3A_884, %max3A_885 : vector<16xi1>, vector<16xf32>
            %eq3A_887 = arith.constant 0 : i32
            %eq3A_888 = vector.broadcast %eq3A_887 : i32 to vector<16xi32>
            %eq3A_889 = arith.cmpi eq, %and3A_42, %eq3A_888 : vector<16xi32>
            %gather3A_890 = vector.shape_cast %broadcast_in_dim3A : vector<16x1xi32> to vector<16xi32>
            %gather3A_891 = tpu.dynamic_gather %select_n3A_886[%gather3A_890] in [0] : vector<16xf32>, vector<16xi32> -> vector<16xf32>
            %min3A_892 = arith.minimumf %select_n3A_886, %gather3A_891 : vector<16xf32>
            %max3A_893 = arith.maximumf %select_n3A_886, %gather3A_891 : vector<16xf32>
            %select_n3A_894 = arith.select %eq3A_889, %min3A_892, %max3A_893 : vector<16xi1>, vector<16xf32>
            %eq3A_895 = arith.constant 0 : i32
            %eq3A_896 = vector.broadcast %eq3A_895 : i32 to vector<16xi32>
            %eq3A_897 = arith.cmpi eq, %and3A_52, %eq3A_896 : vector<16xi32>
            %gather3A_898 = vector.shape_cast %broadcast_in_dim3A_10 : vector<16x1xi32> to vector<16xi32>
            %gather3A_899 = tpu.dynamic_gather %select_n3A_894[%gather3A_898] in [0] : vector<16xf32>, vector<16xi32> -> vector<16xf32>
            %min3A_900 = arith.minimumf %select_n3A_894, %gather3A_899 : vector<16xf32>
            %max3A_901 = arith.maximumf %select_n3A_894, %gather3A_899 : vector<16xf32>
            %select_n3A_902 = arith.select %eq3A_897, %min3A_900, %max3A_901 : vector<16xi1>, vector<16xf32>
            %eq3A_903 = arith.constant 0 : i32
            %eq3A_904 = vector.broadcast %eq3A_903 : i32 to vector<16xi32>
            %eq3A_905 = arith.cmpi eq, %and3A_62, %eq3A_904 : vector<16xi32>
            %gather3A_906 = vector.shape_cast %broadcast_in_dim3A_6 : vector<16x1xi32> to vector<16xi32>
            %gather3A_907 = tpu.dynamic_gather %select_n3A_902[%gather3A_906] in [0] : vector<16xf32>, vector<16xi32> -> vector<16xf32>
            %min3A_908 = arith.minimumf %select_n3A_902, %gather3A_907 : vector<16xf32>
            %max3A_909 = arith.maximumf %select_n3A_902, %gather3A_907 : vector<16xf32>
            %select_n3A_910 = arith.select %eq3A_905, %min3A_908, %max3A_909 : vector<16xi1>, vector<16xf32>
            %eq3A_911 = arith.constant 0 : i32
            %eq3A_912 = vector.broadcast %eq3A_911 : i32 to vector<16xi32>
            %eq3A_913 = arith.cmpi eq, %and3A_72, %eq3A_912 : vector<16xi32>
            %gather3A_914 = vector.shape_cast %broadcast_in_dim3A : vector<16x1xi32> to vector<16xi32>
            %gather3A_915 = tpu.dynamic_gather %select_n3A_910[%gather3A_914] in [0] : vector<16xf32>, vector<16xi32> -> vector<16xf32>
            %min3A_916 = arith.minimumf %select_n3A_910, %gather3A_915 : vector<16xf32>
            %max3A_917 = arith.maximumf %select_n3A_910, %gather3A_915 : vector<16xf32>
            %select_n3A_918 = arith.select %eq3A_913, %min3A_916, %max3A_917 : vector<16xi1>, vector<16xf32>
            %eq3A_919 = arith.constant 0 : i32
            %eq3A_920 = vector.broadcast %eq3A_919 : i32 to vector<16xi32>
            %eq3A_921 = arith.cmpi eq, %and3A_82, %eq3A_920 : vector<16xi32>
            %gather3A_922 = vector.shape_cast %broadcast_in_dim3A_14 : vector<16x1xi32> to vector<16xi32>
            %gather3A_923 = tpu.dynamic_gather %select_n3A_918[%gather3A_922] in [0] : vector<16xf32>, vector<16xi32> -> vector<16xf32>
            %min3A_924 = arith.minimumf %select_n3A_918, %gather3A_923 : vector<16xf32>
            %max3A_925 = arith.maximumf %select_n3A_918, %gather3A_923 : vector<16xf32>
            %select_n3A_926 = arith.select %eq3A_921, %min3A_924, %max3A_925 : vector<16xi1>, vector<16xf32>
            %eq3A_927 = arith.constant 0 : i32
            %eq3A_928 = vector.broadcast %eq3A_927 : i32 to vector<16xi32>
            %eq3A_929 = arith.cmpi eq, %and3A_92, %eq3A_928 : vector<16xi32>
            %gather3A_930 = vector.shape_cast %broadcast_in_dim3A_10 : vector<16x1xi32> to vector<16xi32>
            %gather3A_931 = tpu.dynamic_gather %select_n3A_926[%gather3A_930] in [0] : vector<16xf32>, vector<16xi32> -> vector<16xf32>
            %min3A_932 = arith.minimumf %select_n3A_926, %gather3A_931 : vector<16xf32>
            %max3A_933 = arith.maximumf %select_n3A_926, %gather3A_931 : vector<16xf32>
            %select_n3A_934 = arith.select %eq3A_929, %min3A_932, %max3A_933 : vector<16xi1>, vector<16xf32>
            %eq3A_935 = arith.constant 0 : i32
            %eq3A_936 = vector.broadcast %eq3A_935 : i32 to vector<16xi32>
            %eq3A_937 = arith.cmpi eq, %and3A_102, %eq3A_936 : vector<16xi32>
            %gather3A_938 = vector.shape_cast %broadcast_in_dim3A_6 : vector<16x1xi32> to vector<16xi32>
            %gather3A_939 = tpu.dynamic_gather %select_n3A_934[%gather3A_938] in [0] : vector<16xf32>, vector<16xi32> -> vector<16xf32>
            %min3A_940 = arith.minimumf %select_n3A_934, %gather3A_939 : vector<16xf32>
            %max3A_941 = arith.maximumf %select_n3A_934, %gather3A_939 : vector<16xf32>
            %select_n3A_942 = arith.select %eq3A_937, %min3A_940, %max3A_941 : vector<16xi1>, vector<16xf32>
            %eq3A_943 = arith.constant 0 : i32
            %eq3A_944 = vector.broadcast %eq3A_943 : i32 to vector<16xi32>
            %eq3A_945 = arith.cmpi eq, %and3A_112, %eq3A_944 : vector<16xi32>
            %gather3A_946 = vector.shape_cast %broadcast_in_dim3A : vector<16x1xi32> to vector<16xi32>
            %gather3A_947 = tpu.dynamic_gather %select_n3A_942[%gather3A_946] in [0] : vector<16xf32>, vector<16xi32> -> vector<16xf32>
            %min3A_948 = arith.minimumf %select_n3A_942, %gather3A_947 : vector<16xf32>
            %max3A_949 = arith.maximumf %select_n3A_942, %gather3A_947 : vector<16xf32>
            %select_n3A_950 = arith.select %eq3A_945, %min3A_948, %max3A_949 : vector<16xi1>, vector<16xf32>
            %rev3A = arith.constant 15 : i32
            %rev3A_951 = vector.broadcast %rev3A : i32 to vector<16xi32>
            %rev3A_952 = tpu.iota {dimensions = array<i32: 0>} : vector<16xi32>
            %rev3A_953 = arith.subi %rev3A_951, %rev3A_952 : vector<16xi32>
            %rev3A_954 = tpu.dynamic_gather %select_n3A_950[%rev3A_953] in [0] : vector<16xf32>, vector<16xi32> -> vector<16xf32>
            %max3A_955 = arith.maximumf %get3A_868, %rev3A_954 : vector<16xf32>
            %min3A_956 = arith.minimumf %max3A_955, %get3A_871 : vector<16xf32>
            %max3A_957 = arith.maximumf %max3A_955, %get3A_871 : vector<16xf32>
            %eq3A_958 = arith.constant 0 : i32
            %eq3A_959 = vector.broadcast %eq3A_958 : i32 to vector<16xi32>
            %eq3A_960 = arith.cmpi eq, %and3A_115, %eq3A_959 : vector<16xi32>
            %gather3A_961 = vector.shape_cast %broadcast_in_dim3A_14 : vector<16x1xi32> to vector<16xi32>
            %gather3A_962 = tpu.dynamic_gather %min3A_956[%gather3A_961] in [0] : vector<16xf32>, vector<16xi32> -> vector<16xf32>
            %min3A_963 = arith.minimumf %min3A_956, %gather3A_962 : vector<16xf32>
            %max3A_964 = arith.maximumf %min3A_956, %gather3A_962 : vector<16xf32>
            %select_n3A_965 = arith.select %eq3A_960, %min3A_963, %max3A_964 : vector<16xi1>, vector<16xf32>
            %eq3A_966 = arith.constant 0 : i32
            %eq3A_967 = vector.broadcast %eq3A_966 : i32 to vector<16xi32>
            %eq3A_968 = arith.cmpi eq, %and3A_118, %eq3A_967 : vector<16xi32>
            %gather3A_969 = vector.shape_cast %broadcast_in_dim3A_10 : vector<16x1xi32> to vector<16xi32>
            %gather3A_970 = tpu.dynamic_gather %select_n3A_965[%gather3A_969] in [0] : vector<16xf32>, vector<16xi32> -> vector<16xf32>
            %min3A_971 = arith.minimumf %select_n3A_965, %gather3A_970 : vector<16xf32>
            %max3A_972 = arith.maximumf %select_n3A_965, %gather3A_970 : vector<16xf32>
            %select_n3A_973 = arith.select %eq3A_968, %min3A_971, %max3A_972 : vector<16xi1>, vector<16xf32>
            %eq3A_974 = arith.constant 0 : i32
            %eq3A_975 = vector.broadcast %eq3A_974 : i32 to vector<16xi32>
            %eq3A_976 = arith.cmpi eq, %and3A_121, %eq3A_975 : vector<16xi32>
            %gather3A_977 = vector.shape_cast %broadcast_in_dim3A_6 : vector<16x1xi32> to vector<16xi32>
            %gather3A_978 = tpu.dynamic_gather %select_n3A_973[%gather3A_977] in [0] : vector<16xf32>, vector<16xi32> -> vector<16xf32>
            %min3A_979 = arith.minimumf %select_n3A_973, %gather3A_978 : vector<16xf32>
            %max3A_980 = arith.maximumf %select_n3A_973, %gather3A_978 : vector<16xf32>
            %select_n3A_981 = arith.select %eq3A_976, %min3A_979, %max3A_980 : vector<16xi1>, vector<16xf32>
            %eq3A_982 = arith.constant 0 : i32
            %eq3A_983 = vector.broadcast %eq3A_982 : i32 to vector<16xi32>
            %eq3A_984 = arith.cmpi eq, %and3A_124, %eq3A_983 : vector<16xi32>
            %gather3A_985 = vector.shape_cast %broadcast_in_dim3A : vector<16x1xi32> to vector<16xi32>
            %gather3A_986 = tpu.dynamic_gather %select_n3A_981[%gather3A_985] in [0] : vector<16xf32>, vector<16xi32> -> vector<16xf32>
            %min3A_987 = arith.minimumf %select_n3A_981, %gather3A_986 : vector<16xf32>
            %max3A_988 = arith.maximumf %select_n3A_981, %gather3A_986 : vector<16xf32>
            %select_n3A_989 = arith.select %eq3A_984, %min3A_987, %max3A_988 : vector<16xi1>, vector<16xf32>
            %eq3A_990 = arith.constant 0 : i32
            %eq3A_991 = vector.broadcast %eq3A_990 : i32 to vector<16xi32>
            %eq3A_992 = arith.cmpi eq, %and3A_115, %eq3A_991 : vector<16xi32>
            %gather3A_993 = vector.shape_cast %broadcast_in_dim3A_14 : vector<16x1xi32> to vector<16xi32>
            %gather3A_994 = tpu.dynamic_gather %max3A_957[%gather3A_993] in [0] : vector<16xf32>, vector<16xi32> -> vector<16xf32>
            %min3A_995 = arith.minimumf %max3A_957, %gather3A_994 : vector<16xf32>
            %max3A_996 = arith.maximumf %max3A_957, %gather3A_994 : vector<16xf32>
            %select_n3A_997 = arith.select %eq3A_992, %min3A_995, %max3A_996 : vector<16xi1>, vector<16xf32>
            %eq3A_998 = arith.constant 0 : i32
            %eq3A_999 = vector.broadcast %eq3A_998 : i32 to vector<16xi32>
            %eq3A_1000 = arith.cmpi eq, %and3A_118, %eq3A_999 : vector<16xi32>
            %gather3A_1001 = vector.shape_cast %broadcast_in_dim3A_10 : vector<16x1xi32> to vector<16xi32>
            %gather3A_1002 = tpu.dynamic_gather %select_n3A_997[%gather3A_1001] in [0] : vector<16xf32>, vector<16xi32> -> vector<16xf32>
            %min3A_1003 = arith.minimumf %select_n3A_997, %gather3A_1002 : vector<16xf32>
            %max3A_1004 = arith.maximumf %select_n3A_997, %gather3A_1002 : vector<16xf32>
            %select_n3A_1005 = arith.select %eq3A_1000, %min3A_1003, %max3A_1004 : vector<16xi1>, vector<16xf32>
            %eq3A_1006 = arith.constant 0 : i32
            %eq3A_1007 = vector.broadcast %eq3A_1006 : i32 to vector<16xi32>
            %eq3A_1008 = arith.cmpi eq, %and3A_121, %eq3A_1007 : vector<16xi32>
            %gather3A_1009 = vector.shape_cast %broadcast_in_dim3A_6 : vector<16x1xi32> to vector<16xi32>
            %gather3A_1010 = tpu.dynamic_gather %select_n3A_1005[%gather3A_1009] in [0] : vector<16xf32>, vector<16xi32> -> vector<16xf32>
            %min3A_1011 = arith.minimumf %select_n3A_1005, %gather3A_1010 : vector<16xf32>
            %max3A_1012 = arith.maximumf %select_n3A_1005, %gather3A_1010 : vector<16xf32>
            %select_n3A_1013 = arith.select %eq3A_1008, %min3A_1011, %max3A_1012 : vector<16xi1>, vector<16xf32>
            %eq3A_1014 = arith.constant 0 : i32
            %eq3A_1015 = vector.broadcast %eq3A_1014 : i32 to vector<16xi32>
            %eq3A_1016 = arith.cmpi eq, %and3A_124, %eq3A_1015 : vector<16xi32>
            %gather3A_1017 = vector.shape_cast %broadcast_in_dim3A : vector<16x1xi32> to vector<16xi32>
            %gather3A_1018 = tpu.dynamic_gather %select_n3A_1013[%gather3A_1017] in [0] : vector<16xf32>, vector<16xi32> -> vector<16xf32>
            %min3A_1019 = arith.minimumf %select_n3A_1013, %gather3A_1018 : vector<16xf32>
            %max3A_1020 = arith.maximumf %select_n3A_1013, %gather3A_1018 : vector<16xf32>
            %select_n3A_1021 = arith.select %eq3A_1016, %min3A_1019, %max3A_1020 : vector<16xi1>, vector<16xf32>
            %swap3A_1022 = arith.constant 0 : index
            %swap3A_1023 = tpu.vector_load %arg6[%swap3A_1022] {strides = array<i32>} : memref<32xf32, #tpu.memory_space<vmem>>, vector<16xf32>,
            %swap3A_1024 = vector.shape_cast %swap3A_1023 : vector<16xf32> to vector<16xf32>
            %swap3A_1025 = vector.shape_cast %select_n3A_989 : vector<16xf32> to vector<16xf32>
            tpu.vector_store %arg6[%swap3A_1022], %swap3A_1025 {strides = array<i32>} : memref<32xf32, #tpu.memory_space<vmem>>, vector<16xf32>,
            %swap3A_1026 = arith.constant 16 : index
            %swap3A_1027 = tpu.vector_load %arg6[%swap3A_1026] {strides = array<i32>} : memref<32xf32, #tpu.memory_space<vmem>>, vector<16xf32>,
            %swap3A_1028 = vector.shape_cast %swap3A_1027 : vector<16xf32> to vector<16xf32>
            %swap3A_1029 = vector.shape_cast %select_n3A_1021 : vector<16xf32> to vector<16xf32>
            tpu.vector_store %arg6[%swap3A_1026], %swap3A_1029 {strides = array<i32>} : memref<32xf32, #tpu.memory_space<vmem>>, vector<16xf32>,
            %sub3A_1030 = arith.constant 1 : i32
            %sub3A_1031 = arith.subi %while3A_849, %sub3A_1030 : i32
            %and3A_1032 = arith.andi %while3A_849, %sub3A_1031 : i32
            %slice3A_1033 = vector.extract_strided_slice %select_n3A_989 {offsets = [0], sizes = [1], strides = [1]} : vector<16xf32> to vector<1xf32>
            %squeeze3A_1034 = vector.extract %slice3A_1033[0] : f32 from vector<1xf32>
            scf.yield %and3A_1032, %squeeze3A_1034 : i32, f32
          }
          %while3A_846 = arith.constant 1 : i32
          %while3A_847:2 = scf.for %while3A_848 = %while3A_843 to %while3A_839 step %while3A_846 iter_args(%while3A_849 = %while3A_845#0, %while3A_850 = %while3A_845#1) -> (i32, f32)  : i32 {
            %neg3A = arith.constant 0 : i32
            %neg3A_851 = arith.subi %neg3A, %while3A_849 : i32
            %and3A_852 = arith.andi %while3A_849, %neg3A_851 : i32
            %convert_element_type3A_853 = arith.sitofp %and3A_852 : i32 to f32
            %bitcast_convert_type3A = arith.bitcast %convert_element_type3A_853 : f32 to i32
            %eq3A_854 = arith.cmpi eq, %and3A_852, %while3A : i32
            %shift_right_arithmetic3A_855 = arith.constant 23 : i32
            %shift_right_arithmetic3A_856 = arith.shrsi %bitcast_convert_type3A, %shift_right_arithmetic3A_855 : i32
            %sub3A = arith.constant 127 : i32
            %sub3A_857 = arith.subi %shift_right_arithmetic3A_856, %sub3A : i32
            %jit3A_858 = arith.constant 31 : i32
            %select_n3A_859 = arith.select %eq3A_854, %jit3A_858, %sub3A_857 : i32
            %mul3A_860 = arith.constant 16 : i32
            %mul3A_861 = arith.muli %select_n3A_859, %mul3A_860 : i32
            %add3A_862 = arith.addi %mul3A_206, %mul3A_861 : i32
            %get3A_863 = arith.index_cast %add3A_862 : i32 to index
            %get3A_864 = tpu.vector_load %arg5[%get3A_863] {strides = array<i32>} : memref<16384xf32, #tpu.memory_space<vmem>>, vector<16xf32>,
            %get3A_865 = vector.shape_cast %get3A_864 : vector<16xf32> to vector<16xf32>
            %get3A_866 = arith.constant 0 : index
            %get3A_867 = tpu.vector_load %arg6[%get3A_866] {strides = array<i32>} : memref<32xf32, #tpu.memory_space<vmem>>, vector<16xf32>,
            %get3A_868 = vector.shape_cast %get3A_867 : vector<16xf32> to vector<16xf32>
            %get3A_869 = arith.constant 16 : index
            %get3A_870 = tpu.vector_load %arg6[%get3A_869] {strides = array<i32>} : memref<32xf32, #tpu.memory_space<vmem>>, vector<16xf32>,
            %get3A_871 = vector.shape_cast %get3A_870 : vector<16xf32> to vector<16xf32>
            %eq3A_872 = arith.constant 0 : i32
            %eq3A_873 = vector.broadcast %eq3A_872 : i32 to vector<16xi32>
            %eq3A_874 = arith.cmpi eq, %and3A_22, %eq3A_873 : vector<16xi32>
            %gather3A_875 = vector.shape_cast %broadcast_in_dim3A : vector<16x1xi32> to vector<16xi32>
            %gather3A_876 = tpu.dynamic_gather %get3A_865[%gather3A_875] in [0] : vector<16xf32>, vector<16xi32> -> vector<16xf32>
            %min3A = arith.minimumf %get3A_865, %gather3A_876 : vector<16xf32>
            %max3A_877 = arith.maximumf %get3A_865, %gather3A_876 : vector<16xf32>
            %select_n3A_878 = arith.select %eq3A_874, %min3A, %max3A_877 : vector<16xi1>, vector<16xf32>
            %eq3A_879 = arith.constant 0 : i32
            %eq3A_880 = vector.broadcast %eq3A_879 : i32 to vector<16xi32>
            %eq3A_881 = arith.cmpi eq, %and3A_32, %eq3A_880 : vector<16xi32>
            %gather3A_882 = vector.shape_cast %broadcast_in_dim3A_6 : vector<16x1xi32> to vector<16xi32>
            %gather3A_883 = tpu.dynamic_gather %select_n3A_878[%gather3A_882] in [0] : vector<16xf32>, vector<16xi32> -> vector<16xf32>
            %min3A_884 = arith.minimumf %select_n3A_878, %gather3A_883 : vector<16xf32>
            %max3A_885 = arith.maximumf %select_n3A_878, %gather3A_883 : vector<16xf32>
            %select_n3A_886 = arith.select %eq3A_881, %min3A_884, %max3A_885 : vector<16xi1>, vector<16xf32>
            %eq3A_887 = arith.constant 0 : i32
            %eq3A_888 = vector.broadcast %eq3A_887 : i32 to vector<16xi32>
            %eq3A_889 = arith.cmpi eq, %and3A_42, %eq3A_888 : vector<16xi32>
            %gather3A_890 = vector.shape_cast %broadcast_in_dim3A : vector<16x1xi32> to vector<16xi32>
            %gather3A_891 = tpu.dynamic_gather %select_n3A_886[%gather3A_890] in [0] : vector<16xf32>, vector<16xi32> -> vector<16xf32>
            %min3A_892 = arith.minimumf %select_n3A_886, %gather3A_891 : vector<16xf32>
            %max3A_893 = arith.maximumf %select_n3A_886, %gather3A_891 : vector<16xf32>
            %select_n3A_894 = arith.select %eq3A_889, %min3A_892, %max3A_893 : vector<16xi1>, vector<16xf32>
            %eq3A_895 = arith.constant 0 : i32
            %eq3A_896 = vector.broadcast %eq3A_895 : i32 to vector<16xi32>
            %eq3A_897 = arith.cmpi eq, %and3A_52, %eq3A_896 : vector<16xi32>
            %gather3A_898 = vector.shape_cast %broadcast_in_dim3A_10 : vector<16x1xi32> to vector<16xi32>
            %gather3A_899 = tpu.dynamic_gather %select_n3A_894[%gather3A_898] in [0] : vector<16xf32>, vector<16xi32> -> vector<16xf32>
            %min3A_900 = arith.minimumf %select_n3A_894, %gather3A_899 : vector<16xf32>
            %max3A_901 = arith.maximumf %select_n3A_894, %gather3A_899 : vector<16xf32>
            %select_n3A_902 = arith.select %eq3A_897, %min3A_900, %max3A_901 : vector<16xi1>, vector<16xf32>
            %eq3A_903 = arith.constant 0 : i32
            %eq3A_904 = vector.broadcast %eq3A_903 : i32 to vector<16xi32>
            %eq3A_905 = arith.cmpi eq, %and3A_62, %eq3A_904 : vector<16xi32>
            %gather3A_906 = vector.shape_cast %broadcast_in_dim3A_6 : vector<16x1xi32> to vector<16xi32>
            %gather3A_907 = tpu.dynamic_gather %select_n3A_902[%gather3A_906] in [0] : vector<16xf32>, vector<16xi32> -> vector<16xf32>
            %min3A_908 = arith.minimumf %select_n3A_902, %gather3A_907 : vector<16xf32>
            %max3A_909 = arith.maximumf %select_n3A_902, %gather3A_907 : vector<16xf32>
            %select_n3A_910 = arith.select %eq3A_905, %min3A_908, %max3A_909 : vector<16xi1>, vector<16xf32>
            %eq3A_911 = arith.constant 0 : i32
            %eq3A_912 = vector.broadcast %eq3A_911 : i32 to vector<16xi32>
            %eq3A_913 = arith.cmpi eq, %and3A_72, %eq3A_912 : vector<16xi32>
            %gather3A_914 = vector.shape_cast %broadcast_in_dim3A : vector<16x1xi32> to vector<16xi32>
            %gather3A_915 = tpu.dynamic_gather %select_n3A_910[%gather3A_914] in [0] : vector<16xf32>, vector<16xi32> -> vector<16xf32>
            %min3A_916 = arith.minimumf %select_n3A_910, %gather3A_915 : vector<16xf32>
            %max3A_917 = arith.maximumf %select_n3A_910, %gather3A_915 : vector<16xf32>
            %select_n3A_918 = arith.select %eq3A_913, %min3A_916, %max3A_917 : vector<16xi1>, vector<16xf32>
            %eq3A_919 = arith.constant 0 : i32
            %eq3A_920 = vector.broadcast %eq3A_919 : i32 to vector<16xi32>
            %eq3A_921 = arith.cmpi eq, %and3A_82, %eq3A_920 : vector<16xi32>
            %gather3A_922 = vector.shape_cast %broadcast_in_dim3A_14 : vector<16x1xi32> to vector<16xi32>
            %gather3A_923 = tpu.dynamic_gather %select_n3A_918[%gather3A_922] in [0] : vector<16xf32>, vector<16xi32> -> vector<16xf32>
            %min3A_924 = arith.minimumf %select_n3A_918, %gather3A_923 : vector<16xf32>
            %max3A_925 = arith.maximumf %select_n3A_918, %gather3A_923 : vector<16xf32>
            %select_n3A_926 = arith.select %eq3A_921, %min3A_924, %max3A_925 : vector<16xi1>, vector<16xf32>
            %eq3A_927 = arith.constant 0 : i32
            %eq3A_928 = vector.broadcast %eq3A_927 : i32 to vector<16xi32>
            %eq3A_929 = arith.cmpi eq, %and3A_92, %eq3A_928 : vector<16xi32>
            %gather3A_930 = vector.shape_cast %broadcast_in_dim3A_10 : vector<16x1xi32> to vector<16xi32>
            %gather3A_931 = tpu.dynamic_gather %select_n3A_926[%gather3A_930] in [0] : vector<16xf32>, vector<16xi32> -> vector<16xf32>
            %min3A_932 = arith.minimumf %select_n3A_926, %gather3A_931 : vector<16xf32>
            %max3A_933 = arith.maximumf %select_n3A_926, %gather3A_931 : vector<16xf32>
            %select_n3A_934 = arith.select %eq3A_929, %min3A_932, %max3A_933 : vector<16xi1>, vector<16xf32>
            %eq3A_935 = arith.constant 0 : i32
            %eq3A_936 = vector.broadcast %eq3A_935 : i32 to vector<16xi32>
            %eq3A_937 = arith.cmpi eq, %and3A_102, %eq3A_936 : vector<16xi32>
            %gather3A_938 = vector.shape_cast %broadcast_in_dim3A_6 : vector<16x1xi32> to vector<16xi32>
            %gather3A_939 = tpu.dynamic_gather %select_n3A_934[%gather3A_938] in [0] : vector<16xf32>, vector<16xi32> -> vector<16xf32>
            %min3A_940 = arith.minimumf %select_n3A_934, %gather3A_939 : vector<16xf32>
            %max3A_941 = arith.maximumf %select_n3A_934, %gather3A_939 : vector<16xf32>
            %select_n3A_942 = arith.select %eq3A_937, %min3A_940, %max3A_941 : vector<16xi1>, vector<16xf32>
            %eq3A_943 = arith.constant 0 : i32
            %eq3A_944 = vector.broadcast %eq3A_943 : i32 to vector<16xi32>
            %eq3A_945 = arith.cmpi eq, %and3A_112, %eq3A_944 : vector<16xi32>
            %gather3A_946 = vector.shape_cast %broadcast_in_dim3A : vector<16x1xi32> to vector<16xi32>
            %gather3A_947 = tpu.dynamic_gather %select_n3A_942[%gather3A_946] in [0] : vector<16xf32>, vector<16xi32> -> vector<16xf32>
            %min3A_948 = arith.minimumf %select_n3A_942, %gather3A_947 : vector<16xf32>
            %max3A_949 = arith.maximumf %select_n3A_942, %gather3A_947 : vector<16xf32>
            %select_n3A_950 = arith.select %eq3A_945, %min3A_948, %max3A_949 : vector<16xi1>, vector<16xf32>
            %rev3A = arith.constant 15 : i32
            %rev3A_951 = vector.broadcast %rev3A : i32 to vector<16xi32>
            %rev3A_952 = tpu.iota {dimensions = array<i32: 0>} : vector<16xi32>
            %rev3A_953 = arith.subi %rev3A_951, %rev3A_952 : vector<16xi32>
            %rev3A_954 = tpu.dynamic_gather %select_n3A_950[%rev3A_953] in [0] : vector<16xf32>, vector<16xi32> -> vector<16xf32>
            %max3A_955 = arith.maximumf %get3A_868, %rev3A_954 : vector<16xf32>
            %min3A_956 = arith.minimumf %max3A_955, %get3A_871 : vector<16xf32>
            %max3A_957 = arith.maximumf %max3A_955, %get3A_871 : vector<16xf32>
            %eq3A_958 = arith.constant 0 : i32
            %eq3A_959 = vector.broadcast %eq3A_958 : i32 to vector<16xi32>
            %eq3A_960 = arith.cmpi eq, %and3A_115, %eq3A_959 : vector<16xi32>
            %gather3A_961 = vector.shape_cast %broadcast_in_dim3A_14 : vector<16x1xi32> to vector<16xi32>
            %gather3A_962 = tpu.dynamic_gather %min3A_956[%gather3A_961] in [0] : vector<16xf32>, vector<16xi32> -> vector<16xf32>
            %min3A_963 = arith.minimumf %min3A_956, %gather3A_962 : vector<16xf32>
            %max3A_964 = arith.maximumf %min3A_956, %gather3A_962 : vector<16xf32>
            %select_n3A_965 = arith.select %eq3A_960, %min3A_963, %max3A_964 : vector<16xi1>, vector<16xf32>
            %eq3A_966 = arith.constant 0 : i32
            %eq3A_967 = vector.broadcast %eq3A_966 : i32 to vector<16xi32>
            %eq3A_968 = arith.cmpi eq, %and3A_118, %eq3A_967 : vector<16xi32>
            %gather3A_969 = vector.shape_cast %broadcast_in_dim3A_10 : vector<16x1xi32> to vector<16xi32>
            %gather3A_970 = tpu.dynamic_gather %select_n3A_965[%gather3A_969] in [0] : vector<16xf32>, vector<16xi32> -> vector<16xf32>
            %min3A_971 = arith.minimumf %select_n3A_965, %gather3A_970 : vector<16xf32>
            %max3A_972 = arith.maximumf %select_n3A_965, %gather3A_970 : vector<16xf32>
            %select_n3A_973 = arith.select %eq3A_968, %min3A_971, %max3A_972 : vector<16xi1>, vector<16xf32>
            %eq3A_974 = arith.constant 0 : i32
            %eq3A_975 = vector.broadcast %eq3A_974 : i32 to vector<16xi32>
            %eq3A_976 = arith.cmpi eq, %and3A_121, %eq3A_975 : vector<16xi32>
            %gather3A_977 = vector.shape_cast %broadcast_in_dim3A_6 : vector<16x1xi32> to vector<16xi32>
            %gather3A_978 = tpu.dynamic_gather %select_n3A_973[%gather3A_977] in [0] : vector<16xf32>, vector<16xi32> -> vector<16xf32>
            %min3A_979 = arith.minimumf %select_n3A_973, %gather3A_978 : vector<16xf32>
            %max3A_980 = arith.maximumf %select_n3A_973, %gather3A_978 : vector<16xf32>
            %select_n3A_981 = arith.select %eq3A_976, %min3A_979, %max3A_980 : vector<16xi1>, vector<16xf32>
            %eq3A_982 = arith.constant 0 : i32
            %eq3A_983 = vector.broadcast %eq3A_982 : i32 to vector<16xi32>
            %eq3A_984 = arith.cmpi eq, %and3A_124, %eq3A_983 : vector<16xi32>
            %gather3A_985 = vector.shape_cast %broadcast_in_dim3A : vector<16x1xi32> to vector<16xi32>
            %gather3A_986 = tpu.dynamic_gather %select_n3A_981[%gather3A_985] in [0] : vector<16xf32>, vector<16xi32> -> vector<16xf32>
            %min3A_987 = arith.minimumf %select_n3A_981, %gather3A_986 : vector<16xf32>
            %max3A_988 = arith.maximumf %select_n3A_981, %gather3A_986 : vector<16xf32>
            %select_n3A_989 = arith.select %eq3A_984, %min3A_987, %max3A_988 : vector<16xi1>, vector<16xf32>
            %eq3A_990 = arith.constant 0 : i32
            %eq3A_991 = vector.broadcast %eq3A_990 : i32 to vector<16xi32>
            %eq3A_992 = arith.cmpi eq, %and3A_115, %eq3A_991 : vector<16xi32>
            %gather3A_993 = vector.shape_cast %broadcast_in_dim3A_14 : vector<16x1xi32> to vector<16xi32>
            %gather3A_994 = tpu.dynamic_gather %max3A_957[%gather3A_993] in [0] : vector<16xf32>, vector<16xi32> -> vector<16xf32>
            %min3A_995 = arith.minimumf %max3A_957, %gather3A_994 : vector<16xf32>
            %max3A_996 = arith.maximumf %max3A_957, %gather3A_994 : vector<16xf32>
            %select_n3A_997 = arith.select %eq3A_992, %min3A_995, %max3A_996 : vector<16xi1>, vector<16xf32>
            %eq3A_998 = arith.constant 0 : i32
            %eq3A_999 = vector.broadcast %eq3A_998 : i32 to vector<16xi32>
            %eq3A_1000 = arith.cmpi eq, %and3A_118, %eq3A_999 : vector<16xi32>
            %gather3A_1001 = vector.shape_cast %broadcast_in_dim3A_10 : vector<16x1xi32> to vector<16xi32>
            %gather3A_1002 = tpu.dynamic_gather %select_n3A_997[%gather3A_1001] in [0] : vector<16xf32>, vector<16xi32> -> vector<16xf32>
            %min3A_1003 = arith.minimumf %select_n3A_997, %gather3A_1002 : vector<16xf32>
            %max3A_1004 = arith.maximumf %select_n3A_997, %gather3A_1002 : vector<16xf32>
            %select_n3A_1005 = arith.select %eq3A_1000, %min3A_1003, %max3A_1004 : vector<16xi1>, vector<16xf32>
            %eq3A_1006 = arith.constant 0 : i32
            %eq3A_1007 = vector.broadcast %eq3A_1006 : i32 to vector<16xi32>
            %eq3A_1008 = arith.cmpi eq, %and3A_121, %eq3A_1007 : vector<16xi32>
            %gather3A_1009 = vector.shape_cast %broadcast_in_dim3A_6 : vector<16x1xi32> to vector<16xi32>
            %gather3A_1010 = tpu.dynamic_gather %select_n3A_1005[%gather3A_1009] in [0] : vector<16xf32>, vector<16xi32> -> vector<16xf32>
            %min3A_1011 = arith.minimumf %select_n3A_1005, %gather3A_1010 : vector<16xf32>
            %max3A_1012 = arith.maximumf %select_n3A_1005, %gather3A_1010 : vector<16xf32>
            %select_n3A_1013 = arith.select %eq3A_1008, %min3A_1011, %max3A_1012 : vector<16xi1>, vector<16xf32>
            %eq3A_1014 = arith.constant 0 : i32
            %eq3A_1015 = vector.broadcast %eq3A_1014 : i32 to vector<16xi32>
            %eq3A_1016 = arith.cmpi eq, %and3A_124, %eq3A_1015 : vector<16xi32>
            %gather3A_1017 = vector.shape_cast %broadcast_in_dim3A : vector<16x1xi32> to vector<16xi32>
            %gather3A_1018 = tpu.dynamic_gather %select_n3A_1013[%gather3A_1017] in [0] : vector<16xf32>, vector<16xi32> -> vector<16xf32>
            %min3A_1019 = arith.minimumf %select_n3A_1013, %gather3A_1018 : vector<16xf32>
            %max3A_1020 = arith.maximumf %select_n3A_1013, %gather3A_1018 : vector<16xf32>
            %select_n3A_1021 = arith.select %eq3A_1016, %min3A_1019, %max3A_1020 : vector<16xi1>, vector<16xf32>
            %swap3A_1022 = arith.constant 0 : index
            %swap3A_1023 = tpu.vector_load %arg6[%swap3A_1022] {strides = array<i32>} : memref<32xf32, #tpu.memory_space<vmem>>, vector<16xf32>,
            %swap3A_1024 = vector.shape_cast %swap3A_1023 : vector<16xf32> to vector<16xf32>
            %swap3A_1025 = vector.shape_cast %select_n3A_989 : vector<16xf32> to vector<16xf32>
            tpu.vector_store %arg6[%swap3A_1022], %swap3A_1025 {strides = array<i32>} : memref<32xf32, #tpu.memory_space<vmem>>, vector<16xf32>,
            %swap3A_1026 = arith.constant 16 : index
            %swap3A_1027 = tpu.vector_load %arg6[%swap3A_1026] {strides = array<i32>} : memref<32xf32, #tpu.memory_space<vmem>>, vector<16xf32>,
            %swap3A_1028 = vector.shape_cast %swap3A_1027 : vector<16xf32> to vector<16xf32>
            %swap3A_1029 = vector.shape_cast %select_n3A_1021 : vector<16xf32> to vector<16xf32>
            tpu.vector_store %arg6[%swap3A_1026], %swap3A_1029 {strides = array<i32>} : memref<32xf32, #tpu.memory_space<vmem>>, vector<16xf32>,
            %sub3A_1030 = arith.constant 1 : i32
            %sub3A_1031 = arith.subi %while3A_849, %sub3A_1030 : i32
            %and3A_1032 = arith.andi %while3A_849, %sub3A_1031 : i32
            %slice3A_1033 = vector.extract_strided_slice %select_n3A_989 {offsets = [0], sizes = [1], strides = [1]} : vector<16xf32> to vector<1xf32>
            %squeeze3A_1034 = vector.extract %slice3A_1033[0] : f32 from vector<1xf32>
            scf.yield %and3A_1032, %squeeze3A_1034 : i32, f32
          }
          scf.yield %while3A_847#1 : f32
        } else {
          scf.yield %scan3A_204 : f32
        }
        scf.yield %cond3A_410 : f32
      }
      %scan3A_173 = arith.constant 32 : i32
      %get3A = arith.constant 0 : index
      %get3A_174 = tpu.vector_load %arg6[%get3A] {strides = array<i32>} : memref<32xf32, #tpu.memory_space<vmem>>, vector<16xf32>,
      %get3A_175 = vector.shape_cast %get3A_174 : vector<16xf32> to vector<16xf32>
      %get3A_176 = arith.constant 16 : index
      %get3A_177 = tpu.vector_load %arg6[%get3A_176] {strides = array<i32>} : memref<32xf32, #tpu.memory_space<vmem>>, vector<16xf32>,
      %get3A_178 = vector.shape_cast %get3A_177 : vector<16xf32> to vector<16xf32>
      %add3A_179 = arith.addf %get3A_175, %get3A_178 : vector<16xf32>
      %gather3A = vector.shape_cast %broadcast_in_dim3A_14 : vector<16x1xi32> to vector<16xi32>
      %gather3A_180 = tpu.dynamic_gather %add3A_179[%gather3A] in [0] : vector<16xf32>, vector<16xi32> -> vector<16xf32>
      %add3A_181 = arith.addf %add3A_179, %gather3A_180 : vector<16xf32>
      %gather3A_182 = vector.shape_cast %broadcast_in_dim3A_10 : vector<16x1xi32> to vector<16xi32>
      %gather3A_183 = tpu.dynamic_gather %add3A_181[%gather3A_182] in [0] : vector<16xf32>, vector<16xi32> -> vector<16xf32>
      %add3A_184 = arith.addf %add3A_181, %gather3A_183 : vector<16xf32>
      %gather3A_185 = vector.shape_cast %broadcast_in_dim3A_6 : vector<16x1xi32> to vector<16xi32>
      %gather3A_186 = tpu.dynamic_gather %add3A_184[%gather3A_185] in [0] : vector<16xf32>, vector<16xi32> -> vector<16xf32>
      %add3A_187 = arith.addf %add3A_184, %gather3A_186 : vector<16xf32>
      %gather3A_188 = vector.shape_cast %broadcast_in_dim3A : vector<16x1xi32> to vector<16xi32>
      %gather3A_189 = tpu.dynamic_gather %add3A_187[%gather3A_188] in [0] : vector<16xf32>, vector<16xi32> -> vector<16xf32>
      %add3A_190 = arith.addf %add3A_187, %gather3A_189 : vector<16xf32>
      %mul3A_191 = arith.constant 3.125000e-02 : f32
      %mul3A_192 = vector.broadcast %mul3A_191 : f32 to vector<16xf32>
      %mul3A_193 = arith.mulf %add3A_190, %mul3A_192 : vector<16xf32>
      %iota3A_194 = tpu.iota {dimensions = array<i32: 0>} : vector<16xi32>
      %eq3A = vector.broadcast %scan3A_137 : i32 to vector<16xi32>
      %eq3A_195 = arith.cmpi eq, %iota3A_194, %eq3A : vector<16xi32>
      %get3A_196 = arith.constant 0 : index
      %get3A_197 = tpu.vector_load %arg7[%get3A_196] {strides = array<i32>} : memref<16xf32, #tpu.memory_space<vmem>>, vector<16xf32>,
      %get3A_198 = vector.shape_cast %get3A_197 : vector<16xf32> to vector<16xf32>
      %select_n3A = arith.select %eq3A_195, %mul3A_193, %get3A_198 : vector<16xi1>, vector<16xf32>
      %swap3A_199 = arith.constant 0 : index
      %swap3A_200 = tpu.vector_load %arg7[%swap3A_199] {strides = array<i32>} : memref<16xf32, #tpu.memory_space<vmem>>, vector<16xf32>,
      %swap3A_201 = vector.shape_cast %swap3A_200 : vector<16xf32> to vector<16xf32>
      %swap3A_202 = vector.shape_cast %select_n3A : vector<16xf32> to vector<16xf32>
      tpu.vector_store %arg7[%swap3A_199], %swap3A_202 {strides = array<i32>} : memref<16xf32, #tpu.memory_space<vmem>>, vector<16xf32>,
    }
    %scan3A_134 = arith.constant 4 : i32
    %mul3A_135 = arith.constant 16 : i32
    %mul3A_136 = arith.muli %add3A, %mul3A_135 : i32
    "tpu.region"() ({
      %run_scoped3A = tpu.sem_alloc : memref<!tpu.dma_semaphore, #tpu.memory_space<semaphore_mem>>
      %dma_start3A = tpu.memref_slice %arg3[%mul3A_136] : memref<512xf32, #tpu.memory_space<hbm>> -> memref<16xf32, #tpu.memory_space<hbm>>
      %dma_start3A_137 = tpu.memref_slice %arg3[%mul3A_136] : memref<512xf32, #tpu.memory_space<hbm>> -> memref<16xf32, #tpu.memory_space<hbm>>
      tpu.enqueue_dma source(%arg7 : memref<16xf32, #tpu.memory_space<vmem>>) target(%dma_start3A_137 : memref<16xf32, #tpu.memory_space<hbm>>) target_semaphore(%run_scoped3A : memref<!tpu.dma_semaphore, #tpu.memory_space<semaphore_mem>>)
      %dma_wait3A = tpu.memref_slice %arg3[%mul3A_136] : memref<512xf32, #tpu.memory_space<hbm>> -> memref<16xf32, #tpu.memory_space<hbm>>
      %dma_wait3A_138 = tpu.memref_slice %arg3[%mul3A_136] : memref<512xf32, #tpu.memory_space<hbm>> -> memref<16xf32, #tpu.memory_space<hbm>>
      tpu.wait_dma2 semaphore(%run_scoped3A : memref<!tpu.dma_semaphore, #tpu.memory_space<semaphore_mem>>) src(%arg7 : memref<16xf32, #tpu.memory_space<vmem>>) dst(%dma_wait3A_138 : memref<16xf32, #tpu.memory_space<hbm>>)
      tpu.yield
    }) : () -> ()
    return
  }
}

</mosaic_0001>

<sc_bundles>
// kernel: kernel.3.cloned.1.call-start
scs
__scs_entry_jumppad:
0x0: {  	(pc) =	sbr.rel $0x88, $3  }
0x1: {  	(tag) =	ssettag $0x0;
	lr =	simm.s32 $0x1  }
0x2: {  	[smem:$0x3FA0] =	sst lr;
	_ =	strace $0xD0000000  }
0x3: {  	_ = 	snop  }
0x4: {  	_ = 	snop  }
0x5: {  	_ = 	snop  }
0x6: {  	_ = 	snop  }
0x7: {  	_ = 	snop  }
__scs_overlays_trampoline_lowered:
0x8: {  	[smem:$0x3FAF] =	sst s0  }
0x9: {  	[smem:$0x3FB0] =	sst s1  }
0xa: {  	[smem:$0x3FB1] =	sst s2  }
0xb: {  	[smem:$0x3FB2] =	sst s3  }
0xc: {  	[smem:$0x3FB3] =	sst s4  }
0xd: {  	[smem:$0x3FB4] =	sst s5  }
0xe: {  	[smem:$0x3FB5] =	sst s6  }
0xf: {  	[smem:$0x3FB6] =	sst s7  }
0x10: {  	[smem:$0x3FB7] =	sst s8  }
0x11: {  	[smem:$0x3FB8] =	sst s9;
	s0 =	simm.s32 @!p0 $0x0  }
0x12: {  	s1 =	sld [smem:$0x3F9E];
	s0 =	simm.s32 @p0 $0x1  }
0x13: {  	[smem:$0x3FB9] =	sst s0;
	s0 =	simm.s32 @!p1 $0x0  }
0x14: {  	s2 =	sld [smem:$0x3F9D];
	s0 =	simm.s32 @p1 $0x1  }
0x15: {  	[smem:$0x3FBA] =	sst s0;
	s0 =	simm.s32 @!p2 $0x0  }
0x16: {  	s3 =	sld [smem:$0x3FDB];
	s0 =	simm.s32 @p2 $0x1  }
0x17: {  	s4 =	simm.s32 $0x1BF5;
	[smem:$0x3FBC] =	sst s0  }
0x18: {  	s0 =	sld [smem:$0x3F9F];
	_ =	swait.ge [sflag:s4], $0x0  }
0x19: {  	s7 =	sld [smem:$0x3FA0]  }
0x1a: {  	s8 =	sadd.s32 $0xFFFFE003, lr  }
0x1b: {  	s9 =	sadd.s32 $0xFFFFFEF7, lr;
	s5 =	simm.s32 $0xFFFFFFFF;
	p2 =	slt.u32 s8, $0xFFFFF086  }
0x1c: {  	p1 =	slt.u32 s9, $0xF7A;
	s5 =	simm.s32 @!p2 $0x0  }
0x1d: {  	s5 =	simm.s32 @p1 $0x1;
	p0 =	seq.s32 s7, s2  }
0x1e: {  	s7 =	smul.u32 @!p0 $0xF7A, s2;
	p2 =	seq.s32 @!p0 s5, $0x0  }
0x1f: {  	s9 =	smul.u32 $0xF7A, s1;
	s8 =	simm.s32 @!p0 $0x1BF5;
	p2 =	por !p2, p0  }
0x20: {  	[sflag:s8] =	ssyncset.s32 @!p0 $0xFFFFF086;
	s6 =	sadd.s32 @!p0 s3, s7;
	s7 =	simm.s32 @!p0 $0x108  }
0x21: {  	s3 =	sadd.s32 s3, s9;
	s6 =	sadd.s32 @!p0 $0x88, s6;
	s7 =	simm.s32 @p2 $0x1082  }
0x22: {  	[simem:s7], [sflag:s8] =	dma.local @!p0 [hbm:s6], $0xF7A  }
0x23: {  	s9 =	sor.u32 $0xD0000000, s2;
	s6 =	simm.s32 $0x108;
	_ =	swait.ge @!p0 [sflag:s8], $0x0  }
0x24: {  	s3 =	sadd.s32 $0x88, s3;
	s6 =	simm.s32 @!p1 $0x1082;
	[sflag:s4] =	ssyncset.s32 $0xFFFFF086  }
0x25: {  	[simem:s6], [sflag:s4] =	dma.local [hbm:s3], $0xF7A  }
0x26: {  	[smem:$0x3FA0] =	sst s1;
	(tag) =	ssettag s2;
	_ =	strace s9  }
0x27: {  	s1 =	sld [smem:$0x3FB0]  }
0x28: {  	s2 =	sld [smem:$0x3FB1]  }
0x29: {  	s4 =	sld [smem:$0x3FB3]  }
0x2a: {  	p0 =	seq.s32 s5, $0x0;
	s5 =	sld [smem:$0x3FB4]  }
0x2b: {  	s6 =	sld [smem:$0x3FB5]  }
0x2c: {  	s7 =	sld [smem:$0x3FB6]  }
0x2d: {  	s3 =	simm.s32 $0x108;
	s8 =	sld [smem:$0x3FB7]  }
0x2e: {  	s3 =	simm.s32 @!p0 $0x1082;
	s9 =	sld [smem:$0x3FB8]  }
0x2f: {  	lr =	sadd.s32 s0, s3;
	s0 =	sld [smem:$0x3FAF]  }
0x30: {  	s3 =	sld [smem:$0x3FB2]  }
0x31: {  	[smem:$0x3FBB] =	sst s10  }
0x32: {  	s10 =	sld [smem:$0x3FB9];
	_ =	sdelay $0x3  }
0x33: {  	p0 =	seq.s32 s10, $0x1;
	s10 =	sld [smem:$0x3FBB];
	_ =	sdelay $0x3  }
0x34: {  	[smem:$0x3FBB] =	sst s10  }
0x35: {  	s10 =	sld [smem:$0x3FBA];
	_ =	sdelay $0x3  }
0x36: {  	p1 =	seq.s32 s10, $0x1;
	s10 =	sld [smem:$0x3FBB];
	_ =	sdelay $0x3  }
0x37: {  	[smem:$0x3FBB] =	sst s10  }
0x38: {  	s10 =	sld [smem:$0x3FBC]  }
0x39: {  	_ = 	snop;
	(pc) =	sbr.ind lr, $3  }
0x3a: {  	_ = 	snop  }
0x3b: {  	_ = 	snop  }
0x3c: {  	p2 =	seq.s32 s10, $0x1;
	s10 =	sld [smem:$0x3FBB]  }
0x3d: {  	_ =	shalt  }
0x3e: {  	_ =	shalt  }
0x3f: {  	_ =	shalt  }
0x40: {  	_ =	shalt  }
0x41: {  	_ =	shalt  }
0x42: {  	_ =	shalt  }
0x43: {  	_ =	shalt  }
0x44: {  	_ =	shalt  }
0x45: {  	_ =	shalt  }
0x46: {  	_ =	shalt  }
0x47: {  	_ =	shalt  }
0x48: {  	_ =	shalt  }
0x49: {  	_ =	shalt  }
0x4a: {  	_ =	shalt  }
0x4b: {  	_ =	shalt  }
0x4c: {  	_ =	shalt  }
0x4d: {  	_ =	shalt  }
0x4e: {  	_ =	shalt  }
0x4f: {  	_ =	shalt  }
0x50: {  	_ =	shalt  }
0x51: {  	_ =	shalt  }
0x52: {  	_ =	shalt  }
0x53: {  	_ =	shalt  }
0x54: {  	_ =	shalt  }
0x55: {  	_ =	shalt  }
0x56: {  	_ =	shalt  }
0x57: {  	_ =	shalt  }
0x58: {  	_ =	shalt  }
0x59: {  	_ =	shalt  }
0x5a: {  	_ =	shalt  }
0x5b: {  	_ =	shalt  }
0x5c: {  	_ =	shalt  }
0x5d: {  	_ =	shalt  }
0x5e: {  	_ =	shalt  }
0x5f: {  	_ =	shalt  }
0x60: {  	_ =	shalt  }
0x61: {  	_ =	shalt  }
0x62: {  	_ =	shalt  }
0x63: {  	_ =	shalt  }
0x64: {  	_ =	shalt  }
0x65: {  	_ =	shalt  }
0x66: {  	_ =	shalt  }
0x67: {  	_ =	shalt  }
0x68: {  	_ =	shalt  }
0x69: {  	_ =	shalt  }
0x6a: {  	_ =	shalt  }
0x6b: {  	_ =	shalt  }
0x6c: {  	_ =	shalt  }
0x6d: {  	_ =	shalt  }
0x6e: {  	_ =	shalt  }
0x6f: {  	_ =	shalt  }
0x70: {  	_ =	shalt  }
0x71: {  	_ =	shalt  }
0x72: {  	_ =	shalt  }
0x73: {  	_ =	shalt  }
0x74: {  	_ =	shalt  }
0x75: {  	_ =	shalt  }
0x76: {  	_ =	shalt  }
0x77: {  	_ =	shalt  }
0x78: {  	_ =	shalt  }
0x79: {  	_ =	shalt  }
0x7a: {  	_ =	shalt  }
0x7b: {  	_ =	shalt  }
0x7c: {  	_ =	shalt  }
0x7d: {  	_ =	shalt  }
0x7e: {  	_ =	shalt  }
0x7f: {  	_ =	shalt  }
0x80: {  	_ =	shalt  }
0x81: {  	_ =	shalt  }
0x82: {  	_ =	shalt  }
0x83: {  	_ =	shalt  }
0x84: {  	_ =	shalt  }
0x85: {  	_ =	shalt  }
0x86: {  	_ =	shalt  }
0x87: {  	_ =	shalt  }
.Lfunc_end0:
.L_simem_size_0:
called_computation_lowered:
.L_overlay_start_0:
0x88: {  	s2 =	sld [smem:$0x3FD9]  }
0x89: {  	s3 =	sld [smem:$0x3FFE];
	_ =	sdelay $0x1  }
0x8a: {  	s1 =	srdreg.scid  }
0x8b: {  	s0 =	sand.u32 $0x1, s1  }
0x8c: {  	s16 =	sshll.u32 s0, $0xA;
	s2 =	sadd.s32 s3, s2  }
0x8d: {  	s2 =	sadd.s32 s2, s16  }
0x8e: {  	[smem:$0x3FC7] =	sst s2  }
0x8f: {  	_ = 	snop  }
0x90: {  	(tm) =	ssettm $0x1  }
0x91: {  	s17 =	sld [smem:$0x3FFB];
	_ =	sdelay $0x3  }
0x92: {  	_ =	strace s17  }
0x93: {  	s2 =	sld [smem:$0x3FFC];
	_ =	sdelay $0x3  }
0x94: {  	_ =	strace s2  }
0x95: {  	s2 =	sld [smem:$0x3FFD];
	_ =	sdelay $0x3  }
0x96: {  	_ =	strace s2  }
0x97: {  	_ =	strace $0x8FFFFFFF  }
0x98: {  	s18 =	sld [smem:$0x3FDB];
	_ =	sdelay $0x1  }
0x99: {  	s19 =	simm.s32 $_scs_section_size  }
0x9a: {  	s4 =	simm.s32 $_size__tile_overlayer_lowered;
	s5 =	simm.s32 $_tile_overlayer_lowered  }
0x9b: {  	s22 =	simm.s32 $0x1BFF;
	s21 =	sshll.u32 s5, $0x1;
	s2 =	sadd.s32 s19, s18  }
0x9c: {  	s6 =	simm.s32 $0x0;
	s20 =	sshll.u32 s4, $0x1;
	s4 =	sadd.s32 s21, s2  }
0x9d: {  	[timem:s6], [sflag:s22] =	dma.local [hbm:s4], s20  }
0x9e: {  	_ =	swait.ge [sflag:s22], s20  }
0x9f: {  	s3 =	ssub.s32 $0x0, s20;
	[sflag:s22] =	ssyncset.done $0x0  }
0xa0: {  	[sflag:s22] =	ssyncadd.s32 s3;
	_ =	sdelay $0x1  }
0xa1: {  	s23 =	simm.s32 $0x1B8B  }
0xa2: {  	_ =	swait.ge [sflag:s23], $0x1  }
0xa3: {  	[sflag:s23] =	ssyncset.done $0x0  }
0xa4: {  	s25 =	simm.s32 $0x1B8E;
	s24 =	sld [smem:$0x3FFE];
	[sflag:s23] =	ssyncadd.s32 $0xFFFFFFFF  }
0xa5: {  	s26 =	simm.s32 $execute0_lowered;
	[smem:$0x3FD2] =	sst s25  }
0xa6: {  	s4 =	sshll.u32 s26, $0x1;
	_ =	strace $0x80000046;
	[dreg:$0x1] =	wrdreg $0xFFFFFFFF  }
0xa7: {  	s28 =	simm.s32 $_size_execute0_lowered;
	s2 =	sadd.s32 s2, s4;
	[dreg:$0x0] =	wrdreg $0x0  }
0xa8: {  	s4 =	sshll.u32 s28, $0x1;
	[dreg:$0x2] =	wrdreg s2  }
0xa9: {  	[dreg:$0x3] =	wrdreg s4  }
0xaa: {  	[dreg:$0x4] =	wrdreg $0xC0  }
0xab: {  	_ =	task [dreg:s6], $0x5FFFF  }
0xac: {  	[dreg:$0x1] =	wrdreg $0xFFFFFFFF  }
0xad: {  	[dreg:$0x0] =	wrdreg $0x60  }
0xae: {  	[dreg:$0x2] =	wrdreg s24  }
0xaf: {  	[dreg:$0x3] =	wrdreg $0x9  }
0xb0: {  	_ =	task.clear_ibuf [dreg:s6], $0x4FFFF;
	_ =	strace $0x90000046  }
0xb1: {  	s29 =	simm.s32 $0x9;
	_ =	strace $0x80000048  }
0xb2: {  	_ =	swait.ge [sflag:s29], $0x1  }
0xb3: {  	[sflag:s29] =	ssyncadd.s32 $0xFFFFFFFF  }
0xb4: {  	_ =	strace $0x90000048  }
0xb5: {  	_ =	sfence  }
0xb6: {  	s30 =	sld [smem:$0x0];
	_ =	sdelay $0x2  }
0xb7: {  	s31 =	sshll.u32 s1, $0xD;
	s1 =	sshrl.u32 s1, $0x2  }
0xb8: {  	s3 =	sand.u32 $0x4000, s31;
	s1 =	sadd.s32 s1, s30  }
0xb9: {  	s0 =	sor.u32 s3, s0;
	s1 =	sshll.u32 s1, $0x11  }
0xba: {  	s0 =	sor.u32 s1, s0  }
0xbb: {  	s0 =	sadd.s32 $0x8F2B, s0  }
0xbc: {  	[sflag:s0] =	ssyncadd.remote.s32 $0x1  }
0xbd: {  	_ =	sfence.sel $0xFFFF  }
0xbe: {  	[dreg:$0x0] =	wrdreg $0xFFFFFFFF;
	(pc) =	sbr.abs _section_cstart, $3  }
0xbf: {  	[dreg:$0x1] =	wrdreg $0xFFFFFFFF  }
0xc0: {  	_ =	task.clear_ibuf [dreg:s6], $0x2FFFF;
	_ =	strace $0x9FFFFFFF  }
0xc1: {  	(tm) =	ssettm $0x7FFFFFFF  }
tec
execute0_lowered:
.L_overlay_start_1:
0x0: {  	(tag) =	ssettag $0x1  }
0x1: {  	v0 =	vimm.s32 $0xFEDCBA98  }
0x2: {  	v1 =	vimm.s32 $0x76543210;
	v4 =	vimm.s32 $0x32107654;
	v6 =	vimm.s32 $0xDCFE98BA  }
0x3: {  	v7 =	vimm.s32 $0xEFCDAB89;
	v8 =	vimm.s32 $0x67452301;
	v9 =	vimm.s32 $0x54761032  }
0x4: {  	vm0 =	vcmask $0x130C;
	vm1 =	vcmask $0x33C;
	vm2 =	vcmask $0x231C  }
0x5: {  	vm3 =	vcmask $0x332C;
	vm7 =	vcmask $0xB08;
	vm4 =	vcmask $0x2718  }
0x6: {  	vm5 =	vcmask $0x738;
	vm8 =	vcmask $0x2B28;
	vm10 =	vcmask $0x1310  }
0x7: {  	vm9 =	vcmask $0x1B18;
	vm11 =	vcmask $0x1710;
	vm12 =	vcmask $0x2F28  }
0x8: {  	v0 =	vunpack.c.l.s4.s8 v0;
	v2 =	vunpack.c.l.s4.s8 v1;
	v1 =	vimm.s32 $0xBA98FEDC  }
0x9: {  	v4 =	vunpack.c.l.s4.s8 v4;
	v6 =	vunpack.c.l.s4.s8 v6;
	v7 =	vunpack.c.l.s4.s8 v7  }
0xa: {  	v8 =	vunpack.c.l.s4.s8 v8;
	vm0 =	vmor vm1, vm0;
	v5 =	vunpack.c.l.s4.s8 v1  }
0xb: {  	v1 =	vimm.f32 $-Inf;
	vm0 =	vmor vm0, vm2;
	v3 =	vunpack.c.0.s8.s32 v0  }
0xc: {  	v0 =	vimm.f32 $0.0e+00;
	v2 =	vunpack.c.0.s8.s32 v2;
	v4 =	vunpack.c.0.s8.s32 v4  }
0xd: {  	vm0 =	vmor vm0, vm3;
	vm3 =	vmor vm1, vm7;
	vm1 =	vcmask $0x1714  }
0xe: {  	v5 =	vunpack.c.0.s8.s32 v5;
	vm6 =	vmor vm3, vm1;
	vm1 =	vmor vm5, vm4  }
0xf: {  	vm3 =	vmor vm3, vm10;
	vm4 =	vcmask $0x2724;
	vm5 =	vmor vm5, vm11  }
0x10: {  	v3 =	vand.u32 $0xF, v3;
	vm2 =	vmor vm6, vm2;
	vm6 =	vcmask $0x3734  }
0x11: {  	vm3 =	vmor vm3, vm9;
	v2 =	vcombine.low v3, v2;
	v3 =	vcombine.low v4, v5  }
0x12: {  	v4 =	vunpack.c.l.s4.s8 v9;
	v5 =	vunpack.c.0.s8.s32 v6;
	v6 =	vunpack.c.0.s8.s32 v7  }
0x13: {  	v7 =	vunpack.c.0.s8.s32 v8;
	vm2 =	vmor vm2, vm8;
	vm3 =	vmor vm3, vm4  }
0x14: {  	vm4 =	vcmask $0x2F2C;
	v9 =	vlaneseq.u32;
	vm2 =	vmor vm2, vm6  }
0x15: {  	vm13 =	vmor vm3, vm4;
	vm3 =	vcmask $0xF30;
	vm4 =	vmor vm5, vm12  }
0x16: {  	s5 =	rddreg [dreg:$0x0];
	vm12 =	vcmask $0xF00;
	v10 =	vmul.u32 $0xFFFFFFFF, v9;
	v8 =	vunpack.c.0.s8.s32 v4  }
0x17: {  	s0 =	rddreg [dreg:$0x1];
	s2 =	simm.s32 $0x0;
	v4 =	vcombine.low v7, v6;
	vm5 =	vmor vm13, vm6;
	vm6 =	vcmask $0x2F20  }
0x18: {  	s3 =	srdreg.scid;
	s1 =	stileid.u32;
	s9 =	simm.s32 $0x4000;
	vm13 =	vcmask $0x300;
	vm6 =	vmor vm12, vm6;
	vm12 =	vcmask $0x700  }
0x19: {  	s10 =	simm.s32 $0x2;
	s11 =	simm.s32 $0x8080;
	s12 =	simm.s32 $0x3;
	vm13 =	vmor vm13, vm7;
	vm7 =	vmmov $0xff;
	v10 =	vadd.s32 $0xF, v10  }
0x1a: {  	s13 =	simm.s32 $0x0;
	[smem:$0x7FF] =	sst s2;
	s3 =	sand.u32 $0x1, s3;
	v5 =	vcombine.low v8, v5;
	v6 =	vand.u32 $0xF, v4;
	vm10 =	vmor vm13, vm10  }
.Ltmp0:
0x1b: {  	s4 =	sshll.u32 s1, $0x1;
	_ =	strace $0x80000047;
	v8 =	vand.u32 $0xF, v3;
	vm9 =	vmor vm10, vm9;
	vm10 =	vcmask $0x2320;
	(pc) =	sbr.rel .LBB2_1-.Ltmp0, $4  }
0x1c: {  	s4 =	sor.u32 s3, s4;
	s6 =	ssub.s32 $0x2, s3;
	s3 =	sadd.s32 $0x400, s5;
	vm11 =	vmor vm12, vm11;
	vm12 =	vcmask $0x2720;
	vm9 =	vmor vm9, vm10  }
0x1d: {  	s7 =	sshll.u32 s4, $0x1;
	s8 =	sshrl.u32 s6, $0x1;
	s4 =	sshll.u32 s4, $0xE;
	vm11 =	vmor vm11, vm12;
	vm8 =	vmor vm9, vm8;
	vm9 =	vcmask $0x3330  }
0x1e: {  	s7 =	sadd.s32 s7, s5;
	s8 =	ssub.s32 s6, s8;
	s5 =	sadd.s32 $0xC00, s5;
	vm12 =	vcmask $0x3B38;
	vm10 =	vcmask $0x3730;
	vm9 =	vmor vm8, vm9  }
0x1f: {  	s6 =	sadd.s32 $0x80400, s7;
	s7 =	smax.u32 s8, $0x1;
	s8 =	simm.s32 $0x1;
	v7 =	vand.u32 $0xF, v5;
	vm8 =	vmor vm11, vm10;
	vm9 =	vmor vm9, vm12  }
.LBB2_21:
0x20: {  	s13 =	sadd.s32 $0x1, s13  }
0x21: {  	p0 =	sne.s32 s13, s7  }
.Ltmp1:
0x22: {  	_ = 	snop;
	(pc) =	sbr.rel @!p0 .LBB2_22-.Ltmp1, $4  }
0x23: {  	[hbm4b:s6+s2] =	stream.linear.scatter [tilespmem:s11], [sflag:$0x3], $0x10, $0x38;
	[tilespmem:$0x8100] =	vst v63  }
0x24: {  	_ =	swait.ge [sflag:s12], $0x10  }
0x25: {  	[sflag:s12] =	ssyncset.done $0x0  }
0x26: {  	[sflag:s12] =	ssyncadd.s32 $0xFFFFFFF0  }
.LBB2_1:
.Ltmp2:
0x27: {  	(pc) =	sbr.rel .LBB2_2-.Ltmp2, $2  }
0x28: {  	_ =	sdelay $0x2  }
0x29: {  	[tilespmem:$0x8080] =	vst v0;
	s14 =	simm.s32 $0x0  }
.LBB2_20:
0x2a: {  	v11 =	vld [tilespmem:$0x8000]  }
0x2b: {  	v12 =	vld [tilespmem:$0x8010];
	_ =	sdelay $0x4  }
0x2c: {  	v11 =	vadd.f32 v12, v11;
	_ =	sdelay $0x1  }
0x2d: {  	v12 =	vperm.xlane v11, v2;
	_ =	sdelay $0x1  }
0x2e: {  	v11 =	vadd.f32 v12, v11;
	_ =	sdelay $0x1  }
0x2f: {  	v12 =	vperm.xlane v11, v3;
	_ =	sdelay $0x1  }
0x30: {  	v11 =	vadd.f32 v12, v11;
	_ =	sdelay $0x1  }
0x31: {  	v12 =	vperm.xlane v11, v5;
	_ =	sdelay $0x1  }
0x32: {  	v11 =	vadd.f32 v12, v11;
	_ =	sdelay $0x1  }
0x33: {  	v12 =	vperm.xlane v11, v4  }
0x34: {  	v13 =	vld [tilespmem:$0x8080];
	v63 =	vmov s14;
	s14 =	sadd.s32 $0x1, s14  }
0x35: {  	p0 =	sne.s32 s14, $0x4;
	v11 =	vadd.f32 v12, v11  }
.Ltmp3:
0x36: {  	_ = 	snop;
	(pc) =	sbr.rel @!p0 .LBB2_21-.Ltmp3, $4  }
0x37: {  	v11 =	vmul.f32 $3.125000000e-02, v11  }
0x38: {  	vm10 =	veq.s32 v63, v9  }
0x39: {  	v11 =	vsel vm10, v11, v13  }
0x3a: {  	[tilespmem:$0x8080] =	vst v11  }
.LBB2_2:
0x3b: {  	s15 =	sshll.u32 s14, $0xC  }
0x3c: {  	[tilespmem:$0x8000] =	vst v1;
	s16 =	sadd.s32 s4, s15  }
0x3d: {  	[tilespmem:$0x8010] =	vst v1;
	s15 =	simm.s32 $0x0;
	s17 =	sadd.s32 s3, s16  }
0x3e: {  	[tilespmem:s15], [sflag:$0x1] =	stream.linear.gather [hbm4b:s17+s15], $0x4000, $0x38;
	[tilespmem:$0x8100] =	vst v63  }
.Ltmp4:
0x3f: {  	_ = 	snop;
	(pc) =	sbr.rel .LBB2_3-.Ltmp4, $4  }
0x40: {  	_ =	swait.ge [sflag:s8], $0x4000  }
0x41: {  	[sflag:s8] =	ssyncset.done $0x0  }
0x42: {  	s16 =	sadd.s32 s16, s5;
	s17 =	simm.f32 $-Inf;
	[sflag:s8] =	ssyncadd.s32 $0xFFFFC000  }
0x43: {  	[tilespmem:s9], [sflag:$0x2] =	stream.linear.gather [hbm4b:s16+s15], $0x4000, $0x38;
	[tilespmem:$0x8100] =	vst v63  }
.LBB2_4:
0x44: {  	s17 =	smov.u32 @p0 s17  }
.LBB2_10:
0x45: {  	s15 =	sadd.s32 $0x1, s15  }
0x46: {  	p0 =	sne.s32 s15, $0x20  }
.Ltmp5:
0x47: {  	_ = 	snop;
	(pc) =	sbr.rel @!p0 .LBB2_11-.Ltmp5, $1  }
0x48: {  	_ =	sdelay $0x3  }
.LBB2_3:
0x49: {  	s16 =	sshll.u32 s15, $0x9  }
0x4a: {  	v15 =	vld [tilespmem:s16+$0x0]  }
0x4b: {  	v16 =	vld [tilespmem:s16+$0x10]  }
0x4c: {  	v17 =	vld [tilespmem:s16+$0x20]  }
0x4d: {  	v18 =	vld [tilespmem:s16+$0x30]  }
0x4e: {  	v19 =	vld [tilespmem:s16+$0x40]  }
0x4f: {  	v20 =	vld [tilespmem:s16+$0x50]  }
0x50: {  	v21 =	vld [tilespmem:s16+$0x60]  }
0x51: {  	v22 =	vld [tilespmem:s16+$0x70]  }
0x52: {  	v23 =	vld [tilespmem:s16+$0x80]  }
0x53: {  	v24 =	vld [tilespmem:s16+$0x90]  }
0x54: {  	v25 =	vld [tilespmem:s16+$0xA0]  }
0x55: {  	v26 =	vld [tilespmem:s16+$0xB0]  }
0x56: {  	v27 =	vld [tilespmem:s16+$0xC0]  }
0x57: {  	v28 =	vld [tilespmem:s16+$0xD0]  }
0x58: {  	v29 =	vld [tilespmem:s16+$0xE0]  }
0x59: {  	v30 =	vld [tilespmem:s16+$0xF0]  }
0x5a: {  	v31 =	vld [tilespmem:s16+$0x100]  }
0x5b: {  	v32 =	vld [tilespmem:s16+$0x110]  }
0x5c: {  	v33 =	vld [tilespmem:s16+$0x120]  }
0x5d: {  	v34 =	vld [tilespmem:s16+$0x130]  }
0x5e: {  	v35 =	vld [tilespmem:s16+$0x140]  }
0x5f: {  	v36 =	vld [tilespmem:s16+$0x150]  }
0x60: {  	v37 =	vld [tilespmem:s16+$0x160]  }
0x61: {  	v38 =	vld [tilespmem:s16+$0x170]  }
0x62: {  	v39 =	vld [tilespmem:s16+$0x180]  }
0x63: {  	v40 =	vld [tilespmem:s16+$0x190]  }
0x64: {  	v41 =	vld [tilespmem:s16+$0x1A0]  }
0x65: {  	v42 =	vld [tilespmem:s16+$0x1B0]  }
0x66: {  	v14 =	vld [tilespmem:s16+$0x1C0]  }
0x67: {  	v13 =	vld [tilespmem:s16+$0x1D0]  }
0x68: {  	v12 =	vld [tilespmem:s16+$0x1E0]  }
0x69: {  	v11 =	vld [tilespmem:s16+$0x1F0];
	v43 =	vmax.f32 v15, v16  }
0x6a: {  	v44 =	vmax.f32 v17, v18;
	v45 =	vmax.f32 v19, v20;
	v46 =	vmax.f32 v21, v22  }
0x6b: {  	v47 =	vmax.f32 v23, v24;
	v48 =	vmax.f32 v25, v26;
	v49 =	vmax.f32 v27, v28  }
0x6c: {  	v50 =	vmax.f32 v29, v30;
	v51 =	vmax.f32 v31, v32;
	v52 =	vmax.f32 v33, v34  }
0x6d: {  	v53 =	vmax.f32 v35, v36;
	v54 =	vmax.f32 v37, v38;
	v55 =	vmax.f32 v39, v40  }
0x6e: {  	v56 =	vmax.f32 v41, v42;
	v57 =	vmax.f32 v14, v13;
	v58 =	vmax.f32 v12, v11  }
0x6f: {  	v43 =	vmax.f32 v43, v44;
	v61 =	vmax.f32 v45, v46;
	v62 =	vmax.f32 v47, v48  }
0x70: {  	v63 =	vmax.f32 v49, v50;
	v52 =	vmax.f32 v51, v52;
	v54 =	vmax.f32 v53, v54  }
0x71: {  	v56 =	vmax.f32 v55, v56;
	v59 =	vmax.f32 v57, v58;
	v43 =	vmax.f32 v43, v61  }
0x72: {  	v60 =	vmax.f32 v62, v63;
	v61 =	vmax.f32 v52, v54;
	v62 =	vmax.f32 v56, v59  }
0x73: {  	v43 =	vmax.f32 v43, v60;
	v63 =	vmax.f32 v61, v62  }
0x74: {  	v43 =	vmax.f32 v43, v63  }
0x75: {  	v44 =	vperm.xlane v43, v2;
	_ =	sdelay $0x1  }
0x76: {  	v43 =	vmax.f32 v43, v44  }
0x77: {  	v44 =	vperm.xlane v43, v3;
	_ =	sdelay $0x1  }
0x78: {  	v43 =	vmax.f32 v43, v44  }
0x79: {  	v44 =	vperm.xlane v43, v5;
	_ =	sdelay $0x1  }
0x7a: {  	v43 =	vmax.f32 v43, v44  }
0x7b: {  	v44 =	vperm.xlane v43, v4;
	_ =	sdelay $0x1  }
0x7c: {  	v43 =	vmax.f32 v43, v44  }
0x7d: {  	(v2sf) =	vpush v43, $0x0;
	_ =	sdelay $0xe  }
0x7e: {  	s18 =	spop (v2sf)  }
0x7f: {  	p0 =	sgt.f32 s18, s17;
	_ =	sdelay $0x1  }
0x80: {  	vm10 =	vgt.f32 @p0 v15, s17;
	v15 =	vimm.s32 @p0 $0x0;
	vm11 =	vgt.f32 @p0 v16, s17  }
0x81: {  	v16 =	vsel @p0 vm10, $0x1, v15;
	v43 =	vsel @p0 vm11, $0x2, v15;
	vm10 =	vgt.f32 @p0 v17, s17  }
0x82: {  	v16 =	vor.u32 @p0 v16, v43;
	v17 =	vsel @p0 vm10, $0x4, v15;
	vm10 =	vgt.f32 @p0 v18, s17  }
0x83: {  	v16 =	vor.u32 @p0 v17, v16;
	v17 =	vsel @p0 vm10, $0x8, v15;
	vm10 =	vgt.f32 @p0 v19, s17  }
0x84: {  	v16 =	vor.u32 @p0 v17, v16;
	v17 =	vsel @p0 vm10, $0x10, v15;
	vm10 =	vgt.f32 @p0 v20, s17  }
0x85: {  	v16 =	vor.u32 @p0 v17, v16;
	v17 =	vsel @p0 vm10, $0x20, v15;
	vm10 =	vgt.f32 @p0 v21, s17  }
0x86: {  	v16 =	vor.u32 @p0 v17, v16;
	v17 =	vsel @p0 vm10, $0x40, v15;
	vm10 =	vgt.f32 @p0 v22, s17  }
0x87: {  	v16 =	vor.u32 @p0 v17, v16;
	v17 =	vsel @p0 vm10, $0x80, v15;
	vm10 =	vgt.f32 @p0 v23, s17  }
0x88: {  	v16 =	vor.u32 @p0 v17, v16;
	v17 =	vsel @p0 vm10, $0x100, v15;
	vm10 =	vgt.f32 @p0 v24, s17  }
0x89: {  	v16 =	vor.u32 @p0 v17, v16;
	v17 =	vsel @p0 vm10, $0x200, v15;
	vm10 =	vgt.f32 @p0 v25, s17  }
0x8a: {  	v16 =	vor.u32 @p0 v17, v16;
	v17 =	vsel @p0 vm10, $0x400, v15;
	vm10 =	vgt.f32 @p0 v26, s17  }
0x8b: {  	v16 =	vor.u32 @p0 v17, v16;
	v17 =	vsel @p0 vm10, $0x800, v15;
	vm10 =	vgt.f32 @p0 v27, s17  }
0x8c: {  	v16 =	vor.u32 @p0 v17, v16;
	v17 =	vsel @p0 vm10, $0x1000, v15;
	vm10 =	vgt.f32 @p0 v28, s17  }
0x8d: {  	v16 =	vor.u32 @p0 v17, v16;
	v17 =	vsel @p0 vm10, $0x2000, v15;
	vm10 =	vgt.f32 @p0 v29, s17  }
0x8e: {  	v16 =	vor.u32 @p0 v17, v16;
	v17 =	vsel @p0 vm10, $0x4000, v15;
	vm10 =	vgt.f32 @p0 v30, s17  }
0x8f: {  	v16 =	vor.u32 @p0 v17, v16;
	v17 =	vsel @p0 vm10, $0x8000, v15;
	vm10 =	vgt.f32 @p0 v31, s17  }
0x90: {  	v16 =	vor.u32 @p0 v17, v16;
	v17 =	vsel @p0 vm10, $0x10000, v15;
	vm10 =	vgt.f32 @p0 v32, s17  }
0x91: {  	v16 =	vor.u32 @p0 v17, v16;
	v17 =	vsel @p0 vm10, $0x20000, v15;
	vm10 =	vgt.f32 @p0 v33, s17  }
0x92: {  	v16 =	vor.u32 @p0 v17, v16;
	v17 =	vsel @p0 vm10, $0x40000, v15;
	vm10 =	vgt.f32 @p0 v34, s17  }
0x93: {  	v16 =	vor.u32 @p0 v17, v16;
	v17 =	vsel @p0 vm10, $0x80000, v15;
	vm10 =	vgt.f32 @p0 v35, s17  }
0x94: {  	v16 =	vor.u32 @p0 v17, v16;
	v17 =	vsel @p0 vm10, $0x100000, v15;
	vm10 =	vgt.f32 @p0 v36, s17  }
0x95: {  	v16 =	vor.u32 @p0 v17, v16;
	v17 =	vsel @p0 vm10, $0x200000, v15;
	vm10 =	vgt.f32 @p0 v37, s17  }
0x96: {  	v16 =	vor.u32 @p0 v17, v16;
	v17 =	vsel @p0 vm10, $0x400000, v15;
	vm10 =	vgt.f32 @p0 v38, s17  }
0x97: {  	v16 =	vor.u32 @p0 v17, v16;
	v17 =	vsel @p0 vm10, $0x800000, v15;
	vm10 =	vgt.f32 @p0 v39, s17  }
0x98: {  	v16 =	vor.u32 @p0 v17, v16;
	v17 =	vsel @p0 vm10, $0x1000000, v15;
	vm10 =	vgt.f32 @p0 v40, s17  }
0x99: {  	v16 =	vor.u32 @p0 v17, v16;
	v17 =	vsel @p0 vm10, $0x2000000, v15;
	vm10 =	vgt.f32 @p0 v41, s17  }
0x9a: {  	v16 =	vor.u32 @p0 v17, v16;
	v17 =	vsel @p0 vm10, $0x4000000, v15;
	vm10 =	vgt.f32 @p0 v42, s17  }
0x9b: {  	v16 =	vor.u32 @p0 v17, v16;
	v17 =	vsel @p0 vm10, $0x8000000, v15;
	vm10 =	vgt.f32 @p0 v14, s17  }
0x9c: {  	v14 =	vor.u32 @p0 v17, v16;
	v16 =	vsel @p0 vm10, $0x10000000, v15  }
0x9d: {  	v14 =	vor.u32 @p0 v16, v14;
	v16 =	vimm.s32 @p0 $0xFEDCBA98  }
0x9e: {  	vm10 =	vgt.f32 @p0 v13, s17;
	v13 =	vimm.s32 @p0 $0x76543210;
	v16 =	vunpack.c.l.s4.s8 @p0 v16  }
0x9f: {  	v17 =	vsel @p0 vm10, $0x20000000, v15;
	vm10 =	vgt.f32 @p0 v12, s17;
	v12 =	vunpack.c.l.s4.s8 @p0 v13  }
0xa0: {  	v13 =	vor.u32 @p0 v17, v14;
	v14 =	vsel @p0 vm10, $0x40000000, v15;
	v16 =	vunpack.c.0.s8.s32 @p0 v16  }
0xa1: {  	vm10 =	vgt.f32 @p0 v11, s17;
	v13 =	vor.u32 @p0 v14, v13;
	v11 =	vunpack.c.0.s8.s32 @p0 v12  }
0xa2: {  	v12 =	vsel @p0 vm10, $0x80000000, v15;
	v15 =	vimm.s32 @p0 $0xBA98FEDC;
	v14 =	vand.u32 @p0 $0xF, v16  }
0xa3: {  	v14 =	vcombine.low @p0 v14, v11;
	v11 =	vunpack.c.l.s4.s8 @p0 v15;
	v15 =	vimm.s32 @p0 $0x32107654  }
0xa4: {  	v17 =	vimm.s32 @p0 $0x54761032;
	v12 =	vor.u32 @p0 v12, v13;
	v13 =	vunpack.c.l.s4.s8 @p0 v15  }
0xa5: {  	v17 =	vunpack.c.l.s4.s8 @p0 v17;
	v16 =	vimm.s32 @p0 $0xDCFE98BA  }
0xa6: {  	v15 =	vperm.xlane @p0 v12, v14;
	v11 =	vunpack.c.0.s8.s32 @p0 v11;
	v13 =	vunpack.c.0.s8.s32 @p0 v13  }
0xa7: {  	v16 =	vunpack.c.l.s4.s8 @p0 v16  }
0xa8: {  	v12 =	vor.u32 @p0 v12, v15;
	v15 =	vunpack.c.0.s8.s32 @p0 v17;
	v11 =	vcombine.low @p0 v13, v11  }
0xa9: {  	v17 =	vimm.s32 @p0 $0x67452301;
	v13 =	vunpack.c.0.s8.s32 @p0 v16;
	v16 =	vimm.s32 @p0 $0xEFCDAB89  }
0xaa: {  	v18 =	vand.u32 @p0 $0xF, v11;
	v11 =	vunpack.c.l.s4.s8 @p0 v16;
	v16 =	vunpack.c.l.s4.s8 @p0 v17  }
0xab: {  	v13 =	vcombine.low @p0 v15, v13;
	v17 =	vperm.xlane @p0 v12, v18  }
0xac: {  	v11 =	vunpack.c.0.s8.s32 @p0 v11;
	v15 =	vunpack.c.0.s8.s32 @p0 v16  }
0xad: {  	v13 =	vand.u32 @p0 $0xF, v13;
	v12 =	vor.u32 @p0 v17, v12  }
0xae: {  	v16 =	vperm.xlane @p0 v12, v13;
	v11 =	vcombine.low @p0 v15, v11;
	_ =	sdelay $0x1  }
0xaf: {  	v12 =	vor.u32 @p0 v16, v12;
	v15 =	vand.u32 @p0 $0xF, v11  }
0xb0: {  	v11 =	vperm.xlane @p0 v12, v15  }
0xb1: {  	v16 =	vlaneseq.u32 @p0  }
0xb2: {  	v11 =	vor.u32 @p0 v11, v12;
	v12 =	vor.u32 @p0 $0x10, v16  }
0xb3: {  	v16 =	vshrl.u32 @p0 v11, v16;
	v12 =	vshrl.u32 @p0 v11, v12  }
0xb4: {  	v16 =	vand.u32 @p0 $0x1, v16;
	v12 =	vand.u32 @p0 $0x1, v12  }
0xb5: {  	v12 =	vadd.s32 @p0 v12, v16  }
0xb6: {  	v14 =	vperm.xlane @p0 v12, v14;
	_ =	sdelay $0x1  }
0xb7: {  	v12 =	vadd.s32 @p0 v14, v12  }
0xb8: {  	v14 =	vperm.xlane @p0 v12, v18;
	_ =	sdelay $0x1  }
0xb9: {  	v12 =	vadd.s32 @p0 v14, v12  }
0xba: {  	v13 =	vperm.xlane @p0 v12, v13;
	_ =	sdelay $0x1  }
0xbb: {  	v12 =	vadd.s32 @p0 v13, v12  }
0xbc: {  	v13 =	vperm.xlane @p0 v12, v15;
	_ =	sdelay $0x1  }
0xbd: {  	v12 =	vadd.s32 @p0 v13, v12  }
0xbe: {  	(v2sf) =	vpush @p0 v12, $0x0;
	_ =	sdelay $0xe  }
0xbf: {  	s18 =	spop @p0 (v2sf)  }
0xc0: {  	p1 =	slt.s32 @p0 s18, $0x1  }
0xc1: {  	p1 =	por !p0, p1  }
.Ltmp6:
0xc2: {  	_ = 	snop;
	(pc) =	sbr.rel @p1 .LBB2_4-.Ltmp6, $1  }
0xc3: {  	_ =	sdelay $0x3  }
0xc4: {  	(v2sf) =	vpush v11, $0x0;
	_ =	sdelay $0xe  }
0xc5: {  	s17 =	spop (v2sf)  }
0xc6: {  	s19 =	ssub.s32 $0x0, s17  }
0xc7: {  	s19 =	sand.u32 s19, s17  }
0xc8: {  	s20 =	scvt.s32.f32 s19  }
0xc9: {  	p1 =	sne.s32 s18, $0x1  }
.Ltmp7:
0xca: {  	s20 =	sshra.s32 s20, $0x13;
	(pc) =	sbr.rel @!p1 .LBB2_6-.Ltmp7, $4  }
0xcb: {  	s20 =	sand.u32 $0xFFFFFFF0, s20  }
0xcc: {  	p0 =	seq.s32 s19, $0x80000000;
	s19 =	sadd.s32 $0xFFFFF810, s20  }
0xcd: {  	v12 =	vld [tilespmem:$0x8000];
	s18 =	sadd.s32 $0xFFFFFFFF, s18;
	s19 =	simm.s32 @p0 $0x1F0  }
0xce: {  	v11 =	vld [tilespmem:$0x8010];
	p0 =	por $0x0, $0x0;
	s20 =	sadd.s32 s16, s19;
	s19 =	sand.u32 $0x70, s19  }
0xcf: {  	s20 =	sand.u32 $0xFFFFFF80, s20  }
0xd0: {  	s19 =	sor.u32 s19, s20  }
0xd1: {  	v13 =	vld [tilespmem:s19+$0x0];
	_ =	sdelay $0x4  }
0xd2: {  	v14 =	vperm.xlane v13, v6;
	_ =	sdelay $0x1  }
0xd3: {  	v15 =	vmin.f32 v13, v14;
	v13 =	vmax.f32 v13, v14  }
0xd4: {  	v13 =	vsel vm0, v15, v13  }
0xd5: {  	v14 =	vperm.xlane v13, v7;
	_ =	sdelay $0x1  }
0xd6: {  	v15 =	vmin.f32 v13, v14;
	v13 =	vmax.f32 v13, v14  }
0xd7: {  	v13 =	vsel vm1, v15, v13  }
0xd8: {  	v14 =	vperm.xlane v13, v6;
	_ =	sdelay $0x1  }
0xd9: {  	v15 =	vmin.f32 v13, v14;
	v13 =	vmax.f32 v13, v14  }
0xda: {  	v13 =	vsel vm2, v15, v13  }
0xdb: {  	v14 =	vperm.xlane v13, v8;
	_ =	sdelay $0x1  }
0xdc: {  	v15 =	vmin.f32 v13, v14;
	v13 =	vmax.f32 v13, v14  }
0xdd: {  	v13 =	vsel vm3, v15, v13  }
0xde: {  	v14 =	vperm.xlane v13, v7;
	_ =	sdelay $0x1  }
0xdf: {  	v15 =	vmin.f32 v13, v14;
	v13 =	vmax.f32 v13, v14  }
0xe0: {  	v13 =	vsel vm4, v15, v13  }
0xe1: {  	v14 =	vperm.xlane v13, v6;
	_ =	sdelay $0x1  }
0xe2: {  	v15 =	vmin.f32 v13, v14;
	v13 =	vmax.f32 v13, v14  }
0xe3: {  	v13 =	vsel vm5, v15, v13  }
0xe4: {  	v14 =	vperm.xlane v13, v2;
	_ =	sdelay $0x1  }
0xe5: {  	v15 =	vmin.f32 v13, v14;
	v13 =	vmax.f32 v13, v14  }
0xe6: {  	v13 =	vsel vm7, v15, v13  }
0xe7: {  	v14 =	vperm.xlane v13, v8;
	_ =	sdelay $0x1  }
0xe8: {  	v15 =	vmin.f32 v13, v14;
	v13 =	vmax.f32 v13, v14  }
0xe9: {  	v13 =	vsel vm6, v15, v13  }
0xea: {  	v14 =	vperm.xlane v13, v7;
	_ =	sdelay $0x1  }
0xeb: {  	v15 =	vmin.f32 v13, v14;
	v13 =	vmax.f32 v13, v14  }
0xec: {  	v13 =	vsel vm8, v15, v13  }
0xed: {  	v14 =	vperm.xlane v13, v6;
	_ =	sdelay $0x1  }
0xee: {  	v15 =	vmin.f32 v13, v14;
	v13 =	vmax.f32 v13, v14  }
0xef: {  	v13 =	vsel vm9, v15, v13  }
0xf0: {  	v13 =	vperm.xlane v13, v10;
	_ =	sdelay $0x1  }
0xf1: {  	v12 =	vmax.f32 v12, v13  }
0xf2: {  	v13 =	vmin.f32 v12, v11  }
0xf3: {  	v12 =	vmax.f32 v12, v11;
	v14 =	vperm.xlane v13, v2  }
0xf4: {  	v15 =	vperm.xlane v12, v2  }
0xf5: {  	v16 =	vmin.f32 v13, v14;
	v13 =	vmax.f32 v13, v14  }
0xf6: {  	v14 =	vmin.f32 v12, v15;
	v12 =	vmax.f32 v12, v15;
	v13 =	vsel vm7, v16, v13  }
0xf7: {  	v12 =	vsel vm7, v14, v12;
	v15 =	vperm.xlane v13, v8  }
0xf8: {  	s30 =	sadd.s32 $0xFFFFFFFF, s17;
	v14 =	vperm.xlane v12, v8  }
0xf9: {  	s17 =	sand.u32 s17, s30;
	v16 =	vmin.f32 v13, v15;
	v13 =	vmax.f32 v13, v15  }
0xfa: {  	s19 =	ssub.s32 $0x0, s17;
	v15 =	vmin.f32 v12, v14;
	v12 =	vmax.f32 v12, v14;
	v13 =	vsel vm6, v16, v13  }
0xfb: {  	s19 =	sand.u32 s19, s17;
	v12 =	vsel vm6, v15, v12;
	v14 =	vperm.xlane v13, v7  }
0xfc: {  	s31 =	scvt.s32.f32 s19;
	v15 =	vperm.xlane v12, v7  }
0xfd: {  	p1 =	sne.s32 s18, $0x1;
	v16 =	vmin.f32 v13, v14;
	v13 =	vmax.f32 v13, v14  }
.Ltmp8:
0xfe: {  	s20 =	sshra.s32 s31, $0x13;
	v14 =	vmin.f32 v12, v15;
	v12 =	vmax.f32 v12, v15;
	v13 =	vsel vm8, v16, v13;
	(pc) =	sbr.rel @!p1 .LBB2_9-.Ltmp8, $4  }
0xff: {  	s20 =	sand.u32 $0xFFFFFFF0, s20;
	v14 =	vsel vm8, v14, v12;
	v15 =	vperm.xlane v13, v6  }
0x100: {  	p0 =	seq.s32 s19, $0x80000000;
	s19 =	sadd.s32 $0xFFFFF810, s20;
	v63 =	vperm.xlane v14, v6  }
0x101: {  	s18 =	sadd.s32 $0xFFFFFFFF, s18;
	s19 =	simm.s32 @p0 $0x1F0;
	v12 =	vmin.f32 v13, v15;
	v13 =	vmax.f32 v13, v15  }
0x102: {  	p0 =	por $0x1, $0x1;
	s20 =	sadd.s32 s16, s19;
	s19 =	sand.u32 $0x70, s19;
	v12 =	vsel vm9, v12, v13;
	v13 =	vmin.f32 v14, v63;
	v14 =	vmax.f32 v14, v63  }
.LBB2_8:
0x103: {  	p1 =	sne.s32 s18, $0x1;
	s18 =	sadd.s32 $0xFFFFFFFF, s18;
	s20 =	sand.u32 $0xFFFFFF80, s20;
	v13 =	vsel vm9, v13, v14;
	[tilespmem:$0x8000] =	vst v12  }
0x104: {  	s19 =	sor.u32 s19, s20;
	[tilespmem:$0x8010] =	vst v13  }
0x105: {  	v14 =	vld [tilespmem:s19+$0x0];
	_ =	sdelay $0x4  }
0x106: {  	v15 =	vperm.xlane v14, v6;
	_ =	sdelay $0x1  }
0x107: {  	v16 =	vmin.f32 v14, v15;
	v14 =	vmax.f32 v14, v15  }
0x108: {  	v14 =	vsel vm0, v16, v14  }
0x109: {  	v15 =	vperm.xlane v14, v7;
	_ =	sdelay $0x1  }
0x10a: {  	v16 =	vmin.f32 v14, v15;
	v14 =	vmax.f32 v14, v15  }
0x10b: {  	v14 =	vsel vm1, v16, v14  }
0x10c: {  	v15 =	vperm.xlane v14, v6;
	_ =	sdelay $0x1  }
0x10d: {  	v16 =	vmin.f32 v14, v15;
	v14 =	vmax.f32 v14, v15  }
0x10e: {  	v14 =	vsel vm2, v16, v14  }
0x10f: {  	v15 =	vperm.xlane v14, v8;
	_ =	sdelay $0x1  }
0x110: {  	v16 =	vmin.f32 v14, v15;
	v14 =	vmax.f32 v14, v15  }
0x111: {  	v14 =	vsel vm3, v16, v14  }
0x112: {  	v15 =	vperm.xlane v14, v7;
	_ =	sdelay $0x1  }
0x113: {  	v16 =	vmin.f32 v14, v15;
	v14 =	vmax.f32 v14, v15  }
0x114: {  	v14 =	vsel vm4, v16, v14  }
0x115: {  	v15 =	vperm.xlane v14, v6;
	_ =	sdelay $0x1  }
0x116: {  	v16 =	vmin.f32 v14, v15;
	v14 =	vmax.f32 v14, v15  }
0x117: {  	v14 =	vsel vm5, v16, v14  }
0x118: {  	v15 =	vperm.xlane v14, v2;
	_ =	sdelay $0x1  }
0x119: {  	v16 =	vmin.f32 v14, v15;
	v14 =	vmax.f32 v14, v15  }
0x11a: {  	v14 =	vsel vm7, v16, v14  }
0x11b: {  	v15 =	vperm.xlane v14, v8;
	_ =	sdelay $0x1  }
0x11c: {  	v16 =	vmin.f32 v14, v15;
	v14 =	vmax.f32 v14, v15  }
0x11d: {  	v14 =	vsel vm6, v16, v14  }
0x11e: {  	v15 =	vperm.xlane v14, v7;
	_ =	sdelay $0x1  }
0x11f: {  	v16 =	vmin.f32 v14, v15;
	v14 =	vmax.f32 v14, v15  }
0x120: {  	v14 =	vsel vm8, v16, v14  }
0x121: {  	v15 =	vperm.xlane v14, v6;
	_ =	sdelay $0x1  }
0x122: {  	v16 =	vmin.f32 v14, v15;
	v14 =	vmax.f32 v14, v15  }
0x123: {  	v14 =	vsel vm9, v16, v14  }
0x124: {  	v14 =	vperm.xlane v14, v10;
	_ =	sdelay $0x1  }
0x125: {  	v12 =	vmax.f32 v12, v14  }
0x126: {  	v14 =	vmin.f32 v12, v13;
	v12 =	vmax.f32 v12, v13  }
0x127: {  	v13 =	vperm.xlane v14, v2;
	v15 =	vperm.xlane v12, v2;
	_ =	sdelay $0x1  }
0x128: {  	v16 =	vmin.f32 v14, v13;
	v13 =	vmax.f32 v14, v13;
	v14 =	vmin.f32 v12, v15  }
0x129: {  	v12 =	vmax.f32 v12, v15;
	v13 =	vsel vm7, v16, v13  }
0x12a: {  	v12 =	vsel vm7, v14, v12;
	v15 =	vperm.xlane v13, v8  }
0x12b: {  	s19 =	sadd.s32 $0xFFFFFFFF, s17;
	v14 =	vperm.xlane v12, v8  }
0x12c: {  	s17 =	sand.u32 s17, s19;
	v16 =	vmin.f32 v13, v15;
	v13 =	vmax.f32 v13, v15  }
0x12d: {  	s19 =	ssub.s32 $0x0, s17;
	v15 =	vmin.f32 v12, v14;
	v12 =	vmax.f32 v12, v14;
	v13 =	vsel vm6, v16, v13  }
0x12e: {  	s19 =	sand.u32 s19, s17;
	v12 =	vsel vm6, v15, v12;
	v14 =	vperm.xlane v13, v7  }
0x12f: {  	s20 =	scvt.s32.f32 s19;
	v15 =	vperm.xlane v12, v7  }
0x130: {  	v16 =	vmin.f32 v13, v14;
	v13 =	vmax.f32 v13, v14  }
.Ltmp9:
0x131: {  	s20 =	sshra.s32 s20, $0x13;
	v14 =	vmin.f32 v12, v15;
	v12 =	vmax.f32 v12, v15;
	v13 =	vsel vm8, v16, v13;
	(pc) =	sbr.rel @p1 .LBB2_8-.Ltmp9, $4  }
0x132: {  	s20 =	sand.u32 $0xFFFFFFF0, s20;
	v14 =	vsel vm8, v14, v12;
	v15 =	vperm.xlane v13, v6  }
0x133: {  	p2 =	seq.s32 s19, $0x80000000;
	s19 =	sadd.s32 $0xFFFFF810, s20;
	v16 =	vperm.xlane v14, v6  }
0x134: {  	s19 =	simm.s32 @p2 $0x1F0;
	v12 =	vmin.f32 v13, v15;
	v13 =	vmax.f32 v13, v15  }
0x135: {  	s20 =	sadd.s32 s16, s19;
	s19 =	sand.u32 $0x70, s19;
	v12 =	vsel vm9, v12, v13;
	v13 =	vmin.f32 v14, v16;
	v14 =	vmax.f32 v14, v16  }
.LBB2_9:
0x136: {  	s16 =	sand.u32 $0xFFFFFF80, s20;
	v13 =	vsel @p0 vm9, v13, v14;
	[tilespmem:$0x8000] =	vst @p0 v12  }
0x137: {  	s16 =	sor.u32 s19, s16;
	[tilespmem:$0x8010] =	vst @p0 v13  }
0x138: {  	v43 =	vld [tilespmem:s16+$0x0];
	_ =	sdelay $0x4  }
0x139: {  	v15 =	vperm.xlane v43, v6;
	_ =	sdelay $0x1  }
0x13a: {  	v16 =	vmin.f32 v43, v15;
	v14 =	vmax.f32 v43, v15  }
0x13b: {  	v14 =	vsel vm0, v16, v14  }
0x13c: {  	v44 =	vperm.xlane v14, v7;
	_ =	sdelay $0x1  }
0x13d: {  	v16 =	vmin.f32 v14, v44;
	v14 =	vmax.f32 v14, v44  }
0x13e: {  	v14 =	vsel vm1, v16, v14  }
0x13f: {  	v45 =	vperm.xlane v14, v6;
	_ =	sdelay $0x1  }
0x140: {  	v16 =	vmin.f32 v14, v45;
	v14 =	vmax.f32 v14, v45  }
0x141: {  	v14 =	vsel vm2, v16, v14  }
0x142: {  	v46 =	vperm.xlane v14, v8;
	_ =	sdelay $0x1  }
0x143: {  	v16 =	vmin.f32 v14, v46;
	v14 =	vmax.f32 v14, v46  }
0x144: {  	v14 =	vsel vm3, v16, v14  }
0x145: {  	v47 =	vperm.xlane v14, v7;
	_ =	sdelay $0x1  }
0x146: {  	v16 =	vmin.f32 v14, v47;
	v14 =	vmax.f32 v14, v47  }
0x147: {  	v14 =	vsel vm4, v16, v14  }
0x148: {  	v48 =	vperm.xlane v14, v6;
	_ =	sdelay $0x1  }
0x149: {  	v16 =	vmin.f32 v14, v48;
	v14 =	vmax.f32 v14, v48  }
0x14a: {  	v14 =	vsel vm5, v16, v14  }
0x14b: {  	v49 =	vperm.xlane v14, v2;
	_ =	sdelay $0x1  }
0x14c: {  	v16 =	vmin.f32 v14, v49;
	v14 =	vmax.f32 v14, v49  }
0x14d: {  	v14 =	vsel vm7, v16, v14  }
0x14e: {  	v50 =	vperm.xlane v14, v8;
	_ =	sdelay $0x1  }
0x14f: {  	v16 =	vmin.f32 v14, v50;
	v14 =	vmax.f32 v14, v50  }
0x150: {  	v14 =	vsel vm6, v16, v14  }
0x151: {  	v51 =	vperm.xlane v14, v7;
	_ =	sdelay $0x1  }
0x152: {  	v16 =	vmin.f32 v14, v51;
	v14 =	vmax.f32 v14, v51  }
0x153: {  	v14 =	vsel vm8, v16, v14  }
0x154: {  	v52 =	vperm.xlane v14, v6;
	_ =	sdelay $0x1  }
0x155: {  	v16 =	vmin.f32 v14, v52;
	v14 =	vmax.f32 v14, v52  }
0x156: {  	v14 =	vsel vm9, v16, v14  }
0x157: {  	v14 =	vperm.xlane v14, v10;
	_ =	sdelay $0x1  }
0x158: {  	v11 =	vpsel p0, v13, v11;
	v53 =	vmax.f32 v12, v14  }
0x159: {  	v13 =	vmin.f32 v53, v11  }
0x15a: {  	v54 =	vperm.xlane v13, v2;
	_ =	sdelay $0x1  }
0x15b: {  	v55 =	vmin.f32 v13, v54;
	v13 =	vmax.f32 v13, v54  }
0x15c: {  	v13 =	vsel vm7, v55, v13  }
0x15d: {  	v56 =	vperm.xlane v13, v8;
	_ =	sdelay $0x1  }
0x15e: {  	v15 =	vmin.f32 v13, v56;
	v13 =	vmax.f32 v13, v56  }
0x15f: {  	v13 =	vsel vm6, v15, v13  }
0x160: {  	v57 =	vperm.xlane v13, v7;
	_ =	sdelay $0x1  }
0x161: {  	v15 =	vmin.f32 v13, v57;
	v13 =	vmax.f32 v13, v57  }
0x162: {  	v13 =	vsel vm8, v15, v13  }
0x163: {  	v58 =	vperm.xlane v13, v6  }
0x164: {  	v11 =	vmax.f32 v53, v11  }
0x165: {  	v12 =	vperm.xlane v11, v2;
	v15 =	vmin.f32 v13, v58  }
0x166: {  	(v2sf) =	vpush v15, $0x0  }
0x167: {  	v59 =	vmin.f32 v11, v12;
	v11 =	vmax.f32 v11, v12  }
0x168: {  	v11 =	vsel vm7, v59, v11  }
0x169: {  	v60 =	vperm.xlane v11, v8;
	_ =	sdelay $0x1  }
0x16a: {  	v16 =	vmin.f32 v11, v60;
	v11 =	vmax.f32 v11, v60  }
0x16b: {  	v11 =	vsel vm6, v16, v11  }
0x16c: {  	v61 =	vperm.xlane v11, v7;
	_ =	sdelay $0x1  }
0x16d: {  	v16 =	vmin.f32 v11, v61;
	v11 =	vmax.f32 v11, v61  }
0x16e: {  	v11 =	vsel vm8, v16, v11  }
.Ltmp10:
0x16f: {  	v62 =	vperm.xlane v11, v6;
	(pc) =	sbr.rel .LBB2_10-.Ltmp10, $4  }
0x170: {  	v13 =	vmax.f32 v13, v58  }
0x171: {  	v63 =	vmin.f32 v11, v62;
	v11 =	vmax.f32 v11, v62;
	v13 =	vsel vm9, v15, v13  }
0x172: {  	v11 =	vsel vm9, v63, v11;
	[tilespmem:$0x8000] =	vst v13  }
0x173: {  	[tilespmem:$0x8010] =	vst v11;
	s17 =	spop (v2sf)  }
.LBB2_6:
.Ltmp11:
0x174: {  	(pc) =	sbr.rel .LBB2_9-.Ltmp11, $2  }
0x175: {  	_ =	sdelay $0x2  }
0x176: {  	_ = 	snop  }
.LBB2_11:
.Ltmp12:
0x177: {  	(pc) =	sbr.rel .LBB2_12-.Ltmp12, $4  }
0x178: {  	_ = 	snop  }
0x179: {  	_ =	swait.ge [sflag:s10], $0x4000  }
0x17a: {  	[sflag:s10] =	ssyncset.done $0x0  }
0x17b: {  	s15 =	simm.s32 $0x0;
	[sflag:s10] =	ssyncadd.s32 $0xFFFFC000  }
.LBB2_13:
0x17c: {  	s17 =	smov.u32 @p0 s17  }
.LBB2_19:
0x17d: {  	s15 =	sadd.s32 $0x1, s15  }
0x17e: {  	p0 =	sne.s32 s15, $0x20  }
.Ltmp13:
0x17f: {  	_ = 	snop;
	(pc) =	sbr.rel @!p0 .LBB2_20-.Ltmp13, $1  }
0x180: {  	_ =	sdelay $0x3  }
.LBB2_12:
0x181: {  	s16 =	sshll.u32 s15, $0x9  }
0x182: {  	v15 =	vld [tilespmem:s16+$0x4000]  }
0x183: {  	v16 =	vld [tilespmem:s16+$0x4010]  }
0x184: {  	v17 =	vld [tilespmem:s16+$0x4020]  }
0x185: {  	v18 =	vld [tilespmem:s16+$0x4030]  }
0x186: {  	v19 =	vld [tilespmem:s16+$0x4040]  }
0x187: {  	v20 =	vld [tilespmem:s16+$0x4050]  }
0x188: {  	v21 =	vld [tilespmem:s16+$0x4060]  }
0x189: {  	v22 =	vld [tilespmem:s16+$0x4070]  }
0x18a: {  	v23 =	vld [tilespmem:s16+$0x4080]  }
0x18b: {  	v24 =	vld [tilespmem:s16+$0x4090]  }
0x18c: {  	v25 =	vld [tilespmem:s16+$0x40A0]  }
0x18d: {  	v26 =	vld [tilespmem:s16+$0x40B0]  }
0x18e: {  	v27 =	vld [tilespmem:s16+$0x40C0]  }
0x18f: {  	v28 =	vld [tilespmem:s16+$0x40D0]  }
0x190: {  	v29 =	vld [tilespmem:s16+$0x40E0]  }
0x191: {  	v30 =	vld [tilespmem:s16+$0x40F0]  }
0x192: {  	v31 =	vld [tilespmem:s16+$0x4100]  }
0x193: {  	v32 =	vld [tilespmem:s16+$0x4110]  }
0x194: {  	v33 =	vld [tilespmem:s16+$0x4120]  }
0x195: {  	v34 =	vld [tilespmem:s16+$0x4130]  }
0x196: {  	v35 =	vld [tilespmem:s16+$0x4140]  }
0x197: {  	v36 =	vld [tilespmem:s16+$0x4150]  }
0x198: {  	v37 =	vld [tilespmem:s16+$0x4160]  }
0x199: {  	v38 =	vld [tilespmem:s16+$0x4170]  }
0x19a: {  	v39 =	vld [tilespmem:s16+$0x4180]  }
0x19b: {  	v40 =	vld [tilespmem:s16+$0x4190]  }
0x19c: {  	v41 =	vld [tilespmem:s16+$0x41A0]  }
0x19d: {  	v42 =	vld [tilespmem:s16+$0x41B0]  }
0x19e: {  	v14 =	vld [tilespmem:s16+$0x41C0]  }
0x19f: {  	v13 =	vld [tilespmem:s16+$0x41D0]  }
0x1a0: {  	v12 =	vld [tilespmem:s16+$0x41E0]  }
0x1a1: {  	v11 =	vld [tilespmem:s16+$0x41F0];
	v43 =	vmax.f32 v15, v16  }
0x1a2: {  	v44 =	vmax.f32 v17, v18;
	v45 =	vmax.f32 v19, v20;
	v46 =	vmax.f32 v21, v22  }
0x1a3: {  	v47 =	vmax.f32 v23, v24;
	v48 =	vmax.f32 v25, v26;
	v49 =	vmax.f32 v27, v28  }
0x1a4: {  	v50 =	vmax.f32 v29, v30;
	v51 =	vmax.f32 v31, v32;
	v52 =	vmax.f32 v33, v34  }
0x1a5: {  	v53 =	vmax.f32 v35, v36;
	v54 =	vmax.f32 v37, v38;
	v55 =	vmax.f32 v39, v40  }
0x1a6: {  	v56 =	vmax.f32 v41, v42;
	v57 =	vmax.f32 v14, v13;
	v58 =	vmax.f32 v12, v11  }
0x1a7: {  	v43 =	vmax.f32 v43, v44;
	v61 =	vmax.f32 v45, v46;
	v62 =	vmax.f32 v47, v48  }
0x1a8: {  	v63 =	vmax.f32 v49, v50;
	v52 =	vmax.f32 v51, v52;
	v54 =	vmax.f32 v53, v54  }
0x1a9: {  	v56 =	vmax.f32 v55, v56;
	v59 =	vmax.f32 v57, v58;
	v43 =	vmax.f32 v43, v61  }
0x1aa: {  	v60 =	vmax.f32 v62, v63;
	v61 =	vmax.f32 v52, v54;
	v62 =	vmax.f32 v56, v59  }
0x1ab: {  	v43 =	vmax.f32 v43, v60;
	v63 =	vmax.f32 v61, v62  }
0x1ac: {  	v43 =	vmax.f32 v43, v63  }
0x1ad: {  	v44 =	vperm.xlane v43, v2;
	_ =	sdelay $0x1  }
0x1ae: {  	v43 =	vmax.f32 v43, v44  }
0x1af: {  	v44 =	vperm.xlane v43, v3;
	_ =	sdelay $0x1  }
0x1b0: {  	v43 =	vmax.f32 v43, v44  }
0x1b1: {  	v44 =	vperm.xlane v43, v5;
	_ =	sdelay $0x1  }
0x1b2: {  	v43 =	vmax.f32 v43, v44  }
0x1b3: {  	v44 =	vperm.xlane v43, v4;
	_ =	sdelay $0x1  }
0x1b4: {  	v43 =	vmax.f32 v43, v44  }
0x1b5: {  	(v2sf) =	vpush v43, $0x0;
	_ =	sdelay $0xe  }
0x1b6: {  	s18 =	spop (v2sf)  }
0x1b7: {  	p0 =	sgt.f32 s18, s17;
	_ =	sdelay $0x1  }
0x1b8: {  	vm10 =	vgt.f32 @p0 v15, s17;
	v15 =	vimm.s32 @p0 $0x0;
	vm11 =	vgt.f32 @p0 v16, s17  }
0x1b9: {  	v16 =	vsel @p0 vm10, $0x1, v15;
	v43 =	vsel @p0 vm11, $0x2, v15;
	vm10 =	vgt.f32 @p0 v17, s17  }
0x1ba: {  	v16 =	vor.u32 @p0 v16, v43;
	v17 =	vsel @p0 vm10, $0x4, v15;
	vm10 =	vgt.f32 @p0 v18, s17  }
0x1bb: {  	v16 =	vor.u32 @p0 v17, v16;
	v17 =	vsel @p0 vm10, $0x8, v15;
	vm10 =	vgt.f32 @p0 v19, s17  }
0x1bc: {  	v16 =	vor.u32 @p0 v17, v16;
	v17 =	vsel @p0 vm10, $0x10, v15;
	vm10 =	vgt.f32 @p0 v20, s17  }
0x1bd: {  	v16 =	vor.u32 @p0 v17, v16;
	v17 =	vsel @p0 vm10, $0x20, v15;
	vm10 =	vgt.f32 @p0 v21, s17  }
0x1be: {  	v16 =	vor.u32 @p0 v17, v16;
	v17 =	vsel @p0 vm10, $0x40, v15;
	vm10 =	vgt.f32 @p0 v22, s17  }
0x1bf: {  	v16 =	vor.u32 @p0 v17, v16;
	v17 =	vsel @p0 vm10, $0x80, v15;
	vm10 =	vgt.f32 @p0 v23, s17  }
0x1c0: {  	v16 =	vor.u32 @p0 v17, v16;
	v17 =	vsel @p0 vm10, $0x100, v15;
	vm10 =	vgt.f32 @p0 v24, s17  }
0x1c1: {  	v16 =	vor.u32 @p0 v17, v16;
	v17 =	vsel @p0 vm10, $0x200, v15;
	vm10 =	vgt.f32 @p0 v25, s17  }
0x1c2: {  	v16 =	vor.u32 @p0 v17, v16;
	v17 =	vsel @p0 vm10, $0x400, v15;
	vm10 =	vgt.f32 @p0 v26, s17  }
0x1c3: {  	v16 =	vor.u32 @p0 v17, v16;
	v17 =	vsel @p0 vm10, $0x800, v15;
	vm10 =	vgt.f32 @p0 v27, s17  }
0x1c4: {  	v16 =	vor.u32 @p0 v17, v16;
	v17 =	vsel @p0 vm10, $0x1000, v15;
	vm10 =	vgt.f32 @p0 v28, s17  }
0x1c5: {  	v16 =	vor.u32 @p0 v17, v16;
	v17 =	vsel @p0 vm10, $0x2000, v15;
	vm10 =	vgt.f32 @p0 v29, s17  }
0x1c6: {  	v16 =	vor.u32 @p0 v17, v16;
	v17 =	vsel @p0 vm10, $0x4000, v15;
	vm10 =	vgt.f32 @p0 v30, s17  }
0x1c7: {  	v16 =	vor.u32 @p0 v17, v16;
	v17 =	vsel @p0 vm10, $0x8000, v15;
	vm10 =	vgt.f32 @p0 v31, s17  }
0x1c8: {  	v16 =	vor.u32 @p0 v17, v16;
	v17 =	vsel @p0 vm10, $0x10000, v15;
	vm10 =	vgt.f32 @p0 v32, s17  }
0x1c9: {  	v16 =	vor.u32 @p0 v17, v16;
	v17 =	vsel @p0 vm10, $0x20000, v15;
	vm10 =	vgt.f32 @p0 v33, s17  }
0x1ca: {  	v16 =	vor.u32 @p0 v17, v16;
	v17 =	vsel @p0 vm10, $0x40000, v15;
	vm10 =	vgt.f32 @p0 v34, s17  }
0x1cb: {  	v16 =	vor.u32 @p0 v17, v16;
	v17 =	vsel @p0 vm10, $0x80000, v15;
	vm10 =	vgt.f32 @p0 v35, s17  }
0x1cc: {  	v16 =	vor.u32 @p0 v17, v16;
	v17 =	vsel @p0 vm10, $0x100000, v15;
	vm10 =	vgt.f32 @p0 v36, s17  }
0x1cd: {  	v16 =	vor.u32 @p0 v17, v16;
	v17 =	vsel @p0 vm10, $0x200000, v15;
	vm10 =	vgt.f32 @p0 v37, s17  }
0x1ce: {  	v16 =	vor.u32 @p0 v17, v16;
	v17 =	vsel @p0 vm10, $0x400000, v15;
	vm10 =	vgt.f32 @p0 v38, s17  }
0x1cf: {  	v16 =	vor.u32 @p0 v17, v16;
	v17 =	vsel @p0 vm10, $0x800000, v15;
	vm10 =	vgt.f32 @p0 v39, s17  }
0x1d0: {  	v16 =	vor.u32 @p0 v17, v16;
	v17 =	vsel @p0 vm10, $0x1000000, v15;
	vm10 =	vgt.f32 @p0 v40, s17  }
0x1d1: {  	v16 =	vor.u32 @p0 v17, v16;
	v17 =	vsel @p0 vm10, $0x2000000, v15;
	vm10 =	vgt.f32 @p0 v41, s17  }
0x1d2: {  	v16 =	vor.u32 @p0 v17, v16;
	v17 =	vsel @p0 vm10, $0x4000000, v15;
	vm10 =	vgt.f32 @p0 v42, s17  }
0x1d3: {  	v16 =	vor.u32 @p0 v17, v16;
	v17 =	vsel @p0 vm10, $0x8000000, v15;
	vm10 =	vgt.f32 @p0 v14, s17  }
0x1d4: {  	v14 =	vor.u32 @p0 v17, v16;
	v16 =	vsel @p0 vm10, $0x10000000, v15  }
0x1d5: {  	v14 =	vor.u32 @p0 v16, v14;
	v16 =	vimm.s32 @p0 $0xFEDCBA98  }
0x1d6: {  	vm10 =	vgt.f32 @p0 v13, s17;
	v13 =	vimm.s32 @p0 $0x76543210;
	v16 =	vunpack.c.l.s4.s8 @p0 v16  }
0x1d7: {  	v17 =	vsel @p0 vm10, $0x20000000, v15;
	vm10 =	vgt.f32 @p0 v12, s17;
	v12 =	vunpack.c.l.s4.s8 @p0 v13  }
0x1d8: {  	v13 =	vor.u32 @p0 v17, v14;
	v14 =	vsel @p0 vm10, $0x40000000, v15;
	v16 =	vunpack.c.0.s8.s32 @p0 v16  }
0x1d9: {  	vm10 =	vgt.f32 @p0 v11, s17;
	v13 =	vor.u32 @p0 v14, v13;
	v11 =	vunpack.c.0.s8.s32 @p0 v12  }
0x1da: {  	v12 =	vsel @p0 vm10, $0x80000000, v15;
	v15 =	vimm.s32 @p0 $0xBA98FEDC;
	v14 =	vand.u32 @p0 $0xF, v16  }
0x1db: {  	v14 =	vcombine.low @p0 v14, v11;
	v11 =	vunpack.c.l.s4.s8 @p0 v15;
	v15 =	vimm.s32 @p0 $0x32107654  }
0x1dc: {  	v17 =	vimm.s32 @p0 $0x54761032;
	v12 =	vor.u32 @p0 v12, v13;
	v13 =	vunpack.c.l.s4.s8 @p0 v15  }
0x1dd: {  	v17 =	vunpack.c.l.s4.s8 @p0 v17;
	v16 =	vimm.s32 @p0 $0xDCFE98BA  }
0x1de: {  	v15 =	vperm.xlane @p0 v12, v14;
	v11 =	vunpack.c.0.s8.s32 @p0 v11;
	v13 =	vunpack.c.0.s8.s32 @p0 v13  }
0x1df: {  	v16 =	vunpack.c.l.s4.s8 @p0 v16  }
0x1e0: {  	v12 =	vor.u32 @p0 v12, v15;
	v15 =	vunpack.c.0.s8.s32 @p0 v17;
	v11 =	vcombine.low @p0 v13, v11  }
0x1e1: {  	v17 =	vimm.s32 @p0 $0x67452301;
	v13 =	vunpack.c.0.s8.s32 @p0 v16;
	v16 =	vimm.s32 @p0 $0xEFCDAB89  }
0x1e2: {  	v18 =	vand.u32 @p0 $0xF, v11;
	v11 =	vunpack.c.l.s4.s8 @p0 v16;
	v16 =	vunpack.c.l.s4.s8 @p0 v17  }
0x1e3: {  	v13 =	vcombine.low @p0 v15, v13;
	v17 =	vperm.xlane @p0 v12, v18  }
0x1e4: {  	v11 =	vunpack.c.0.s8.s32 @p0 v11;
	v15 =	vunpack.c.0.s8.s32 @p0 v16  }
0x1e5: {  	v13 =	vand.u32 @p0 $0xF, v13;
	v12 =	vor.u32 @p0 v17, v12  }
0x1e6: {  	v16 =	vperm.xlane @p0 v12, v13;
	v11 =	vcombine.low @p0 v15, v11;
	_ =	sdelay $0x1  }
0x1e7: {  	v12 =	vor.u32 @p0 v16, v12;
	v15 =	vand.u32 @p0 $0xF, v11  }
0x1e8: {  	v11 =	vperm.xlane @p0 v12, v15  }
0x1e9: {  	v16 =	vlaneseq.u32 @p0  }
0x1ea: {  	v11 =	vor.u32 @p0 v11, v12;
	v12 =	vor.u32 @p0 $0x10, v16  }
0x1eb: {  	v16 =	vshrl.u32 @p0 v11, v16;
	v12 =	vshrl.u32 @p0 v11, v12  }
0x1ec: {  	v16 =	vand.u32 @p0 $0x1, v16;
	v12 =	vand.u32 @p0 $0x1, v12  }
0x1ed: {  	v12 =	vadd.s32 @p0 v12, v16  }
0x1ee: {  	v14 =	vperm.xlane @p0 v12, v14;
	_ =	sdelay $0x1  }
0x1ef: {  	v12 =	vadd.s32 @p0 v14, v12  }
0x1f0: {  	v14 =	vperm.xlane @p0 v12, v18;
	_ =	sdelay $0x1  }
0x1f1: {  	v12 =	vadd.s32 @p0 v14, v12  }
0x1f2: {  	v13 =	vperm.xlane @p0 v12, v13;
	_ =	sdelay $0x1  }
0x1f3: {  	v12 =	vadd.s32 @p0 v13, v12  }
0x1f4: {  	v13 =	vperm.xlane @p0 v12, v15;
	_ =	sdelay $0x1  }
0x1f5: {  	v12 =	vadd.s32 @p0 v13, v12  }
0x1f6: {  	(v2sf) =	vpush @p0 v12, $0x0;
	_ =	sdelay $0xe  }
0x1f7: {  	s18 =	spop @p0 (v2sf)  }
0x1f8: {  	p1 =	slt.s32 @p0 s18, $0x1  }
0x1f9: {  	p1 =	por !p0, p1  }
.Ltmp14:
0x1fa: {  	_ = 	snop;
	(pc) =	sbr.rel @p1 .LBB2_13-.Ltmp14, $1  }
0x1fb: {  	_ =	sdelay $0x3  }
0x1fc: {  	(v2sf) =	vpush v11, $0x0;
	_ =	sdelay $0xe  }
0x1fd: {  	s17 =	spop (v2sf)  }
0x1fe: {  	s19 =	ssub.s32 $0x0, s17  }
0x1ff: {  	s19 =	sand.u32 s19, s17  }
0x200: {  	s20 =	scvt.s32.f32 s19  }
0x201: {  	p1 =	sne.s32 s18, $0x1  }
.Ltmp15:
0x202: {  	s20 =	sshra.s32 s20, $0x13;
	(pc) =	sbr.rel @!p1 .LBB2_15-.Ltmp15, $4  }
0x203: {  	s20 =	sand.u32 $0xFFFFFFF0, s20  }
0x204: {  	p0 =	seq.s32 s19, $0x80000000;
	s19 =	sadd.s32 $0xFFFFF810, s20  }
0x205: {  	v12 =	vld [tilespmem:$0x8000];
	s18 =	sadd.s32 $0xFFFFFFFF, s18;
	s19 =	simm.s32 @p0 $0x1F0  }
0x206: {  	v11 =	vld [tilespmem:$0x8010];
	p0 =	por $0x0, $0x0;
	s20 =	sadd.s32 s16, s19;
	s19 =	sand.u32 $0x70, s19  }
0x207: {  	s20 =	sand.u32 $0xFFFFFF80, s20  }
0x208: {  	s19 =	sor.u32 s19, s20  }
0x209: {  	v13 =	vld [tilespmem:s19+$0x4000];
	_ =	sdelay $0x4  }
0x20a: {  	v14 =	vperm.xlane v13, v6;
	_ =	sdelay $0x1  }
0x20b: {  	v15 =	vmin.f32 v13, v14;
	v13 =	vmax.f32 v13, v14  }
0x20c: {  	v13 =	vsel vm0, v15, v13  }
0x20d: {  	v14 =	vperm.xlane v13, v7;
	_ =	sdelay $0x1  }
0x20e: {  	v15 =	vmin.f32 v13, v14;
	v13 =	vmax.f32 v13, v14  }
0x20f: {  	v13 =	vsel vm1, v15, v13  }
0x210: {  	v14 =	vperm.xlane v13, v6;
	_ =	sdelay $0x1  }
0x211: {  	v15 =	vmin.f32 v13, v14;
	v13 =	vmax.f32 v13, v14  }
0x212: {  	v13 =	vsel vm2, v15, v13  }
0x213: {  	v14 =	vperm.xlane v13, v8;
	_ =	sdelay $0x1  }
0x214: {  	v15 =	vmin.f32 v13, v14;
	v13 =	vmax.f32 v13, v14  }
0x215: {  	v13 =	vsel vm3, v15, v13  }
0x216: {  	v14 =	vperm.xlane v13, v7;
	_ =	sdelay $0x1  }
0x217: {  	v15 =	vmin.f32 v13, v14;
	v13 =	vmax.f32 v13, v14  }
0x218: {  	v13 =	vsel vm4, v15, v13  }
0x219: {  	v14 =	vperm.xlane v13, v6;
	_ =	sdelay $0x1  }
0x21a: {  	v15 =	vmin.f32 v13, v14;
	v13 =	vmax.f32 v13, v14  }
0x21b: {  	v13 =	vsel vm5, v15, v13  }
0x21c: {  	v14 =	vperm.xlane v13, v2;
	_ =	sdelay $0x1  }
0x21d: {  	v15 =	vmin.f32 v13, v14;
	v13 =	vmax.f32 v13, v14  }
0x21e: {  	v13 =	vsel vm7, v15, v13  }
0x21f: {  	v14 =	vperm.xlane v13, v8;
	_ =	sdelay $0x1  }
0x220: {  	v15 =	vmin.f32 v13, v14;
	v13 =	vmax.f32 v13, v14  }
0x221: {  	v13 =	vsel vm6, v15, v13  }
0x222: {  	v14 =	vperm.xlane v13, v7;
	_ =	sdelay $0x1  }
0x223: {  	v15 =	vmin.f32 v13, v14;
	v13 =	vmax.f32 v13, v14  }
0x224: {  	v13 =	vsel vm8, v15, v13  }
0x225: {  	v14 =	vperm.xlane v13, v6;
	_ =	sdelay $0x1  }
0x226: {  	v15 =	vmin.f32 v13, v14;
	v13 =	vmax.f32 v13, v14  }
0x227: {  	v13 =	vsel vm9, v15, v13  }
0x228: {  	v13 =	vperm.xlane v13, v10;
	_ =	sdelay $0x1  }
0x229: {  	v12 =	vmax.f32 v12, v13  }
0x22a: {  	v13 =	vmin.f32 v12, v11  }
0x22b: {  	v12 =	vmax.f32 v12, v11;
	v14 =	vperm.xlane v13, v2  }
0x22c: {  	v15 =	vperm.xlane v12, v2  }
0x22d: {  	v16 =	vmin.f32 v13, v14;
	v13 =	vmax.f32 v13, v14  }
0x22e: {  	v14 =	vmin.f32 v12, v15;
	v12 =	vmax.f32 v12, v15;
	v13 =	vsel vm7, v16, v13  }
0x22f: {  	v12 =	vsel vm7, v14, v12;
	v15 =	vperm.xlane v13, v8  }
0x230: {  	s30 =	sadd.s32 $0xFFFFFFFF, s17;
	v14 =	vperm.xlane v12, v8  }
0x231: {  	s17 =	sand.u32 s17, s30;
	v16 =	vmin.f32 v13, v15;
	v13 =	vmax.f32 v13, v15  }
0x232: {  	s19 =	ssub.s32 $0x0, s17;
	v15 =	vmin.f32 v12, v14;
	v12 =	vmax.f32 v12, v14;
	v13 =	vsel vm6, v16, v13  }
0x233: {  	s19 =	sand.u32 s19, s17;
	v12 =	vsel vm6, v15, v12;
	v14 =	vperm.xlane v13, v7  }
0x234: {  	s31 =	scvt.s32.f32 s19;
	v15 =	vperm.xlane v12, v7  }
0x235: {  	p1 =	sne.s32 s18, $0x1;
	v16 =	vmin.f32 v13, v14;
	v13 =	vmax.f32 v13, v14  }
.Ltmp16:
0x236: {  	s20 =	sshra.s32 s31, $0x13;
	v14 =	vmin.f32 v12, v15;
	v12 =	vmax.f32 v12, v15;
	v13 =	vsel vm8, v16, v13;
	(pc) =	sbr.rel @!p1 .LBB2_18-.Ltmp16, $4  }
0x237: {  	s20 =	sand.u32 $0xFFFFFFF0, s20;
	v14 =	vsel vm8, v14, v12;
	v15 =	vperm.xlane v13, v6  }
0x238: {  	p0 =	seq.s32 s19, $0x80000000;
	s19 =	sadd.s32 $0xFFFFF810, s20;
	v63 =	vperm.xlane v14, v6  }
0x239: {  	s18 =	sadd.s32 $0xFFFFFFFF, s18;
	s19 =	simm.s32 @p0 $0x1F0;
	v12 =	vmin.f32 v13, v15;
	v13 =	vmax.f32 v13, v15  }
0x23a: {  	p0 =	por $0x1, $0x1;
	s20 =	sadd.s32 s16, s19;
	s19 =	sand.u32 $0x70, s19;
	v12 =	vsel vm9, v12, v13;
	v13 =	vmin.f32 v14, v63;
	v14 =	vmax.f32 v14, v63  }
.LBB2_17:
0x23b: {  	p1 =	sne.s32 s18, $0x1;
	s18 =	sadd.s32 $0xFFFFFFFF, s18;
	s20 =	sand.u32 $0xFFFFFF80, s20;
	v13 =	vsel vm9, v13, v14;
	[tilespmem:$0x8000] =	vst v12  }
0x23c: {  	s19 =	sor.u32 s19, s20;
	[tilespmem:$0x8010] =	vst v13  }
0x23d: {  	v14 =	vld [tilespmem:s19+$0x4000];
	_ =	sdelay $0x4  }
0x23e: {  	v15 =	vperm.xlane v14, v6;
	_ =	sdelay $0x1  }
0x23f: {  	v16 =	vmin.f32 v14, v15;
	v14 =	vmax.f32 v14, v15  }
0x240: {  	v14 =	vsel vm0, v16, v14  }
0x241: {  	v15 =	vperm.xlane v14, v7;
	_ =	sdelay $0x1  }
0x242: {  	v16 =	vmin.f32 v14, v15;
	v14 =	vmax.f32 v14, v15  }
0x243: {  	v14 =	vsel vm1, v16, v14  }
0x244: {  	v15 =	vperm.xlane v14, v6;
	_ =	sdelay $0x1  }
0x245: {  	v16 =	vmin.f32 v14, v15;
	v14 =	vmax.f32 v14, v15  }
0x246: {  	v14 =	vsel vm2, v16, v14  }
0x247: {  	v15 =	vperm.xlane v14, v8;
	_ =	sdelay $0x1  }
0x248: {  	v16 =	vmin.f32 v14, v15;
	v14 =	vmax.f32 v14, v15  }
0x249: {  	v14 =	vsel vm3, v16, v14  }
0x24a: {  	v15 =	vperm.xlane v14, v7;
	_ =	sdelay $0x1  }
0x24b: {  	v16 =	vmin.f32 v14, v15;
	v14 =	vmax.f32 v14, v15  }
0x24c: {  	v14 =	vsel vm4, v16, v14  }
0x24d: {  	v15 =	vperm.xlane v14, v6;
	_ =	sdelay $0x1  }
0x24e: {  	v16 =	vmin.f32 v14, v15;
	v14 =	vmax.f32 v14, v15  }
0x24f: {  	v14 =	vsel vm5, v16, v14  }
0x250: {  	v15 =	vperm.xlane v14, v2;
	_ =	sdelay $0x1  }
0x251: {  	v16 =	vmin.f32 v14, v15;
	v14 =	vmax.f32 v14, v15  }
0x252: {  	v14 =	vsel vm7, v16, v14  }
0x253: {  	v15 =	vperm.xlane v14, v8;
	_ =	sdelay $0x1  }
0x254: {  	v16 =	vmin.f32 v14, v15;
	v14 =	vmax.f32 v14, v15  }
0x255: {  	v14 =	vsel vm6, v16, v14  }
0x256: {  	v15 =	vperm.xlane v14, v7;
	_ =	sdelay $0x1  }
0x257: {  	v16 =	vmin.f32 v14, v15;
	v14 =	vmax.f32 v14, v15  }
0x258: {  	v14 =	vsel vm8, v16, v14  }
0x259: {  	v15 =	vperm.xlane v14, v6;
	_ =	sdelay $0x1  }
0x25a: {  	v16 =	vmin.f32 v14, v15;
	v14 =	vmax.f32 v14, v15  }
0x25b: {  	v14 =	vsel vm9, v16, v14  }
0x25c: {  	v14 =	vperm.xlane v14, v10;
	_ =	sdelay $0x1  }
0x25d: {  	v12 =	vmax.f32 v12, v14  }
0x25e: {  	v14 =	vmin.f32 v12, v13;
	v12 =	vmax.f32 v12, v13  }
0x25f: {  	v13 =	vperm.xlane v14, v2;
	v15 =	vperm.xlane v12, v2;
	_ =	sdelay $0x1  }
0x260: {  	v16 =	vmin.f32 v14, v13;
	v13 =	vmax.f32 v14, v13;
	v14 =	vmin.f32 v12, v15  }
0x261: {  	v12 =	vmax.f32 v12, v15;
	v13 =	vsel vm7, v16, v13  }
0x262: {  	v12 =	vsel vm7, v14, v12;
	v15 =	vperm.xlane v13, v8  }
0x263: {  	s19 =	sadd.s32 $0xFFFFFFFF, s17;
	v14 =	vperm.xlane v12, v8  }
0x264: {  	s17 =	sand.u32 s17, s19;
	v16 =	vmin.f32 v13, v15;
	v13 =	vmax.f32 v13, v15  }
0x265: {  	s19 =	ssub.s32 $0x0, s17;
	v15 =	vmin.f32 v12, v14;
	v12 =	vmax.f32 v12, v14;
	v13 =	vsel vm6, v16, v13  }
0x266: {  	s19 =	sand.u32 s19, s17;
	v12 =	vsel vm6, v15, v12;
	v14 =	vperm.xlane v13, v7  }
0x267: {  	s20 =	scvt.s32.f32 s19;
	v15 =	vperm.xlane v12, v7  }
0x268: {  	v16 =	vmin.f32 v13, v14;
	v13 =	vmax.f32 v13, v14  }
.Ltmp17:
0x269: {  	s20 =	sshra.s32 s20, $0x13;
	v14 =	vmin.f32 v12, v15;
	v12 =	vmax.f32 v12, v15;
	v13 =	vsel vm8, v16, v13;
	(pc) =	sbr.rel @p1 .LBB2_17-.Ltmp17, $4  }
0x26a: {  	s20 =	sand.u32 $0xFFFFFFF0, s20;
	v14 =	vsel vm8, v14, v12;
	v15 =	vperm.xlane v13, v6  }
0x26b: {  	p2 =	seq.s32 s19, $0x80000000;
	s19 =	sadd.s32 $0xFFFFF810, s20;
	v16 =	vperm.xlane v14, v6  }
0x26c: {  	s19 =	simm.s32 @p2 $0x1F0;
	v12 =	vmin.f32 v13, v15;
	v13 =	vmax.f32 v13, v15  }
0x26d: {  	s20 =	sadd.s32 s16, s19;
	s19 =	sand.u32 $0x70, s19;
	v12 =	vsel vm9, v12, v13;
	v13 =	vmin.f32 v14, v16;
	v14 =	vmax.f32 v14, v16  }
.LBB2_18:
0x26e: {  	s16 =	sand.u32 $0xFFFFFF80, s20;
	v13 =	vsel @p0 vm9, v13, v14;
	[tilespmem:$0x8000] =	vst @p0 v12  }
0x26f: {  	s16 =	sor.u32 s19, s16;
	[tilespmem:$0x8010] =	vst @p0 v13  }
0x270: {  	v43 =	vld [tilespmem:s16+$0x4000];
	_ =	sdelay $0x4  }
0x271: {  	v15 =	vperm.xlane v43, v6;
	_ =	sdelay $0x1  }
0x272: {  	v16 =	vmin.f32 v43, v15;
	v14 =	vmax.f32 v43, v15  }
0x273: {  	v14 =	vsel vm0, v16, v14  }
0x274: {  	v44 =	vperm.xlane v14, v7;
	_ =	sdelay $0x1  }
0x275: {  	v16 =	vmin.f32 v14, v44;
	v14 =	vmax.f32 v14, v44  }
0x276: {  	v14 =	vsel vm1, v16, v14  }
0x277: {  	v45 =	vperm.xlane v14, v6;
	_ =	sdelay $0x1  }
0x278: {  	v16 =	vmin.f32 v14, v45;
	v14 =	vmax.f32 v14, v45  }
0x279: {  	v14 =	vsel vm2, v16, v14  }
0x27a: {  	v46 =	vperm.xlane v14, v8;
	_ =	sdelay $0x1  }
0x27b: {  	v16 =	vmin.f32 v14, v46;
	v14 =	vmax.f32 v14, v46  }
0x27c: {  	v14 =	vsel vm3, v16, v14  }
0x27d: {  	v47 =	vperm.xlane v14, v7;
	_ =	sdelay $0x1  }
0x27e: {  	v16 =	vmin.f32 v14, v47;
	v14 =	vmax.f32 v14, v47  }
0x27f: {  	v14 =	vsel vm4, v16, v14  }
0x280: {  	v48 =	vperm.xlane v14, v6;
	_ =	sdelay $0x1  }
0x281: {  	v16 =	vmin.f32 v14, v48;
	v14 =	vmax.f32 v14, v48  }
0x282: {  	v14 =	vsel vm5, v16, v14  }
0x283: {  	v49 =	vperm.xlane v14, v2;
	_ =	sdelay $0x1  }
0x284: {  	v16 =	vmin.f32 v14, v49;
	v14 =	vmax.f32 v14, v49  }
0x285: {  	v14 =	vsel vm7, v16, v14  }
0x286: {  	v50 =	vperm.xlane v14, v8;
	_ =	sdelay $0x1  }
0x287: {  	v16 =	vmin.f32 v14, v50;
	v14 =	vmax.f32 v14, v50  }
0x288: {  	v14 =	vsel vm6, v16, v14  }
0x289: {  	v51 =	vperm.xlane v14, v7;
	_ =	sdelay $0x1  }
0x28a: {  	v16 =	vmin.f32 v14, v51;
	v14 =	vmax.f32 v14, v51  }
0x28b: {  	v14 =	vsel vm8, v16, v14  }
0x28c: {  	v52 =	vperm.xlane v14, v6;
	_ =	sdelay $0x1  }
0x28d: {  	v16 =	vmin.f32 v14, v52;
	v14 =	vmax.f32 v14, v52  }
0x28e: {  	v14 =	vsel vm9, v16, v14  }
0x28f: {  	v14 =	vperm.xlane v14, v10;
	_ =	sdelay $0x1  }
0x290: {  	v11 =	vpsel p0, v13, v11;
	v53 =	vmax.f32 v12, v14  }
0x291: {  	v13 =	vmin.f32 v53, v11  }
0x292: {  	v54 =	vperm.xlane v13, v2;
	_ =	sdelay $0x1  }
0x293: {  	v55 =	vmin.f32 v13, v54;
	v13 =	vmax.f32 v13, v54  }
0x294: {  	v13 =	vsel vm7, v55, v13  }
0x295: {  	v56 =	vperm.xlane v13, v8;
	_ =	sdelay $0x1  }
0x296: {  	v15 =	vmin.f32 v13, v56;
	v13 =	vmax.f32 v13, v56  }
0x297: {  	v13 =	vsel vm6, v15, v13  }
0x298: {  	v57 =	vperm.xlane v13, v7;
	_ =	sdelay $0x1  }
0x299: {  	v15 =	vmin.f32 v13, v57;
	v13 =	vmax.f32 v13, v57  }
0x29a: {  	v13 =	vsel vm8, v15, v13  }
0x29b: {  	v58 =	vperm.xlane v13, v6  }
0x29c: {  	v11 =	vmax.f32 v53, v11  }
0x29d: {  	v12 =	vperm.xlane v11, v2;
	v15 =	vmin.f32 v13, v58  }
0x29e: {  	(v2sf) =	vpush v15, $0x0  }
0x29f: {  	v59 =	vmin.f32 v11, v12;
	v11 =	vmax.f32 v11, v12  }
0x2a0: {  	v11 =	vsel vm7, v59, v11  }
0x2a1: {  	v60 =	vperm.xlane v11, v8;
	_ =	sdelay $0x1  }
0x2a2: {  	v16 =	vmin.f32 v11, v60;
	v11 =	vmax.f32 v11, v60  }
0x2a3: {  	v11 =	vsel vm6, v16, v11  }
0x2a4: {  	v61 =	vperm.xlane v11, v7;
	_ =	sdelay $0x1  }
0x2a5: {  	v16 =	vmin.f32 v11, v61;
	v11 =	vmax.f32 v11, v61  }
0x2a6: {  	v11 =	vsel vm8, v16, v11  }
.Ltmp18:
0x2a7: {  	v62 =	vperm.xlane v11, v6;
	(pc) =	sbr.rel .LBB2_19-.Ltmp18, $4  }
0x2a8: {  	v13 =	vmax.f32 v13, v58  }
0x2a9: {  	v63 =	vmin.f32 v11, v62;
	v11 =	vmax.f32 v11, v62;
	v13 =	vsel vm9, v15, v13  }
0x2aa: {  	v11 =	vsel vm9, v63, v11;
	[tilespmem:$0x8000] =	vst v13  }
0x2ab: {  	[tilespmem:$0x8010] =	vst v11;
	s17 =	spop (v2sf)  }
.LBB2_15:
.Ltmp19:
0x2ac: {  	(pc) =	sbr.rel .LBB2_18-.Ltmp19, $2  }
0x2ad: {  	_ =	sdelay $0x2  }
0x2ae: {  	_ = 	snop  }
.LBB2_22:
0x2af: {  	_ =	sfence.sel $0x180000  }
0x2b0: {  	[bflag:$0x0] =	sbarrier.arrive $0xFFFF  }
0x2b1: {  	p0 =	sne.s32 s1, $0x0;
	_ =	strace $0x90000047  }
0x2b2: {  	s0 =	sadd.s32 @!p0 $0x100000, s0;
	[bflag:$0x2] =	sbarrier.arrive $0xFFFF  }
0x2b3: {  	[sflag:s0] =	ssyncadd.tile.s32 @!p0 $0x1;
	_ =	shalt  }
.Lfunc_end2:
_tile_overlayer_lowered:
.L_overlay_start_2:
0x2b4: {  	(tag) =	ssettag $0x2  }
0x2b5: {  	s0 =	rddreg [dreg:$0x0];
	s2 =	stileid.u32  }
0x2b6: {  	s1 =	rddreg [dreg:$0x1];
	p0 =	sne.s32 s2, $0x0  }
0x2b7: {  	s3 =	rddreg [dreg:$0x2];
	[bflag:$0x3] =	sbarrier.arrive $0xFFFF;
	s2 =	simm.s32 @!p0 $0x1C03  }
0x2b8: {  	[timem:s3], [sflag:s2] =	dma.local @!p0 [hbm:s0], s1  }
0x2b9: {  	s0 =	simm.s32 @!p0 $0x3  }
0x2ba: {  	_ =	swait.ge @!p0 [sflag:s0], s1  }
0x2bb: {  	s1 =	ssub.s32 @!p0 $0x0, s1;
	[sflag:s0] =	ssyncset.done @!p0 $0x0  }
0x2bc: {  	[sflag:s0] =	ssyncadd.s32 @!p0 s1  }
0x2bd: {  	[bflag:$0x3] =	sbarrier.arrive $0xFFFF  }
0x2be: {  	_ =	shalt  }

</sc_bundles>
